<compile_context>
chip_gen: v7x
topology: tpu7x:2x2x1
jax: 0.10.2.dev20260603
libtpu: 0.0.44.dev20260713+nightly
codegen_flags: <defaults>
</compile_context>

<pallas_src>
import functools

import jax
import jax.numpy as jnp
from jax import lax
from jax.experimental import pallas as pl
from jax.experimental.pallas import tpu as pltpu, tpu_sc as plsc

N_NODES = 10000
N_EDGES = 320000
D_FEAT = 128
HIDDEN = 128
N_CLASSES = 40

NC = 2
NS = 16
LANES = 16

EDGES_PER_TILE = N_EDGES // (NC * NS)
KBLK = 40
NBLK = EDGES_PER_TILE // KBLK
NB_CH = 50
NCHUNK = NBLK // NB_CH
CH_EDGES = NB_CH * KBLK


@functools.cache
def _mesh():
    return plsc.VectorSubcoreMesh(
        core_axis_name="c", subcore_axis_name="s", num_cores=NC, num_subcores=NS
    )


def _deg_body(dst_hbm, out_hbm, dst_v, hist_v):
    c = lax.axis_index("c")
    s = lax.axis_index("s")
    w = c * NS + s
    base = pl.multiple_of(w * EDGES_PER_TILE, 8)
    pltpu.sync_copy(dst_hbm.at[pl.ds(base, EDGES_PER_TILE)], dst_v)
    zeros = jnp.zeros((LANES,), jnp.float32)

    def zbody(i, _):
        hist_v[pl.ds(i * LANES, LANES)] = zeros
        return 0

    lax.fori_loop(0, N_NODES // LANES, zbody, 0)
    ones = jnp.ones((LANES,), jnp.float32)

    def body(i, _):
        idx = dst_v[pl.ds(i * LANES, LANES)]
        plsc.addupdate_scatter(hist_v, [idx], ones)
        return 0

    lax.fori_loop(0, EDGES_PER_TILE // LANES, body, 0)
    pltpu.sync_copy(hist_v, out_hbm.at[w])


@functools.cache
def _deg_call():
    return pl.kernel(
        _deg_body,
        out_type=jax.ShapeDtypeStruct((NC * NS, N_NODES), jnp.float32),
        mesh=_mesh(),
        scratch_types=[
            pltpu.VMEM((EDGES_PER_TILE,), jnp.int32),
            pltpu.VMEM((N_NODES,), jnp.float32),
        ],
        compiler_params=pltpu.CompilerParams(needs_layout_passes=False),
    )


RCHUNK = 624
RLAST = N_NODES - (NS - 1) * RCHUNK


def _stage(s, src_view, dst_view):
    r0 = pl.multiple_of(s * RCHUNK, 8)

    @pl.when(s < NS - 1)
    def _():
        pltpu.sync_copy(src_view.at[pl.ds(r0, RCHUNK)],
                        dst_view.at[pl.ds(r0, RCHUNK)])

    @pl.when(s == NS - 1)
    def _():
        pltpu.sync_copy(src_view.at[pl.ds((NS - 1) * RCHUNK, RLAST)],
                        dst_view.at[pl.ds((NS - 1) * RCHUNK, RLAST)])


NBUF = 3
NTRI = NB_CH // NBUF - 1


def _agg_body(src_hbm, dst_hbm, y_hbm, out_hbm, src_v, dstb,
              gbuf0, gbuf1, gbuf2, acc_sh,
              gsem0, gsem1, gsem2, ssem0, ssem1, ssem2, dsem0, dsem1, dsem2):
    c = lax.axis_index("c")
    s = lax.axis_index("s")
    gbufs = (gbuf0, gbuf1, gbuf2)
    gsems = (gsem0, gsem1, gsem2)
    ssems = (ssem0, ssem1, ssem2)
    dsems = (dsem0, dsem1, dsem2)
    _stage(s, y_hbm, acc_sh)
    plsc.subcore_barrier()

    tile_base = (c * NS + s) * EDGES_PER_TILE

    def chunk(ch, _):
        chbase = pl.multiple_of(tile_base + ch * CH_EDGES, 8)
        pltpu.sync_copy(src_hbm.at[pl.ds(chbase, CH_EDGES)], src_v)

        def d_start(j, b):
            off = pl.multiple_of(chbase + j * KBLK, 8)
            pltpu.async_copy(dst_hbm.at[pl.ds(off, KBLK)],
                             dstb.at[b], dsems[b])

        def d_wait(b):
            pltpu.make_async_copy(dst_hbm.at[pl.ds(0, KBLK)],
                                  dstb.at[b], dsems[b]).wait()

        def g_start(j, b):
            idx = src_v.at[pl.ds(j * KBLK, KBLK)]
            pltpu.async_copy(y_hbm.at[idx], gbufs[b], gsems[b])

        def g_wait(b):
            idx = src_v.at[pl.ds(0, KBLK)]
            pltpu.make_async_copy(y_hbm.at[idx], gbufs[b], gsems[b]).wait()

        def s_start(b):
            pltpu.async_copy(gbufs[b], acc_sh.at[dstb.at[b]], ssems[b],
                             add=True)

        def s_wait(b):
            pltpu.make_async_copy(gbufs[b], acc_sh.at[dstb.at[0]],
                                  ssems[b]).wait()

        for b in range(NBUF):
            d_start(b, b)
            g_start(b, b)

        def triple(t, _):
            j = NBUF * t
            for b in range(NBUF):
                d_wait(b)
                g_wait(b)
                s_start(b)
                s_wait(b)
                d_start(j + NBUF + b, b)
                g_start(j + NBUF + b, b)
            return 0

        lax.fori_loop(0, NTRI, triple, 0)
        for b in range(NBUF):
            d_wait(b)
            g_wait(b)
            s_start(b)
            if b < NB_CH - NBUF * (NTRI + 1):
                s_wait(b)
                d_start(NBUF * (NTRI + 1) + b, b)
                g_start(NBUF * (NTRI + 1) + b, b)
        for b in range(NB_CH - NBUF * (NTRI + 1)):
            d_wait(b)
            g_wait(b)
            s_start(b)
        for b in range(NBUF):
            s_wait(b)
        return 0

    lax.fori_loop(0, NCHUNK, chunk, 0)
    plsc.subcore_barrier()
    _stage(s, acc_sh, out_hbm.at[c])


@functools.cache
def _agg_call():
    return pl.kernel(
        _agg_body,
        out_type=jax.ShapeDtypeStruct((NC, N_NODES, D_FEAT), jnp.float32),
        mesh=_mesh(),
        scratch_types=(
            [pltpu.VMEM((CH_EDGES,), jnp.int32)]
            + [pltpu.VMEM((NBUF, KBLK), jnp.int32)]
            + [pltpu.VMEM((KBLK, D_FEAT), jnp.float32)] * NBUF
            + [pltpu.MemorySpace.VMEM_SHARED((N_NODES, D_FEAT), jnp.float32)]
            + [pltpu.SemaphoreType.DMA] * (3 * NBUF)
        ),
    )


MBLK = 1000
GRID = N_NODES // MBLK


def _mm1_body(deg_ref, x_ref, w_ref, y_ref, dinv_ref):
    deg = jnp.sum(deg_ref[...], axis=1) + 1.0
    dinv = lax.rsqrt(deg)[:, None]
    xw = jnp.dot(x_ref[...], w_ref[...], preferred_element_type=jnp.float32)
    y_ref[...] = xw * dinv
    dinv_ref[...] = dinv


def _mid_body(agg_ref, y_ref, dinv_ref, b1_ref, w_ref, out_ref):
    a = agg_ref[0] + agg_ref[1] - y_ref[...]
    dinv = dinv_ref[...]
    h = jnp.maximum(a * dinv + b1_ref[...], 0.0)
    out_ref[...] = jnp.dot(h, w_ref[...], preferred_element_type=jnp.float32) * dinv


def _head_body(agg_ref, y_ref, dinv_ref, b2_ref, w3_ref, b3_ref, out_ref):
    a = agg_ref[0] + agg_ref[1] - y_ref[...]
    h = jnp.maximum(a * dinv_ref[...] + b2_ref[...], 0.0)
    out_ref[...] = (
        jnp.dot(h, w3_ref[...], preferred_element_type=jnp.float32) + b3_ref[...]
    )


def _mm1(degs, x, W1):
    return pl.pallas_call(
        _mm1_body,
        grid=(GRID,),
        in_specs=[
            pl.BlockSpec((MBLK, NC * NS), lambda i: (i, 0)),
            pl.BlockSpec((MBLK, D_FEAT), lambda i: (i, 0)),
            pl.BlockSpec((D_FEAT, HIDDEN), lambda i: (0, 0)),
        ],
        out_specs=[
            pl.BlockSpec((MBLK, HIDDEN), lambda i: (i, 0)),
            pl.BlockSpec((MBLK, 1), lambda i: (i, 0)),
        ],
        out_shape=[
            jax.ShapeDtypeStruct((N_NODES, HIDDEN), jnp.float32),
            jax.ShapeDtypeStruct((N_NODES, 1), jnp.float32),
        ],
    )(degs, x, W1)


def _mid(agg1, y1, dinv, b1, W2):
    return pl.pallas_call(
        _mid_body,
        grid=(GRID,),
        in_specs=[
            pl.BlockSpec((NC, MBLK, HIDDEN), lambda i: (0, i, 0)),
            pl.BlockSpec((MBLK, HIDDEN), lambda i: (i, 0)),
            pl.BlockSpec((MBLK, 1), lambda i: (i, 0)),
            pl.BlockSpec((1, HIDDEN), lambda i: (0, 0)),
            pl.BlockSpec((HIDDEN, HIDDEN), lambda i: (0, 0)),
        ],
        out_specs=pl.BlockSpec((MBLK, HIDDEN), lambda i: (i, 0)),
        out_shape=jax.ShapeDtypeStruct((N_NODES, HIDDEN), jnp.float32),
    )(agg1, y1, dinv, b1, W2)


def _head(agg2, y2, dinv, b2, W3, b3):
    return pl.pallas_call(
        _head_body,
        grid=(GRID,),
        in_specs=[
            pl.BlockSpec((NC, MBLK, HIDDEN), lambda i: (0, i, 0)),
            pl.BlockSpec((MBLK, HIDDEN), lambda i: (i, 0)),
            pl.BlockSpec((MBLK, 1), lambda i: (i, 0)),
            pl.BlockSpec((1, HIDDEN), lambda i: (0, 0)),
            pl.BlockSpec((HIDDEN, N_CLASSES), lambda i: (0, 0)),
            pl.BlockSpec((1, N_CLASSES), lambda i: (0, 0)),
        ],
        out_specs=pl.BlockSpec((MBLK, N_CLASSES), lambda i: (i, 0)),
        out_shape=jax.ShapeDtypeStruct((N_NODES, N_CLASSES), jnp.float32),
    )(agg2, y2, dinv, b2, W3, b3)


def kernel(x, edge_index, W1, b1, W2, b2, W3, b3):
    ei = edge_index.astype(jnp.int32)

    src1d = ei[0]
    dst1d = ei[1]
    degs = _deg_call()(dst1d)
    y1, dinv = _mm1(degs.T, x, W1)
    agg1 = _agg_call()(src1d, dst1d, y1)
    y2 = _mid(agg1, y1, dinv, b1.reshape(1, HIDDEN), W2)
    agg2 = _agg_call()(src1d, dst1d, y2)
    logits = _head(agg2, y2, dinv, b2.reshape(1, HIDDEN), W3,
                   b3.reshape(1, N_CLASSES))
    return logits

# --- scband reference (transcript-rebuilt; emitter-appended) ---
"""Pipeline reference for scband-gnnclassifier-8864812499043 (READ-ONLY COPY).

The authoritative reference and input builder live on the scoring server;
editing this copy changes nothing except your own understanding.
"""

import jax, jax.numpy as jnp
import numpy as np

N_NODES = 10000
N_EDGES = 320000
D_FEAT = 128
HIDDEN = 128
N_CLASSES = 40


def setup_inputs(seed: int = 0) -> dict:
    key = jax.random.key(seed)
    ks = jax.random.split(key, 8)
    x = jax.random.normal(ks[0], (N_NODES, D_FEAT), dtype=jnp.float32)
    edge_index = jax.random.randint(ks[1], (2, N_EDGES), 0, N_NODES, dtype=jnp.int64)
    s1 = 1.0 / np.sqrt(D_FEAT)
    s2 = 1.0 / np.sqrt(HIDDEN)
    W1 = jax.random.uniform(ks[2], (D_FEAT, HIDDEN), jnp.float32, -s1, s1)
    b1 = jnp.zeros((HIDDEN,), jnp.float32)
    W2 = jax.random.uniform(ks[3], (HIDDEN, HIDDEN), jnp.float32, -s2, s2)
    b2 = jnp.zeros((HIDDEN,), jnp.float32)
    W3 = jax.random.uniform(ks[4], (HIDDEN, N_CLASSES), jnp.float32, -s2, s2)
    b3 = jax.random.uniform(ks[5], (N_CLASSES,), jnp.float32, -s2, s2)
    return {"x": x, "edge_index": edge_index, "W1": W1, "b1": b1, "W2": W2, "b2": b2, "W3": W3, "b3": b3}


def _gcn_conv(x, src, dst, norm, W, b, n):
    # GCNConv: x @ W, then symmetric-normalized aggregation over (A + I), then bias
    xw = x @ W
    msg = jnp.take(xw, src, axis=0) * norm[:, None]
    out = jnp.zeros((n, xw.shape[1]), xw.dtype).at[dst].add(msg)
    return out + b


def reference(x, edge_index, W1, b1, W2, b2, W3, b3):
    n = x.shape[0]
    loops = jnp.arange(n, dtype=edge_index.dtype)
    src = jnp.concatenate([edge_index[0], loops])
    dst = jnp.concatenate([edge_index[1], loops])
    deg = jnp.zeros((n,), jnp.float32).at[dst].add(1.0)
    dinv = jnp.where(deg > 0, 1.0 / jnp.sqrt(deg), 0.0)
    norm = jnp.take(dinv, src) * jnp.take(dinv, dst)
    # GCN backbone (2 layers, dropout=identity in eval mode)
    h = _gcn_conv(x, src, dst, norm, W1, b1, n)
    h = jax.nn.relu(h)
    h = _gcn_conv(h, src, dst, norm, W2, b2, n)
    # head: ReLU -> Dropout(eval: identity) -> Linear
    logits = jax.nn.relu(h) @ W3 + b3
    return logits

if __name__ == "__main__":
    import jax
    _d = setup_inputs()
    print(jax.jit(kernel)(*tuple(_d.values())))

</pallas_src>

<mosaic_0001>
#map = affine_map<(d0, d1) -> (0)>
#map1 = affine_map<(d0, d1) -> (0, 0)>
module attributes {stable_mosaic.version = 14 : i64} {
  func.func @_deg_body(%arg0: i32, %arg1: i32, %arg2: memref<320000xi32, #tpu.memory_space<hbm>>, %arg3: memref<32x10000xf32, #tpu.memory_space<hbm>>, %arg4: memref<10000xi32, #tpu.memory_space<vmem>>, %arg5: memref<10000xf32, #tpu.memory_space<vmem>>) attributes {dimension_semantics = [#tpu.dimension_semantics<core_parallel>, #tpu.dimension_semantics<subcore_parallel>], iteration_bounds = array<i64: 2, 16>, scalar_prefetch = 0 : i64, scratch_operands = 2 : i64, tpu.core_type = #tpu.core_type<sc_vector_subcore>, window_params = [{transform_indices = #map}, {transform_indices = #map1}]} {
    %mul3A = arith.constant 16 : i32
    %mul3A_0 = arith.muli %arg0, %mul3A : i32
    %add3A = arith.addi %mul3A_0, %arg1 : i32
    %mul3A_1 = arith.constant 10000 : i32
    %mul3A_2 = arith.muli %add3A, %mul3A_1 : i32
    %multiple_of3A = tpu.assume_multiple %mul3A_2, 8 : i32
    "tpu.region"() ({
      %run_scoped3A = tpu.sem_alloc : memref<!tpu.dma_semaphore, #tpu.memory_space<semaphore_mem>>
      %dma_start3A = tpu.memref_slice %arg2[%multiple_of3A] : memref<320000xi32, #tpu.memory_space<hbm>> -> memref<10000xi32, #tpu.memory_space<hbm>>
      %dma_start3A_19 = tpu.memref_slice %arg2[%multiple_of3A] : memref<320000xi32, #tpu.memory_space<hbm>> -> memref<10000xi32, #tpu.memory_space<hbm>>
      tpu.enqueue_dma source(%dma_start3A_19 : memref<10000xi32, #tpu.memory_space<hbm>>) target(%arg4 : memref<10000xi32, #tpu.memory_space<vmem>>) target_semaphore(%run_scoped3A : memref<!tpu.dma_semaphore, #tpu.memory_space<semaphore_mem>>)
      %dma_wait3A = tpu.memref_slice %arg2[%multiple_of3A] : memref<320000xi32, #tpu.memory_space<hbm>> -> memref<10000xi32, #tpu.memory_space<hbm>>
      %dma_wait3A_20 = tpu.memref_slice %arg2[%multiple_of3A] : memref<320000xi32, #tpu.memory_space<hbm>> -> memref<10000xi32, #tpu.memory_space<hbm>>
      tpu.wait_dma2 semaphore(%run_scoped3A : memref<!tpu.dma_semaphore, #tpu.memory_space<semaphore_mem>>) src(%dma_wait3A_20 : memref<10000xi32, #tpu.memory_space<hbm>>) dst(%arg4 : memref<10000xi32, #tpu.memory_space<vmem>>)
      tpu.yield
    }) : () -> ()
    %broadcast_in_dim3A = arith.constant 0.000000e+00 : f32
    %broadcast_in_dim3A_3 = vector.broadcast %broadcast_in_dim3A : f32 to vector<16xf32>
    %scan3A = arith.constant 0 : i32
    %scan3A_4 = arith.constant 0 : i32
    %scan3A_5 = arith.constant 625 : i32
    %scan3A_6 = arith.addi %scan3A_4, %scan3A_5 : i32
    %scan3A_7 = arith.constant 1 : i32
    %scan3A_8 = scf.for %scan3A_19 = %scan3A_4 to %scan3A_6 step %scan3A_7 iter_args(%scan3A_20 = %scan3A) -> (i32)  : i32 {
      %mul3A_21 = arith.constant 16 : i32
      %mul3A_22 = arith.muli %scan3A_19, %mul3A_21 : i32
      %swap3A = arith.index_cast %mul3A_22 : i32 to index
      %swap3A_23 = tpu.vector_load %arg5[%swap3A] {strides = array<i32>} : memref<10000xf32, #tpu.memory_space<vmem>>, vector<16xf32>,
      tpu.vector_store %arg5[%swap3A], %broadcast_in_dim3A_3 {strides = array<i32>} : memref<10000xf32, #tpu.memory_space<vmem>>, vector<16xf32>,
      %scan3A_24 = arith.constant 0 : i32
      scf.yield %scan3A_24 : i32
    }
    %scan3A_9 = arith.constant 625 : i32
    %broadcast_in_dim3A_10 = arith.constant 1.000000e+00 : f32
    %broadcast_in_dim3A_11 = vector.broadcast %broadcast_in_dim3A_10 : f32 to vector<16xf32>
    %scan3A_12 = arith.constant 0 : i32
    %scan3A_13 = arith.constant 0 : i32
    %scan3A_14 = arith.constant 625 : i32
    %scan3A_15 = arith.addi %scan3A_13, %scan3A_14 : i32
    %scan3A_16 = arith.constant 1 : i32
    %scan3A_17 = scf.for %scan3A_19 = %scan3A_13 to %scan3A_15 step %scan3A_16 iter_args(%scan3A_20 = %scan3A_12) -> (i32)  : i32 {
      %mul3A_21 = arith.constant 16 : i32
      %mul3A_22 = arith.muli %scan3A_19, %mul3A_21 : i32
      %get3A = arith.index_cast %mul3A_22 : i32 to index
      %get3A_23 = tpu.vector_load %arg4[%get3A] {strides = array<i32>} : memref<10000xi32, #tpu.memory_space<vmem>>, vector<16xi32>,
      tpu.vector_store_idx %arg5[%get3A_23], %broadcast_in_dim3A_11 {add = true} : memref<10000xf32, #tpu.memory_space<vmem>>[vector<16xi32>], vector<16xf32>,
      %scan3A_24 = arith.constant 0 : i32
      scf.yield %scan3A_24 : i32
    }
    %scan3A_18 = arith.constant 625 : i32
    "tpu.region"() ({
      %run_scoped3A = tpu.sem_alloc : memref<!tpu.dma_semaphore, #tpu.memory_space<semaphore_mem>>
      %dma_start3A = arith.constant 0 : i32
      %dma_start3A_19 = tpu.memref_slice %arg3[%add3A, %dma_start3A] : memref<32x10000xf32, #tpu.memory_space<hbm>> -> memref<1x10000xf32, #tpu.memory_space<hbm>>
      %dma_start3A_20 = tpu.memref_squeeze %dma_start3A_19 : memref<1x10000xf32, #tpu.memory_space<hbm>> -> memref<10000xf32, #tpu.memory_space<hbm>>
      %dma_start3A_21 = arith.constant 0 : i32
      %dma_start3A_22 = tpu.memref_slice %arg3[%add3A, %dma_start3A_21] : memref<32x10000xf32, #tpu.memory_space<hbm>> -> memref<1x10000xf32, #tpu.memory_space<hbm>>
      %dma_start3A_23 = tpu.memref_squeeze %dma_start3A_22 : memref<1x10000xf32, #tpu.memory_space<hbm>> -> memref<10000xf32, #tpu.memory_space<hbm>>
      tpu.enqueue_dma source(%arg5 : memref<10000xf32, #tpu.memory_space<vmem>>) target(%dma_start3A_23 : memref<10000xf32, #tpu.memory_space<hbm>>) target_semaphore(%run_scoped3A : memref<!tpu.dma_semaphore, #tpu.memory_space<semaphore_mem>>)
      %dma_wait3A = arith.constant 0 : i32
      %dma_wait3A_24 = tpu.memref_slice %arg3[%add3A, %dma_wait3A] : memref<32x10000xf32, #tpu.memory_space<hbm>> -> memref<1x10000xf32, #tpu.memory_space<hbm>>
      %dma_wait3A_25 = tpu.memref_squeeze %dma_wait3A_24 : memref<1x10000xf32, #tpu.memory_space<hbm>> -> memref<10000xf32, #tpu.memory_space<hbm>>
      %dma_wait3A_26 = arith.constant 0 : i32
      %dma_wait3A_27 = tpu.memref_slice %arg3[%add3A, %dma_wait3A_26] : memref<32x10000xf32, #tpu.memory_space<hbm>> -> memref<1x10000xf32, #tpu.memory_space<hbm>>
      %dma_wait3A_28 = tpu.memref_squeeze %dma_wait3A_27 : memref<1x10000xf32, #tpu.memory_space<hbm>> -> memref<10000xf32, #tpu.memory_space<hbm>>
      tpu.wait_dma2 semaphore(%run_scoped3A : memref<!tpu.dma_semaphore, #tpu.memory_space<semaphore_mem>>) src(%arg5 : memref<10000xf32, #tpu.memory_space<vmem>>) dst(%dma_wait3A_28 : memref<10000xf32, #tpu.memory_space<hbm>>)
      tpu.yield
    }) : () -> ()
    return
  }
}

#map = affine_map<(d0, d1) -> (0)>
#map1 = affine_map<(d0, d1) -> (0, 0)>
#map2 = affine_map<(d0, d1) -> (0, 0, 0)>
module attributes {stable_mosaic.version = 14 : i64} {
  func.func @_agg_body(%arg0: i32, %arg1: i32, %arg2: memref<320000xi32, #tpu.memory_space<hbm>>, %arg3: memref<320000xi32, #tpu.memory_space<hbm>>, %arg4: memref<10000x128xf32, #tpu.memory_space<hbm>>, %arg5: memref<2x10000x128xf32, #tpu.memory_space<hbm>>, %arg6: memref<2000xi32, #tpu.memory_space<vmem>>, %arg7: memref<3x40xi32, #tpu.memory_space<vmem>>, %arg8: memref<40x128xf32, #tpu.memory_space<vmem>>, %arg9: memref<40x128xf32, #tpu.memory_space<vmem>>, %arg10: memref<40x128xf32, #tpu.memory_space<vmem>>, %arg11: memref<10000x128xf32, #tpu.memory_space<vmem_shared>>, %arg12: memref<!tpu.dma_semaphore, #tpu.memory_space<semaphore_mem>>, %arg13: memref<!tpu.dma_semaphore, #tpu.memory_space<semaphore_mem>>, %arg14: memref<!tpu.dma_semaphore, #tpu.memory_space<semaphore_mem>>, %arg15: memref<!tpu.dma_semaphore, #tpu.memory_space<semaphore_mem>>, %arg16: memref<!tpu.dma_semaphore, #tpu.memory_space<semaphore_mem>>, %arg17: memref<!tpu.dma_semaphore, #tpu.memory_space<semaphore_mem>>, %arg18: memref<!tpu.dma_semaphore, #tpu.memory_space<semaphore_mem>>, %arg19: memref<!tpu.dma_semaphore, #tpu.memory_space<semaphore_mem>>, %arg20: memref<!tpu.dma_semaphore, #tpu.memory_space<semaphore_mem>>) attributes {dimension_semantics = [#tpu.dimension_semantics<core_parallel>, #tpu.dimension_semantics<subcore_parallel>], iteration_bounds = array<i64: 2, 16>, scalar_prefetch = 0 : i64, scratch_operands = 15 : i64, tpu.core_type = #tpu.core_type<sc_vector_subcore>, window_params = [{transform_indices = #map}, {transform_indices = #map}, {transform_indices = #map1}, {transform_indices = #map2}]} {
    %mul3A = arith.constant 624 : i32
    %mul3A_0 = arith.muli %arg1, %mul3A : i32
    %multiple_of3A = tpu.assume_multiple %mul3A_0, 8 : i32
    %lt3A = arith.constant 15 : i32
    %lt3A_1 = arith.cmpi slt, %arg1, %lt3A : i32
    %convert_element_type3A = arith.extui %lt3A_1 : i1 to i32
    %cond3A = arith.constant 0 : i32
    %cond3A_2 = arith.cmpi ne, %convert_element_type3A, %cond3A : i32
    scf.if %cond3A_2 {
      "tpu.region"() ({
        %run_scoped3A = tpu.sem_alloc : memref<!tpu.dma_semaphore, #tpu.memory_space<semaphore_mem>>
        %dma_start3A = arith.constant 0 : i32
        %dma_start3A_31 = tpu.memref_slice %arg11[%multiple_of3A, %dma_start3A] : memref<10000x128xf32, #tpu.memory_space<vmem_shared>> -> memref<624x128xf32, #tpu.memory_space<vmem_shared>>
        %dma_start3A_32 = arith.constant 0 : i32
        %dma_start3A_33 = tpu.memref_slice %arg4[%multiple_of3A, %dma_start3A_32] : memref<10000x128xf32, #tpu.memory_space<hbm>> -> memref<624x128xf32, #tpu.memory_space<hbm>>
        tpu.enqueue_dma source(%dma_start3A_33 : memref<624x128xf32, #tpu.memory_space<hbm>>) target(%dma_start3A_31 : memref<624x128xf32, #tpu.memory_space<vmem_shared>>) target_semaphore(%run_scoped3A : memref<!tpu.dma_semaphore, #tpu.memory_space<semaphore_mem>>)
        %dma_wait3A = arith.constant 0 : i32
        %dma_wait3A_34 = tpu.memref_slice %arg11[%multiple_of3A, %dma_wait3A] : memref<10000x128xf32, #tpu.memory_space<vmem_shared>> -> memref<624x128xf32, #tpu.memory_space<vmem_shared>>
        %dma_wait3A_35 = arith.constant 0 : i32
        %dma_wait3A_36 = tpu.memref_slice %arg4[%multiple_of3A, %dma_wait3A_35] : memref<10000x128xf32, #tpu.memory_space<hbm>> -> memref<624x128xf32, #tpu.memory_space<hbm>>
        tpu.wait_dma2 semaphore(%run_scoped3A : memref<!tpu.dma_semaphore, #tpu.memory_space<semaphore_mem>>) src(%dma_wait3A_36 : memref<624x128xf32, #tpu.memory_space<hbm>>) dst(%dma_wait3A_34 : memref<624x128xf32, #tpu.memory_space<vmem_shared>>)
        tpu.yield
      }) : () -> ()
    } else {
    }
    %eq3A = arith.constant 15 : i32
    %eq3A_3 = arith.cmpi eq, %arg1, %eq3A : i32
    %convert_element_type3A_4 = arith.extui %eq3A_3 : i1 to i32
    %cond3A_5 = arith.constant 0 : i32
    %cond3A_6 = arith.cmpi ne, %convert_element_type3A_4, %cond3A_5 : i32
    scf.if %cond3A_6 {
      "tpu.region"() ({
        %run_scoped3A = tpu.sem_alloc : memref<!tpu.dma_semaphore, #tpu.memory_space<semaphore_mem>>
        %dma_start3A = arith.constant 9360 : i32
        %dma_start3A_31 = arith.constant 0 : i32
        %dma_start3A_32 = tpu.memref_slice %arg11[%dma_start3A, %dma_start3A_31] : memref<10000x128xf32, #tpu.memory_space<vmem_shared>> -> memref<640x128xf32, #tpu.memory_space<vmem_shared>>
        %dma_start3A_33 = arith.constant 9360 : i32
        %dma_start3A_34 = arith.constant 0 : i32
        %dma_start3A_35 = tpu.memref_slice %arg4[%dma_start3A_33, %dma_start3A_34] : memref<10000x128xf32, #tpu.memory_space<hbm>> -> memref<640x128xf32, #tpu.memory_space<hbm>>
        tpu.enqueue_dma source(%dma_start3A_35 : memref<640x128xf32, #tpu.memory_space<hbm>>) target(%dma_start3A_32 : memref<640x128xf32, #tpu.memory_space<vmem_shared>>) target_semaphore(%run_scoped3A : memref<!tpu.dma_semaphore, #tpu.memory_space<semaphore_mem>>)
        %dma_wait3A = arith.constant 9360 : i32
        %dma_wait3A_36 = arith.constant 0 : i32
        %dma_wait3A_37 = tpu.memref_slice %arg11[%dma_wait3A, %dma_wait3A_36] : memref<10000x128xf32, #tpu.memory_space<vmem_shared>> -> memref<640x128xf32, #tpu.memory_space<vmem_shared>>
        %dma_wait3A_38 = arith.constant 9360 : i32
        %dma_wait3A_39 = arith.constant 0 : i32
        %dma_wait3A_40 = tpu.memref_slice %arg4[%dma_wait3A_38, %dma_wait3A_39] : memref<10000x128xf32, #tpu.memory_space<hbm>> -> memref<640x128xf32, #tpu.memory_space<hbm>>
        tpu.wait_dma2 semaphore(%run_scoped3A : memref<!tpu.dma_semaphore, #tpu.memory_space<semaphore_mem>>) src(%dma_wait3A_40 : memref<640x128xf32, #tpu.memory_space<hbm>>) dst(%dma_wait3A_37 : memref<640x128xf32, #tpu.memory_space<vmem_shared>>)
        tpu.yield
      }) : () -> ()
    } else {
    }
    %barrier3A = arith.constant 0 : index
    tpu.barrier barrier_id(%barrier3A)
    %mul3A_7 = arith.constant 16 : i32
    %mul3A_8 = arith.muli %arg0, %mul3A_7 : i32
    %add3A = arith.addi %mul3A_8, %arg1 : i32
    %mul3A_9 = arith.constant 10000 : i32
    %mul3A_10 = arith.muli %add3A, %mul3A_9 : i32
    %scan3A = arith.constant 0 : i32
    %scan3A_11 = arith.constant 0 : i32
    %scan3A_12 = arith.constant 5 : i32
    %scan3A_13 = arith.addi %scan3A_11, %scan3A_12 : i32
    %scan3A_14 = arith.constant 1 : i32
    %scan3A_15 = scf.for %scan3A_31 = %scan3A_11 to %scan3A_13 step %scan3A_14 iter_args(%scan3A_32 = %scan3A) -> (i32)  : i32 {
      %mul3A_33 = arith.constant 2000 : i32
      %mul3A_34 = arith.muli %scan3A_31, %mul3A_33 : i32
      %add3A_35 = arith.addi %mul3A_10, %mul3A_34 : i32
      %multiple_of3A_36 = tpu.assume_multiple %add3A_35, 8 : i32
      "tpu.region"() ({
        %run_scoped3A = tpu.sem_alloc : memref<!tpu.dma_semaphore, #tpu.memory_space<semaphore_mem>>
        %dma_start3A_278 = tpu.memref_slice %arg2[%multiple_of3A_36] : memref<320000xi32, #tpu.memory_space<hbm>> -> memref<2000xi32, #tpu.memory_space<hbm>>
        %dma_start3A_279 = tpu.memref_slice %arg2[%multiple_of3A_36] : memref<320000xi32, #tpu.memory_space<hbm>> -> memref<2000xi32, #tpu.memory_space<hbm>>
        tpu.enqueue_dma source(%dma_start3A_279 : memref<2000xi32, #tpu.memory_space<hbm>>) target(%arg6 : memref<2000xi32, #tpu.memory_space<vmem>>) target_semaphore(%run_scoped3A : memref<!tpu.dma_semaphore, #tpu.memory_space<semaphore_mem>>)
        %dma_wait3A_280 = tpu.memref_slice %arg2[%multiple_of3A_36] : memref<320000xi32, #tpu.memory_space<hbm>> -> memref<2000xi32, #tpu.memory_space<hbm>>
        %dma_wait3A_281 = tpu.memref_slice %arg2[%multiple_of3A_36] : memref<320000xi32, #tpu.memory_space<hbm>> -> memref<2000xi32, #tpu.memory_space<hbm>>
        tpu.wait_dma2 semaphore(%run_scoped3A : memref<!tpu.dma_semaphore, #tpu.memory_space<semaphore_mem>>) src(%dma_wait3A_281 : memref<2000xi32, #tpu.memory_space<hbm>>) dst(%arg6 : memref<2000xi32, #tpu.memory_space<vmem>>)
        tpu.yield
      }) : () -> ()
      %add3A_37 = arith.constant 0 : i32
      %add3A_38 = arith.addi %multiple_of3A_36, %add3A_37 : i32
      %multiple_of3A_39 = tpu.assume_multiple %add3A_38, 8 : i32
      %dma_start3A = arith.constant 0 : i32
      %dma_start3A_40 = arith.constant 0 : i32
      %dma_start3A_41 = tpu.memref_slice %arg7[%dma_start3A, %dma_start3A_40] : memref<3x40xi32, #tpu.memory_space<vmem>> -> memref<1x40xi32, #tpu.memory_space<vmem>>
      %dma_start3A_42 = tpu.memref_squeeze %dma_start3A_41 : memref<1x40xi32, #tpu.memory_space<vmem>> -> memref<40xi32, #tpu.memory_space<vmem>>
      %dma_start3A_43 = tpu.memref_slice %arg3[%multiple_of3A_39] : memref<320000xi32, #tpu.memory_space<hbm>> -> memref<40xi32, #tpu.memory_space<hbm>>
      %dma_start3A_44 = arith.constant 0 : i32
      %dma_start3A_45 = tpu.memref_slice %arg7[%dma_start3A, %dma_start3A_44] : memref<3x40xi32, #tpu.memory_space<vmem>> -> memref<1x40xi32, #tpu.memory_space<vmem>>
      %dma_start3A_46 = tpu.memref_squeeze %dma_start3A_45 : memref<1x40xi32, #tpu.memory_space<vmem>> -> memref<40xi32, #tpu.memory_space<vmem>>
      %dma_start3A_47 = tpu.memref_slice %arg3[%multiple_of3A_39] : memref<320000xi32, #tpu.memory_space<hbm>> -> memref<40xi32, #tpu.memory_space<hbm>>
      tpu.enqueue_dma source(%dma_start3A_47 : memref<40xi32, #tpu.memory_space<hbm>>) target(%dma_start3A_46 : memref<40xi32, #tpu.memory_space<vmem>>) target_semaphore(%arg18 : memref<!tpu.dma_semaphore, #tpu.memory_space<semaphore_mem>>)
      %dma_start3A_48 = arith.constant 0 : i32
      %dma_start3A_49 = tpu.memref_slice %arg6[%dma_start3A_48] : memref<2000xi32, #tpu.memory_space<vmem>> -> memref<40xi32, #tpu.memory_space<vmem>>
      %dma_start3A_50 = arith.constant 0 : i32
      %dma_start3A_51 = arith.constant 0 : i32
      %dma_start3A_52 = tpu.memref_slice %arg4[%dma_start3A_50, %dma_start3A_51] : memref<10000x128xf32, #tpu.memory_space<hbm>> -> memref<10000x128xf32, #tpu.memory_space<hbm>>
      tpu.enqueue_indirect_dma source(%dma_start3A_52 : memref<10000x128xf32, #tpu.memory_space<hbm>>) target(%arg8 : memref<40x128xf32, #tpu.memory_space<vmem>>) offsets(%dma_start3A_49 : memref<40xi32, #tpu.memory_space<vmem>>) semaphore(%arg12 : memref<!tpu.dma_semaphore, #tpu.memory_space<semaphore_mem>>)
      %add3A_53 = arith.constant 40 : i32
      %add3A_54 = arith.addi %multiple_of3A_36, %add3A_53 : i32
      %multiple_of3A_55 = tpu.assume_multiple %add3A_54, 8 : i32
      %dma_start3A_56 = arith.constant 1 : i32
      %dma_start3A_57 = arith.constant 0 : i32
      %dma_start3A_58 = tpu.memref_slice %arg7[%dma_start3A_56, %dma_start3A_57] : memref<3x40xi32, #tpu.memory_space<vmem>> -> memref<1x40xi32, #tpu.memory_space<vmem>>
      %dma_start3A_59 = tpu.memref_squeeze %dma_start3A_58 : memref<1x40xi32, #tpu.memory_space<vmem>> -> memref<40xi32, #tpu.memory_space<vmem>>
      %dma_start3A_60 = tpu.memref_slice %arg3[%multiple_of3A_55] : memref<320000xi32, #tpu.memory_space<hbm>> -> memref<40xi32, #tpu.memory_space<hbm>>
      %dma_start3A_61 = arith.constant 0 : i32
      %dma_start3A_62 = tpu.memref_slice %arg7[%dma_start3A_56, %dma_start3A_61] : memref<3x40xi32, #tpu.memory_space<vmem>> -> memref<1x40xi32, #tpu.memory_space<vmem>>
      %dma_start3A_63 = tpu.memref_squeeze %dma_start3A_62 : memref<1x40xi32, #tpu.memory_space<vmem>> -> memref<40xi32, #tpu.memory_space<vmem>>
      %dma_start3A_64 = tpu.memref_slice %arg3[%multiple_of3A_55] : memref<320000xi32, #tpu.memory_space<hbm>> -> memref<40xi32, #tpu.memory_space<hbm>>
      tpu.enqueue_dma source(%dma_start3A_64 : memref<40xi32, #tpu.memory_space<hbm>>) target(%dma_start3A_63 : memref<40xi32, #tpu.memory_space<vmem>>) target_semaphore(%arg19 : memref<!tpu.dma_semaphore, #tpu.memory_space<semaphore_mem>>)
      %dma_start3A_65 = arith.constant 40 : i32
      %dma_start3A_66 = tpu.memref_slice %arg6[%dma_start3A_65] : memref<2000xi32, #tpu.memory_space<vmem>> -> memref<40xi32, #tpu.memory_space<vmem>>
      %dma_start3A_67 = arith.constant 0 : i32
      %dma_start3A_68 = arith.constant 0 : i32
      %dma_start3A_69 = tpu.memref_slice %arg4[%dma_start3A_67, %dma_start3A_68] : memref<10000x128xf32, #tpu.memory_space<hbm>> -> memref<10000x128xf32, #tpu.memory_space<hbm>>
      tpu.enqueue_indirect_dma source(%dma_start3A_69 : memref<10000x128xf32, #tpu.memory_space<hbm>>) target(%arg9 : memref<40x128xf32, #tpu.memory_space<vmem>>) offsets(%dma_start3A_66 : memref<40xi32, #tpu.memory_space<vmem>>) semaphore(%arg13 : memref<!tpu.dma_semaphore, #tpu.memory_space<semaphore_mem>>)
      %add3A_70 = arith.constant 80 : i32
      %add3A_71 = arith.addi %multiple_of3A_36, %add3A_70 : i32
      %multiple_of3A_72 = tpu.assume_multiple %add3A_71, 8 : i32
      %dma_start3A_73 = arith.constant 2 : i32
      %dma_start3A_74 = arith.constant 0 : i32
      %dma_start3A_75 = tpu.memref_slice %arg7[%dma_start3A_73, %dma_start3A_74] : memref<3x40xi32, #tpu.memory_space<vmem>> -> memref<1x40xi32, #tpu.memory_space<vmem>>
      %dma_start3A_76 = tpu.memref_squeeze %dma_start3A_75 : memref<1x40xi32, #tpu.memory_space<vmem>> -> memref<40xi32, #tpu.memory_space<vmem>>
      %dma_start3A_77 = tpu.memref_slice %arg3[%multiple_of3A_72] : memref<320000xi32, #tpu.memory_space<hbm>> -> memref<40xi32, #tpu.memory_space<hbm>>
      %dma_start3A_78 = arith.constant 0 : i32
      %dma_start3A_79 = tpu.memref_slice %arg7[%dma_start3A_73, %dma_start3A_78] : memref<3x40xi32, #tpu.memory_space<vmem>> -> memref<1x40xi32, #tpu.memory_space<vmem>>
      %dma_start3A_80 = tpu.memref_squeeze %dma_start3A_79 : memref<1x40xi32, #tpu.memory_space<vmem>> -> memref<40xi32, #tpu.memory_space<vmem>>
      %dma_start3A_81 = tpu.memref_slice %arg3[%multiple_of3A_72] : memref<320000xi32, #tpu.memory_space<hbm>> -> memref<40xi32, #tpu.memory_space<hbm>>
      tpu.enqueue_dma source(%dma_start3A_81 : memref<40xi32, #tpu.memory_space<hbm>>) target(%dma_start3A_80 : memref<40xi32, #tpu.memory_space<vmem>>) target_semaphore(%arg20 : memref<!tpu.dma_semaphore, #tpu.memory_space<semaphore_mem>>)
      %dma_start3A_82 = arith.constant 80 : i32
      %dma_start3A_83 = tpu.memref_slice %arg6[%dma_start3A_82] : memref<2000xi32, #tpu.memory_space<vmem>> -> memref<40xi32, #tpu.memory_space<vmem>>
      %dma_start3A_84 = arith.constant 0 : i32
      %dma_start3A_85 = arith.constant 0 : i32
      %dma_start3A_86 = tpu.memref_slice %arg4[%dma_start3A_84, %dma_start3A_85] : memref<10000x128xf32, #tpu.memory_space<hbm>> -> memref<10000x128xf32, #tpu.memory_space<hbm>>
      tpu.enqueue_indirect_dma source(%dma_start3A_86 : memref<10000x128xf32, #tpu.memory_space<hbm>>) target(%arg10 : memref<40x128xf32, #tpu.memory_space<vmem>>) offsets(%dma_start3A_83 : memref<40xi32, #tpu.memory_space<vmem>>) semaphore(%arg14 : memref<!tpu.dma_semaphore, #tpu.memory_space<semaphore_mem>>)
      %scan3A_87 = arith.constant 0 : i32
      %scan3A_88 = arith.constant 0 : i32
      %scan3A_89 = arith.constant 15 : i32
      %scan3A_90 = arith.addi %scan3A_88, %scan3A_89 : i32
      %scan3A_91 = arith.constant 1 : i32
      %scan3A_92 = scf.for %scan3A_278 = %scan3A_88 to %scan3A_90 step %scan3A_91 iter_args(%scan3A_279 = %scan3A_87) -> (i32)  : i32 {
        %mul3A_280 = arith.constant 3 : i32
        %mul3A_281 = arith.muli %mul3A_280, %scan3A_278 : i32
        %dma_wait3A_282 = arith.constant 0 : i32
        %dma_wait3A_283 = arith.constant 0 : i32
        %dma_wait3A_284 = tpu.memref_slice %arg7[%dma_wait3A_282, %dma_wait3A_283] : memref<3x40xi32, #tpu.memory_space<vmem>> -> memref<1x40xi32, #tpu.memory_space<vmem>>
        %dma_wait3A_285 = tpu.memref_squeeze %dma_wait3A_284 : memref<1x40xi32, #tpu.memory_space<vmem>> -> memref<40xi32, #tpu.memory_space<vmem>>
        %dma_wait3A_286 = arith.constant 0 : i32
        %dma_wait3A_287 = tpu.memref_slice %arg3[%dma_wait3A_286] : memref<320000xi32, #tpu.memory_space<hbm>> -> memref<40xi32, #tpu.memory_space<hbm>>
        %dma_wait3A_288 = arith.constant 0 : i32
        %dma_wait3A_289 = tpu.memref_slice %arg7[%dma_wait3A_282, %dma_wait3A_288] : memref<3x40xi32, #tpu.memory_space<vmem>> -> memref<1x40xi32, #tpu.memory_space<vmem>>
        %dma_wait3A_290 = tpu.memref_squeeze %dma_wait3A_289 : memref<1x40xi32, #tpu.memory_space<vmem>> -> memref<40xi32, #tpu.memory_space<vmem>>
        %dma_wait3A_291 = arith.constant 0 : i32
        %dma_wait3A_292 = tpu.memref_slice %arg3[%dma_wait3A_291] : memref<320000xi32, #tpu.memory_space<hbm>> -> memref<40xi32, #tpu.memory_space<hbm>>
        tpu.wait_dma2 semaphore(%arg18 : memref<!tpu.dma_semaphore, #tpu.memory_space<semaphore_mem>>) src(%dma_wait3A_292 : memref<40xi32, #tpu.memory_space<hbm>>) dst(%dma_wait3A_290 : memref<40xi32, #tpu.memory_space<vmem>>)
        %dma_wait3A_293 = arith.constant 0 : i32
        %dma_wait3A_294 = tpu.memref_slice %arg6[%dma_wait3A_293] : memref<2000xi32, #tpu.memory_space<vmem>> -> memref<40xi32, #tpu.memory_space<vmem>>
        %dma_wait3A_295 = arith.constant 0 : i32
        %dma_wait3A_296 = arith.constant 0 : i32
        %dma_wait3A_297 = tpu.memref_slice %arg4[%dma_wait3A_295, %dma_wait3A_296] : memref<10000x128xf32, #tpu.memory_space<hbm>> -> memref<10000x128xf32, #tpu.memory_space<hbm>>
        tpu.wait_indirect_dma semaphore(%arg12 : memref<!tpu.dma_semaphore, #tpu.memory_space<semaphore_mem>>) src(%dma_wait3A_297 : memref<10000x128xf32, #tpu.memory_space<hbm>>) dst(%arg8 : memref<40x128xf32, #tpu.memory_space<vmem>>)
        %dma_start3A_298 = arith.constant 0 : i32
        %dma_start3A_299 = arith.constant 0 : i32
        %dma_start3A_300 = tpu.memref_slice %arg7[%dma_start3A_298, %dma_start3A_299] : memref<3x40xi32, #tpu.memory_space<vmem>> -> memref<1x40xi32, #tpu.memory_space<vmem>>
        %dma_start3A_301 = tpu.memref_squeeze %dma_start3A_300 : memref<1x40xi32, #tpu.memory_space<vmem>> -> memref<40xi32, #tpu.memory_space<vmem>>
        %dma_start3A_302 = arith.constant 0 : i32
        %dma_start3A_303 = arith.constant 0 : i32
        %dma_start3A_304 = tpu.memref_slice %arg11[%dma_start3A_302, %dma_start3A_303] : memref<10000x128xf32, #tpu.memory_space<vmem_shared>> -> memref<10000x128xf32, #tpu.memory_space<vmem_shared>>
        tpu.enqueue_indirect_dma source(%arg8 : memref<40x128xf32, #tpu.memory_space<vmem>>) target(%dma_start3A_304 : memref<10000x128xf32, #tpu.memory_space<vmem_shared>>) offsets(%dma_start3A_301 : memref<40xi32, #tpu.memory_space<vmem>>) semaphore(%arg15 : memref<!tpu.dma_semaphore, #tpu.memory_space<semaphore_mem>>) {add = true}
        %dma_wait3A_305 = arith.constant 0 : i32
        %dma_wait3A_306 = arith.constant 0 : i32
        %dma_wait3A_307 = tpu.memref_slice %arg7[%dma_wait3A_305, %dma_wait3A_306] : memref<3x40xi32, #tpu.memory_space<vmem>> -> memref<1x40xi32, #tpu.memory_space<vmem>>
        %dma_wait3A_308 = tpu.memref_squeeze %dma_wait3A_307 : memref<1x40xi32, #tpu.memory_space<vmem>> -> memref<40xi32, #tpu.memory_space<vmem>>
        %dma_wait3A_309 = arith.constant 0 : i32
        %dma_wait3A_310 = arith.constant 0 : i32
        %dma_wait3A_311 = tpu.memref_slice %arg11[%dma_wait3A_309, %dma_wait3A_310] : memref<10000x128xf32, #tpu.memory_space<vmem_shared>> -> memref<10000x128xf32, #tpu.memory_space<vmem_shared>>
        tpu.wait_indirect_dma semaphore(%arg15 : memref<!tpu.dma_semaphore, #tpu.memory_space<semaphore_mem>>) src(%arg8 : memref<40x128xf32, #tpu.memory_space<vmem>>) dst(%dma_wait3A_311 : memref<10000x128xf32, #tpu.memory_space<vmem_shared>>)
        %add3A_312 = arith.constant 3 : i32
        %add3A_313 = arith.addi %mul3A_281, %add3A_312 : i32
        %add3A_314 = arith.constant 0 : i32
        %add3A_315 = arith.addi %add3A_313, %add3A_314 : i32
        %mul3A_316 = arith.constant 40 : i32
        %mul3A_317 = arith.muli %add3A_315, %mul3A_316 : i32
        %add3A_318 = arith.addi %multiple_of3A_36, %mul3A_317 : i32
        %multiple_of3A_319 = tpu.assume_multiple %add3A_318, 8 : i32
        %dma_start3A_320 = arith.constant 0 : i32
        %dma_start3A_321 = arith.constant 0 : i32
        %dma_start3A_322 = tpu.memref_slice %arg7[%dma_start3A_320, %dma_start3A_321] : memref<3x40xi32, #tpu.memory_space<vmem>> -> memref<1x40xi32, #tpu.memory_space<vmem>>
        %dma_start3A_323 = tpu.memref_squeeze %dma_start3A_322 : memref<1x40xi32, #tpu.memory_space<vmem>> -> memref<40xi32, #tpu.memory_space<vmem>>
        %dma_start3A_324 = tpu.memref_slice %arg3[%multiple_of3A_319] : memref<320000xi32, #tpu.memory_space<hbm>> -> memref<40xi32, #tpu.memory_space<hbm>>
        %dma_start3A_325 = arith.constant 0 : i32
        %dma_start3A_326 = tpu.memref_slice %arg7[%dma_start3A_320, %dma_start3A_325] : memref<3x40xi32, #tpu.memory_space<vmem>> -> memref<1x40xi32, #tpu.memory_space<vmem>>
        %dma_start3A_327 = tpu.memref_squeeze %dma_start3A_326 : memref<1x40xi32, #tpu.memory_space<vmem>> -> memref<40xi32, #tpu.memory_space<vmem>>
        %dma_start3A_328 = tpu.memref_slice %arg3[%multiple_of3A_319] : memref<320000xi32, #tpu.memory_space<hbm>> -> memref<40xi32, #tpu.memory_space<hbm>>
        tpu.enqueue_dma source(%dma_start3A_328 : memref<40xi32, #tpu.memory_space<hbm>>) target(%dma_start3A_327 : memref<40xi32, #tpu.memory_space<vmem>>) target_semaphore(%arg18 : memref<!tpu.dma_semaphore, #tpu.memory_space<semaphore_mem>>)
        %add3A_329 = arith.constant 3 : i32
        %add3A_330 = arith.addi %mul3A_281, %add3A_329 : i32
        %add3A_331 = arith.constant 0 : i32
        %add3A_332 = arith.addi %add3A_330, %add3A_331 : i32
        %mul3A_333 = arith.constant 40 : i32
        %mul3A_334 = arith.muli %add3A_332, %mul3A_333 : i32
        %dma_start3A_335 = tpu.memref_slice %arg6[%mul3A_334] : memref<2000xi32, #tpu.memory_space<vmem>> -> memref<40xi32, #tpu.memory_space<vmem>>
        %dma_start3A_336 = arith.constant 0 : i32
        %dma_start3A_337 = arith.constant 0 : i32
        %dma_start3A_338 = tpu.memref_slice %arg4[%dma_start3A_336, %dma_start3A_337] : memref<10000x128xf32, #tpu.memory_space<hbm>> -> memref<10000x128xf32, #tpu.memory_space<hbm>>
        tpu.enqueue_indirect_dma source(%dma_start3A_338 : memref<10000x128xf32, #tpu.memory_space<hbm>>) target(%arg8 : memref<40x128xf32, #tpu.memory_space<vmem>>) offsets(%dma_start3A_335 : memref<40xi32, #tpu.memory_space<vmem>>) semaphore(%arg12 : memref<!tpu.dma_semaphore, #tpu.memory_space<semaphore_mem>>)
        %dma_wait3A_339 = arith.constant 1 : i32
        %dma_wait3A_340 = arith.constant 0 : i32
        %dma_wait3A_341 = tpu.memref_slice %arg7[%dma_wait3A_339, %dma_wait3A_340] : memref<3x40xi32, #tpu.memory_space<vmem>> -> memref<1x40xi32, #tpu.memory_space<vmem>>
        %dma_wait3A_342 = tpu.memref_squeeze %dma_wait3A_341 : memref<1x40xi32, #tpu.memory_space<vmem>> -> memref<40xi32, #tpu.memory_space<vmem>>
        %dma_wait3A_343 = arith.constant 0 : i32
        %dma_wait3A_344 = tpu.memref_slice %arg3[%dma_wait3A_343] : memref<320000xi32, #tpu.memory_space<hbm>> -> memref<40xi32, #tpu.memory_space<hbm>>
        %dma_wait3A_345 = arith.constant 0 : i32
        %dma_wait3A_346 = tpu.memref_slice %arg7[%dma_wait3A_339, %dma_wait3A_345] : memref<3x40xi32, #tpu.memory_space<vmem>> -> memref<1x40xi32, #tpu.memory_space<vmem>>
        %dma_wait3A_347 = tpu.memref_squeeze %dma_wait3A_346 : memref<1x40xi32, #tpu.memory_space<vmem>> -> memref<40xi32, #tpu.memory_space<vmem>>
        %dma_wait3A_348 = arith.constant 0 : i32
        %dma_wait3A_349 = tpu.memref_slice %arg3[%dma_wait3A_348] : memref<320000xi32, #tpu.memory_space<hbm>> -> memref<40xi32, #tpu.memory_space<hbm>>
        tpu.wait_dma2 semaphore(%arg19 : memref<!tpu.dma_semaphore, #tpu.memory_space<semaphore_mem>>) src(%dma_wait3A_349 : memref<40xi32, #tpu.memory_space<hbm>>) dst(%dma_wait3A_347 : memref<40xi32, #tpu.memory_space<vmem>>)
        %dma_wait3A_350 = arith.constant 0 : i32
        %dma_wait3A_351 = tpu.memref_slice %arg6[%dma_wait3A_350] : memref<2000xi32, #tpu.memory_space<vmem>> -> memref<40xi32, #tpu.memory_space<vmem>>
        %dma_wait3A_352 = arith.constant 0 : i32
        %dma_wait3A_353 = arith.constant 0 : i32
        %dma_wait3A_354 = tpu.memref_slice %arg4[%dma_wait3A_352, %dma_wait3A_353] : memref<10000x128xf32, #tpu.memory_space<hbm>> -> memref<10000x128xf32, #tpu.memory_space<hbm>>
        tpu.wait_indirect_dma semaphore(%arg13 : memref<!tpu.dma_semaphore, #tpu.memory_space<semaphore_mem>>) src(%dma_wait3A_354 : memref<10000x128xf32, #tpu.memory_space<hbm>>) dst(%arg9 : memref<40x128xf32, #tpu.memory_space<vmem>>)
        %dma_start3A_355 = arith.constant 1 : i32
        %dma_start3A_356 = arith.constant 0 : i32
        %dma_start3A_357 = tpu.memref_slice %arg7[%dma_start3A_355, %dma_start3A_356] : memref<3x40xi32, #tpu.memory_space<vmem>> -> memref<1x40xi32, #tpu.memory_space<vmem>>
        %dma_start3A_358 = tpu.memref_squeeze %dma_start3A_357 : memref<1x40xi32, #tpu.memory_space<vmem>> -> memref<40xi32, #tpu.memory_space<vmem>>
        %dma_start3A_359 = arith.constant 0 : i32
        %dma_start3A_360 = arith.constant 0 : i32
        %dma_start3A_361 = tpu.memref_slice %arg11[%dma_start3A_359, %dma_start3A_360] : memref<10000x128xf32, #tpu.memory_space<vmem_shared>> -> memref<10000x128xf32, #tpu.memory_space<vmem_shared>>
        tpu.enqueue_indirect_dma source(%arg9 : memref<40x128xf32, #tpu.memory_space<vmem>>) target(%dma_start3A_361 : memref<10000x128xf32, #tpu.memory_space<vmem_shared>>) offsets(%dma_start3A_358 : memref<40xi32, #tpu.memory_space<vmem>>) semaphore(%arg16 : memref<!tpu.dma_semaphore, #tpu.memory_space<semaphore_mem>>) {add = true}
        %dma_wait3A_362 = arith.constant 0 : i32
        %dma_wait3A_363 = arith.constant 0 : i32
        %dma_wait3A_364 = tpu.memref_slice %arg7[%dma_wait3A_362, %dma_wait3A_363] : memref<3x40xi32, #tpu.memory_space<vmem>> -> memref<1x40xi32, #tpu.memory_space<vmem>>
        %dma_wait3A_365 = tpu.memref_squeeze %dma_wait3A_364 : memref<1x40xi32, #tpu.memory_space<vmem>> -> memref<40xi32, #tpu.memory_space<vmem>>
        %dma_wait3A_366 = arith.constant 0 : i32
        %dma_wait3A_367 = arith.constant 0 : i32
        %dma_wait3A_368 = tpu.memref_slice %arg11[%dma_wait3A_366, %dma_wait3A_367] : memref<10000x128xf32, #tpu.memory_space<vmem_shared>> -> memref<10000x128xf32, #tpu.memory_space<vmem_shared>>
        tpu.wait_indirect_dma semaphore(%arg16 : memref<!tpu.dma_semaphore, #tpu.memory_space<semaphore_mem>>) src(%arg9 : memref<40x128xf32, #tpu.memory_space<vmem>>) dst(%dma_wait3A_368 : memref<10000x128xf32, #tpu.memory_space<vmem_shared>>)
        %add3A_369 = arith.constant 3 : i32
        %add3A_370 = arith.addi %mul3A_281, %add3A_369 : i32
        %add3A_371 = arith.constant 1 : i32
        %add3A_372 = arith.addi %add3A_370, %add3A_371 : i32
        %mul3A_373 = arith.constant 40 : i32
        %mul3A_374 = arith.muli %add3A_372, %mul3A_373 : i32
        %add3A_375 = arith.addi %multiple_of3A_36, %mul3A_374 : i32
        %multiple_of3A_376 = tpu.assume_multiple %add3A_375, 8 : i32
        %dma_start3A_377 = arith.constant 1 : i32
        %dma_start3A_378 = arith.constant 0 : i32
        %dma_start3A_379 = tpu.memref_slice %arg7[%dma_start3A_377, %dma_start3A_378] : memref<3x40xi32, #tpu.memory_space<vmem>> -> memref<1x40xi32, #tpu.memory_space<vmem>>
        %dma_start3A_380 = tpu.memref_squeeze %dma_start3A_379 : memref<1x40xi32, #tpu.memory_space<vmem>> -> memref<40xi32, #tpu.memory_space<vmem>>
        %dma_start3A_381 = tpu.memref_slice %arg3[%multiple_of3A_376] : memref<320000xi32, #tpu.memory_space<hbm>> -> memref<40xi32, #tpu.memory_space<hbm>>
        %dma_start3A_382 = arith.constant 0 : i32
        %dma_start3A_383 = tpu.memref_slice %arg7[%dma_start3A_377, %dma_start3A_382] : memref<3x40xi32, #tpu.memory_space<vmem>> -> memref<1x40xi32, #tpu.memory_space<vmem>>
        %dma_start3A_384 = tpu.memref_squeeze %dma_start3A_383 : memref<1x40xi32, #tpu.memory_space<vmem>> -> memref<40xi32, #tpu.memory_space<vmem>>
        %dma_start3A_385 = tpu.memref_slice %arg3[%multiple_of3A_376] : memref<320000xi32, #tpu.memory_space<hbm>> -> memref<40xi32, #tpu.memory_space<hbm>>
        tpu.enqueue_dma source(%dma_start3A_385 : memref<40xi32, #tpu.memory_space<hbm>>) target(%dma_start3A_384 : memref<40xi32, #tpu.memory_space<vmem>>) target_semaphore(%arg19 : memref<!tpu.dma_semaphore, #tpu.memory_space<semaphore_mem>>)
        %add3A_386 = arith.constant 3 : i32
        %add3A_387 = arith.addi %mul3A_281, %add3A_386 : i32
        %add3A_388 = arith.constant 1 : i32
        %add3A_389 = arith.addi %add3A_387, %add3A_388 : i32
        %mul3A_390 = arith.constant 40 : i32
        %mul3A_391 = arith.muli %add3A_389, %mul3A_390 : i32
        %dma_start3A_392 = tpu.memref_slice %arg6[%mul3A_391] : memref<2000xi32, #tpu.memory_space<vmem>> -> memref<40xi32, #tpu.memory_space<vmem>>
        %dma_start3A_393 = arith.constant 0 : i32
        %dma_start3A_394 = arith.constant 0 : i32
        %dma_start3A_395 = tpu.memref_slice %arg4[%dma_start3A_393, %dma_start3A_394] : memref<10000x128xf32, #tpu.memory_space<hbm>> -> memref<10000x128xf32, #tpu.memory_space<hbm>>
        tpu.enqueue_indirect_dma source(%dma_start3A_395 : memref<10000x128xf32, #tpu.memory_space<hbm>>) target(%arg9 : memref<40x128xf32, #tpu.memory_space<vmem>>) offsets(%dma_start3A_392 : memref<40xi32, #tpu.memory_space<vmem>>) semaphore(%arg13 : memref<!tpu.dma_semaphore, #tpu.memory_space<semaphore_mem>>)
        %dma_wait3A_396 = arith.constant 2 : i32
        %dma_wait3A_397 = arith.constant 0 : i32
        %dma_wait3A_398 = tpu.memref_slice %arg7[%dma_wait3A_396, %dma_wait3A_397] : memref<3x40xi32, #tpu.memory_space<vmem>> -> memref<1x40xi32, #tpu.memory_space<vmem>>
        %dma_wait3A_399 = tpu.memref_squeeze %dma_wait3A_398 : memref<1x40xi32, #tpu.memory_space<vmem>> -> memref<40xi32, #tpu.memory_space<vmem>>
        %dma_wait3A_400 = arith.constant 0 : i32
        %dma_wait3A_401 = tpu.memref_slice %arg3[%dma_wait3A_400] : memref<320000xi32, #tpu.memory_space<hbm>> -> memref<40xi32, #tpu.memory_space<hbm>>
        %dma_wait3A_402 = arith.constant 0 : i32
        %dma_wait3A_403 = tpu.memref_slice %arg7[%dma_wait3A_396, %dma_wait3A_402] : memref<3x40xi32, #tpu.memory_space<vmem>> -> memref<1x40xi32, #tpu.memory_space<vmem>>
        %dma_wait3A_404 = tpu.memref_squeeze %dma_wait3A_403 : memref<1x40xi32, #tpu.memory_space<vmem>> -> memref<40xi32, #tpu.memory_space<vmem>>
        %dma_wait3A_405 = arith.constant 0 : i32
        %dma_wait3A_406 = tpu.memref_slice %arg3[%dma_wait3A_405] : memref<320000xi32, #tpu.memory_space<hbm>> -> memref<40xi32, #tpu.memory_space<hbm>>
        tpu.wait_dma2 semaphore(%arg20 : memref<!tpu.dma_semaphore, #tpu.memory_space<semaphore_mem>>) src(%dma_wait3A_406 : memref<40xi32, #tpu.memory_space<hbm>>) dst(%dma_wait3A_404 : memref<40xi32, #tpu.memory_space<vmem>>)
        %dma_wait3A_407 = arith.constant 0 : i32
        %dma_wait3A_408 = tpu.memref_slice %arg6[%dma_wait3A_407] : memref<2000xi32, #tpu.memory_space<vmem>> -> memref<40xi32, #tpu.memory_space<vmem>>
        %dma_wait3A_409 = arith.constant 0 : i32
        %dma_wait3A_410 = arith.constant 0 : i32
        %dma_wait3A_411 = tpu.memref_slice %arg4[%dma_wait3A_409, %dma_wait3A_410] : memref<10000x128xf32, #tpu.memory_space<hbm>> -> memref<10000x128xf32, #tpu.memory_space<hbm>>
        tpu.wait_indirect_dma semaphore(%arg14 : memref<!tpu.dma_semaphore, #tpu.memory_space<semaphore_mem>>) src(%dma_wait3A_411 : memref<10000x128xf32, #tpu.memory_space<hbm>>) dst(%arg10 : memref<40x128xf32, #tpu.memory_space<vmem>>)
        %dma_start3A_412 = arith.constant 2 : i32
        %dma_start3A_413 = arith.constant 0 : i32
        %dma_start3A_414 = tpu.memref_slice %arg7[%dma_start3A_412, %dma_start3A_413] : memref<3x40xi32, #tpu.memory_space<vmem>> -> memref<1x40xi32, #tpu.memory_space<vmem>>
        %dma_start3A_415 = tpu.memref_squeeze %dma_start3A_414 : memref<1x40xi32, #tpu.memory_space<vmem>> -> memref<40xi32, #tpu.memory_space<vmem>>
        %dma_start3A_416 = arith.constant 0 : i32
        %dma_start3A_417 = arith.constant 0 : i32
        %dma_start3A_418 = tpu.memref_slice %arg11[%dma_start3A_416, %dma_start3A_417] : memref<10000x128xf32, #tpu.memory_space<vmem_shared>> -> memref<10000x128xf32, #tpu.memory_space<vmem_shared>>
        tpu.enqueue_indirect_dma source(%arg10 : memref<40x128xf32, #tpu.memory_space<vmem>>) target(%dma_start3A_418 : memref<10000x128xf32, #tpu.memory_space<vmem_shared>>) offsets(%dma_start3A_415 : memref<40xi32, #tpu.memory_space<vmem>>) semaphore(%arg17 : memref<!tpu.dma_semaphore, #tpu.memory_space<semaphore_mem>>) {add = true}
        %dma_wait3A_419 = arith.constant 0 : i32
        %dma_wait3A_420 = arith.constant 0 : i32
        %dma_wait3A_421 = tpu.memref_slice %arg7[%dma_wait3A_419, %dma_wait3A_420] : memref<3x40xi32, #tpu.memory_space<vmem>> -> memref<1x40xi32, #tpu.memory_space<vmem>>
        %dma_wait3A_422 = tpu.memref_squeeze %dma_wait3A_421 : memref<1x40xi32, #tpu.memory_space<vmem>> -> memref<40xi32, #tpu.memory_space<vmem>>
        %dma_wait3A_423 = arith.constant 0 : i32
        %dma_wait3A_424 = arith.constant 0 : i32
        %dma_wait3A_425 = tpu.memref_slice %arg11[%dma_wait3A_423, %dma_wait3A_424] : memref<10000x128xf32, #tpu.memory_space<vmem_shared>> -> memref<10000x128xf32, #tpu.memory_space<vmem_shared>>
        tpu.wait_indirect_dma semaphore(%arg17 : memref<!tpu.dma_semaphore, #tpu.memory_space<semaphore_mem>>) src(%arg10 : memref<40x128xf32, #tpu.memory_space<vmem>>) dst(%dma_wait3A_425 : memref<10000x128xf32, #tpu.memory_space<vmem_shared>>)
        %add3A_426 = arith.constant 3 : i32
        %add3A_427 = arith.addi %mul3A_281, %add3A_426 : i32
        %add3A_428 = arith.constant 2 : i32
        %add3A_429 = arith.addi %add3A_427, %add3A_428 : i32
        %mul3A_430 = arith.constant 40 : i32
        %mul3A_431 = arith.muli %add3A_429, %mul3A_430 : i32
        %add3A_432 = arith.addi %multiple_of3A_36, %mul3A_431 : i32
        %multiple_of3A_433 = tpu.assume_multiple %add3A_432, 8 : i32
        %dma_start3A_434 = arith.constant 2 : i32
        %dma_start3A_435 = arith.constant 0 : i32
        %dma_start3A_436 = tpu.memref_slice %arg7[%dma_start3A_434, %dma_start3A_435] : memref<3x40xi32, #tpu.memory_space<vmem>> -> memref<1x40xi32, #tpu.memory_space<vmem>>
        %dma_start3A_437 = tpu.memref_squeeze %dma_start3A_436 : memref<1x40xi32, #tpu.memory_space<vmem>> -> memref<40xi32, #tpu.memory_space<vmem>>
        %dma_start3A_438 = tpu.memref_slice %arg3[%multiple_of3A_433] : memref<320000xi32, #tpu.memory_space<hbm>> -> memref<40xi32, #tpu.memory_space<hbm>>
        %dma_start3A_439 = arith.constant 0 : i32
        %dma_start3A_440 = tpu.memref_slice %arg7[%dma_start3A_434, %dma_start3A_439] : memref<3x40xi32, #tpu.memory_space<vmem>> -> memref<1x40xi32, #tpu.memory_space<vmem>>
        %dma_start3A_441 = tpu.memref_squeeze %dma_start3A_440 : memref<1x40xi32, #tpu.memory_space<vmem>> -> memref<40xi32, #tpu.memory_space<vmem>>
        %dma_start3A_442 = tpu.memref_slice %arg3[%multiple_of3A_433] : memref<320000xi32, #tpu.memory_space<hbm>> -> memref<40xi32, #tpu.memory_space<hbm>>
        tpu.enqueue_dma source(%dma_start3A_442 : memref<40xi32, #tpu.memory_space<hbm>>) target(%dma_start3A_441 : memref<40xi32, #tpu.memory_space<vmem>>) target_semaphore(%arg20 : memref<!tpu.dma_semaphore, #tpu.memory_space<semaphore_mem>>)
        %add3A_443 = arith.constant 3 : i32
        %add3A_444 = arith.addi %mul3A_281, %add3A_443 : i32
        %add3A_445 = arith.constant 2 : i32
        %add3A_446 = arith.addi %add3A_444, %add3A_445 : i32
        %mul3A_447 = arith.constant 40 : i32
        %mul3A_448 = arith.muli %add3A_446, %mul3A_447 : i32
        %dma_start3A_449 = tpu.memref_slice %arg6[%mul3A_448] : memref<2000xi32, #tpu.memory_space<vmem>> -> memref<40xi32, #tpu.memory_space<vmem>>
        %dma_start3A_450 = arith.constant 0 : i32
        %dma_start3A_451 = arith.constant 0 : i32
        %dma_start3A_452 = tpu.memref_slice %arg4[%dma_start3A_450, %dma_start3A_451] : memref<10000x128xf32, #tpu.memory_space<hbm>> -> memref<10000x128xf32, #tpu.memory_space<hbm>>
        tpu.enqueue_indirect_dma source(%dma_start3A_452 : memref<10000x128xf32, #tpu.memory_space<hbm>>) target(%arg10 : memref<40x128xf32, #tpu.memory_space<vmem>>) offsets(%dma_start3A_449 : memref<40xi32, #tpu.memory_space<vmem>>) semaphore(%arg14 : memref<!tpu.dma_semaphore, #tpu.memory_space<semaphore_mem>>)
        %scan3A_453 = arith.constant 0 : i32
        scf.yield %scan3A_453 : i32
      }
      %scan3A_93 = arith.constant 15 : i32
      %dma_wait3A = arith.constant 0 : i32
      %dma_wait3A_94 = arith.constant 0 : i32
      %dma_wait3A_95 = tpu.memref_slice %arg7[%dma_wait3A, %dma_wait3A_94] : memref<3x40xi32, #tpu.memory_space<vmem>> -> memref<1x40xi32, #tpu.memory_space<vmem>>
      %dma_wait3A_96 = tpu.memref_squeeze %dma_wait3A_95 : memref<1x40xi32, #tpu.memory_space<vmem>> -> memref<40xi32, #tpu.memory_space<vmem>>
      %dma_wait3A_97 = arith.constant 0 : i32
      %dma_wait3A_98 = tpu.memref_slice %arg3[%dma_wait3A_97] : memref<320000xi32, #tpu.memory_space<hbm>> -> memref<40xi32, #tpu.memory_space<hbm>>
      %dma_wait3A_99 = arith.constant 0 : i32
      %dma_wait3A_100 = tpu.memref_slice %arg7[%dma_wait3A, %dma_wait3A_99] : memref<3x40xi32, #tpu.memory_space<vmem>> -> memref<1x40xi32, #tpu.memory_space<vmem>>
      %dma_wait3A_101 = tpu.memref_squeeze %dma_wait3A_100 : memref<1x40xi32, #tpu.memory_space<vmem>> -> memref<40xi32, #tpu.memory_space<vmem>>
      %dma_wait3A_102 = arith.constant 0 : i32
      %dma_wait3A_103 = tpu.memref_slice %arg3[%dma_wait3A_102] : memref<320000xi32, #tpu.memory_space<hbm>> -> memref<40xi32, #tpu.memory_space<hbm>>
      tpu.wait_dma2 semaphore(%arg18 : memref<!tpu.dma_semaphore, #tpu.memory_space<semaphore_mem>>) src(%dma_wait3A_103 : memref<40xi32, #tpu.memory_space<hbm>>) dst(%dma_wait3A_101 : memref<40xi32, #tpu.memory_space<vmem>>)
      %dma_wait3A_104 = arith.constant 0 : i32
      %dma_wait3A_105 = tpu.memref_slice %arg6[%dma_wait3A_104] : memref<2000xi32, #tpu.memory_space<vmem>> -> memref<40xi32, #tpu.memory_space<vmem>>
      %dma_wait3A_106 = arith.constant 0 : i32
      %dma_wait3A_107 = arith.constant 0 : i32
      %dma_wait3A_108 = tpu.memref_slice %arg4[%dma_wait3A_106, %dma_wait3A_107] : memref<10000x128xf32, #tpu.memory_space<hbm>> -> memref<10000x128xf32, #tpu.memory_space<hbm>>
      tpu.wait_indirect_dma semaphore(%arg12 : memref<!tpu.dma_semaphore, #tpu.memory_space<semaphore_mem>>) src(%dma_wait3A_108 : memref<10000x128xf32, #tpu.memory_space<hbm>>) dst(%arg8 : memref<40x128xf32, #tpu.memory_space<vmem>>)
      %dma_start3A_109 = arith.constant 0 : i32
      %dma_start3A_110 = arith.constant 0 : i32
      %dma_start3A_111 = tpu.memref_slice %arg7[%dma_start3A_109, %dma_start3A_110] : memref<3x40xi32, #tpu.memory_space<vmem>> -> memref<1x40xi32, #tpu.memory_space<vmem>>
      %dma_start3A_112 = tpu.memref_squeeze %dma_start3A_111 : memref<1x40xi32, #tpu.memory_space<vmem>> -> memref<40xi32, #tpu.memory_space<vmem>>
      %dma_start3A_113 = arith.constant 0 : i32
      %dma_start3A_114 = arith.constant 0 : i32
      %dma_start3A_115 = tpu.memref_slice %arg11[%dma_start3A_113, %dma_start3A_114] : memref<10000x128xf32, #tpu.memory_space<vmem_shared>> -> memref<10000x128xf32, #tpu.memory_space<vmem_shared>>
      tpu.enqueue_indirect_dma source(%arg8 : memref<40x128xf32, #tpu.memory_space<vmem>>) target(%dma_start3A_115 : memref<10000x128xf32, #tpu.memory_space<vmem_shared>>) offsets(%dma_start3A_112 : memref<40xi32, #tpu.memory_space<vmem>>) semaphore(%arg15 : memref<!tpu.dma_semaphore, #tpu.memory_space<semaphore_mem>>) {add = true}
      %dma_wait3A_116 = arith.constant 0 : i32
      %dma_wait3A_117 = arith.constant 0 : i32
      %dma_wait3A_118 = tpu.memref_slice %arg7[%dma_wait3A_116, %dma_wait3A_117] : memref<3x40xi32, #tpu.memory_space<vmem>> -> memref<1x40xi32, #tpu.memory_space<vmem>>
      %dma_wait3A_119 = tpu.memref_squeeze %dma_wait3A_118 : memref<1x40xi32, #tpu.memory_space<vmem>> -> memref<40xi32, #tpu.memory_space<vmem>>
      %dma_wait3A_120 = arith.constant 0 : i32
      %dma_wait3A_121 = arith.constant 0 : i32
      %dma_wait3A_122 = tpu.memref_slice %arg11[%dma_wait3A_120, %dma_wait3A_121] : memref<10000x128xf32, #tpu.memory_space<vmem_shared>> -> memref<10000x128xf32, #tpu.memory_space<vmem_shared>>
      tpu.wait_indirect_dma semaphore(%arg15 : memref<!tpu.dma_semaphore, #tpu.memory_space<semaphore_mem>>) src(%arg8 : memref<40x128xf32, #tpu.memory_space<vmem>>) dst(%dma_wait3A_122 : memref<10000x128xf32, #tpu.memory_space<vmem_shared>>)
      %add3A_123 = arith.constant 1920 : i32
      %add3A_124 = arith.addi %multiple_of3A_36, %add3A_123 : i32
      %multiple_of3A_125 = tpu.assume_multiple %add3A_124, 8 : i32
      %dma_start3A_126 = arith.constant 0 : i32
      %dma_start3A_127 = arith.constant 0 : i32
      %dma_start3A_128 = tpu.memref_slice %arg7[%dma_start3A_126, %dma_start3A_127] : memref<3x40xi32, #tpu.memory_space<vmem>> -> memref<1x40xi32, #tpu.memory_space<vmem>>
      %dma_start3A_129 = tpu.memref_squeeze %dma_start3A_128 : memref<1x40xi32, #tpu.memory_space<vmem>> -> memref<40xi32, #tpu.memory_space<vmem>>
      %dma_start3A_130 = tpu.memref_slice %arg3[%multiple_of3A_125] : memref<320000xi32, #tpu.memory_space<hbm>> -> memref<40xi32, #tpu.memory_space<hbm>>
      %dma_start3A_131 = arith.constant 0 : i32
      %dma_start3A_132 = tpu.memref_slice %arg7[%dma_start3A_126, %dma_start3A_131] : memref<3x40xi32, #tpu.memory_space<vmem>> -> memref<1x40xi32, #tpu.memory_space<vmem>>
      %dma_start3A_133 = tpu.memref_squeeze %dma_start3A_132 : memref<1x40xi32, #tpu.memory_space<vmem>> -> memref<40xi32, #tpu.memory_space<vmem>>
      %dma_start3A_134 = tpu.memref_slice %arg3[%multiple_of3A_125] : memref<320000xi32, #tpu.memory_space<hbm>> -> memref<40xi32, #tpu.memory_space<hbm>>
      tpu.enqueue_dma source(%dma_start3A_134 : memref<40xi32, #tpu.memory_space<hbm>>) target(%dma_start3A_133 : memref<40xi32, #tpu.memory_space<vmem>>) target_semaphore(%arg18 : memref<!tpu.dma_semaphore, #tpu.memory_space<semaphore_mem>>)
      %dma_start3A_135 = arith.constant 1920 : i32
      %dma_start3A_136 = tpu.memref_slice %arg6[%dma_start3A_135] : memref<2000xi32, #tpu.memory_space<vmem>> -> memref<40xi32, #tpu.memory_space<vmem>>
      %dma_start3A_137 = arith.constant 0 : i32
      %dma_start3A_138 = arith.constant 0 : i32
      %dma_start3A_139 = tpu.memref_slice %arg4[%dma_start3A_137, %dma_start3A_138] : memref<10000x128xf32, #tpu.memory_space<hbm>> -> memref<10000x128xf32, #tpu.memory_space<hbm>>
      tpu.enqueue_indirect_dma source(%dma_start3A_139 : memref<10000x128xf32, #tpu.memory_space<hbm>>) target(%arg8 : memref<40x128xf32, #tpu.memory_space<vmem>>) offsets(%dma_start3A_136 : memref<40xi32, #tpu.memory_space<vmem>>) semaphore(%arg12 : memref<!tpu.dma_semaphore, #tpu.memory_space<semaphore_mem>>)
      %dma_wait3A_140 = arith.constant 1 : i32
      %dma_wait3A_141 = arith.constant 0 : i32
      %dma_wait3A_142 = tpu.memref_slice %arg7[%dma_wait3A_140, %dma_wait3A_141] : memref<3x40xi32, #tpu.memory_space<vmem>> -> memref<1x40xi32, #tpu.memory_space<vmem>>
      %dma_wait3A_143 = tpu.memref_squeeze %dma_wait3A_142 : memref<1x40xi32, #tpu.memory_space<vmem>> -> memref<40xi32, #tpu.memory_space<vmem>>
      %dma_wait3A_144 = arith.constant 0 : i32
      %dma_wait3A_145 = tpu.memref_slice %arg3[%dma_wait3A_144] : memref<320000xi32, #tpu.memory_space<hbm>> -> memref<40xi32, #tpu.memory_space<hbm>>
      %dma_wait3A_146 = arith.constant 0 : i32
      %dma_wait3A_147 = tpu.memref_slice %arg7[%dma_wait3A_140, %dma_wait3A_146] : memref<3x40xi32, #tpu.memory_space<vmem>> -> memref<1x40xi32, #tpu.memory_space<vmem>>
      %dma_wait3A_148 = tpu.memref_squeeze %dma_wait3A_147 : memref<1x40xi32, #tpu.memory_space<vmem>> -> memref<40xi32, #tpu.memory_space<vmem>>
      %dma_wait3A_149 = arith.constant 0 : i32
      %dma_wait3A_150 = tpu.memref_slice %arg3[%dma_wait3A_149] : memref<320000xi32, #tpu.memory_space<hbm>> -> memref<40xi32, #tpu.memory_space<hbm>>
      tpu.wait_dma2 semaphore(%arg19 : memref<!tpu.dma_semaphore, #tpu.memory_space<semaphore_mem>>) src(%dma_wait3A_150 : memref<40xi32, #tpu.memory_space<hbm>>) dst(%dma_wait3A_148 : memref<40xi32, #tpu.memory_space<vmem>>)
      %dma_wait3A_151 = arith.constant 0 : i32
      %dma_wait3A_152 = tpu.memref_slice %arg6[%dma_wait3A_151] : memref<2000xi32, #tpu.memory_space<vmem>> -> memref<40xi32, #tpu.memory_space<vmem>>
      %dma_wait3A_153 = arith.constant 0 : i32
      %dma_wait3A_154 = arith.constant 0 : i32
      %dma_wait3A_155 = tpu.memref_slice %arg4[%dma_wait3A_153, %dma_wait3A_154] : memref<10000x128xf32, #tpu.memory_space<hbm>> -> memref<10000x128xf32, #tpu.memory_space<hbm>>
      tpu.wait_indirect_dma semaphore(%arg13 : memref<!tpu.dma_semaphore, #tpu.memory_space<semaphore_mem>>) src(%dma_wait3A_155 : memref<10000x128xf32, #tpu.memory_space<hbm>>) dst(%arg9 : memref<40x128xf32, #tpu.memory_space<vmem>>)
      %dma_start3A_156 = arith.constant 1 : i32
      %dma_start3A_157 = arith.constant 0 : i32
      %dma_start3A_158 = tpu.memref_slice %arg7[%dma_start3A_156, %dma_start3A_157] : memref<3x40xi32, #tpu.memory_space<vmem>> -> memref<1x40xi32, #tpu.memory_space<vmem>>
      %dma_start3A_159 = tpu.memref_squeeze %dma_start3A_158 : memref<1x40xi32, #tpu.memory_space<vmem>> -> memref<40xi32, #tpu.memory_space<vmem>>
      %dma_start3A_160 = arith.constant 0 : i32
      %dma_start3A_161 = arith.constant 0 : i32
      %dma_start3A_162 = tpu.memref_slice %arg11[%dma_start3A_160, %dma_start3A_161] : memref<10000x128xf32, #tpu.memory_space<vmem_shared>> -> memref<10000x128xf32, #tpu.memory_space<vmem_shared>>
      tpu.enqueue_indirect_dma source(%arg9 : memref<40x128xf32, #tpu.memory_space<vmem>>) target(%dma_start3A_162 : memref<10000x128xf32, #tpu.memory_space<vmem_shared>>) offsets(%dma_start3A_159 : memref<40xi32, #tpu.memory_space<vmem>>) semaphore(%arg16 : memref<!tpu.dma_semaphore, #tpu.memory_space<semaphore_mem>>) {add = true}
      %dma_wait3A_163 = arith.constant 0 : i32
      %dma_wait3A_164 = arith.constant 0 : i32
      %dma_wait3A_165 = tpu.memref_slice %arg7[%dma_wait3A_163, %dma_wait3A_164] : memref<3x40xi32, #tpu.memory_space<vmem>> -> memref<1x40xi32, #tpu.memory_space<vmem>>
      %dma_wait3A_166 = tpu.memref_squeeze %dma_wait3A_165 : memref<1x40xi32, #tpu.memory_space<vmem>> -> memref<40xi32, #tpu.memory_space<vmem>>
      %dma_wait3A_167 = arith.constant 0 : i32
      %dma_wait3A_168 = arith.constant 0 : i32
      %dma_wait3A_169 = tpu.memref_slice %arg11[%dma_wait3A_167, %dma_wait3A_168] : memref<10000x128xf32, #tpu.memory_space<vmem_shared>> -> memref<10000x128xf32, #tpu.memory_space<vmem_shared>>
      tpu.wait_indirect_dma semaphore(%arg16 : memref<!tpu.dma_semaphore, #tpu.memory_space<semaphore_mem>>) src(%arg9 : memref<40x128xf32, #tpu.memory_space<vmem>>) dst(%dma_wait3A_169 : memref<10000x128xf32, #tpu.memory_space<vmem_shared>>)
      %add3A_170 = arith.constant 1960 : i32
      %add3A_171 = arith.addi %multiple_of3A_36, %add3A_170 : i32
      %multiple_of3A_172 = tpu.assume_multiple %add3A_171, 8 : i32
      %dma_start3A_173 = arith.constant 1 : i32
      %dma_start3A_174 = arith.constant 0 : i32
      %dma_start3A_175 = tpu.memref_slice %arg7[%dma_start3A_173, %dma_start3A_174] : memref<3x40xi32, #tpu.memory_space<vmem>> -> memref<1x40xi32, #tpu.memory_space<vmem>>
      %dma_start3A_176 = tpu.memref_squeeze %dma_start3A_175 : memref<1x40xi32, #tpu.memory_space<vmem>> -> memref<40xi32, #tpu.memory_space<vmem>>
      %dma_start3A_177 = tpu.memref_slice %arg3[%multiple_of3A_172] : memref<320000xi32, #tpu.memory_space<hbm>> -> memref<40xi32, #tpu.memory_space<hbm>>
      %dma_start3A_178 = arith.constant 0 : i32
      %dma_start3A_179 = tpu.memref_slice %arg7[%dma_start3A_173, %dma_start3A_178] : memref<3x40xi32, #tpu.memory_space<vmem>> -> memref<1x40xi32, #tpu.memory_space<vmem>>
      %dma_start3A_180 = tpu.memref_squeeze %dma_start3A_179 : memref<1x40xi32, #tpu.memory_space<vmem>> -> memref<40xi32, #tpu.memory_space<vmem>>
      %dma_start3A_181 = tpu.memref_slice %arg3[%multiple_of3A_172] : memref<320000xi32, #tpu.memory_space<hbm>> -> memref<40xi32, #tpu.memory_space<hbm>>
      tpu.enqueue_dma source(%dma_start3A_181 : memref<40xi32, #tpu.memory_space<hbm>>) target(%dma_start3A_180 : memref<40xi32, #tpu.memory_space<vmem>>) target_semaphore(%arg19 : memref<!tpu.dma_semaphore, #tpu.memory_space<semaphore_mem>>)
      %dma_start3A_182 = arith.constant 1960 : i32
      %dma_start3A_183 = tpu.memref_slice %arg6[%dma_start3A_182] : memref<2000xi32, #tpu.memory_space<vmem>> -> memref<40xi32, #tpu.memory_space<vmem>>
      %dma_start3A_184 = arith.constant 0 : i32
      %dma_start3A_185 = arith.constant 0 : i32
      %dma_start3A_186 = tpu.memref_slice %arg4[%dma_start3A_184, %dma_start3A_185] : memref<10000x128xf32, #tpu.memory_space<hbm>> -> memref<10000x128xf32, #tpu.memory_space<hbm>>
      tpu.enqueue_indirect_dma source(%dma_start3A_186 : memref<10000x128xf32, #tpu.memory_space<hbm>>) target(%arg9 : memref<40x128xf32, #tpu.memory_space<vmem>>) offsets(%dma_start3A_183 : memref<40xi32, #tpu.memory_space<vmem>>) semaphore(%arg13 : memref<!tpu.dma_semaphore, #tpu.memory_space<semaphore_mem>>)
      %dma_wait3A_187 = arith.constant 2 : i32
      %dma_wait3A_188 = arith.constant 0 : i32
      %dma_wait3A_189 = tpu.memref_slice %arg7[%dma_wait3A_187, %dma_wait3A_188] : memref<3x40xi32, #tpu.memory_space<vmem>> -> memref<1x40xi32, #tpu.memory_space<vmem>>
      %dma_wait3A_190 = tpu.memref_squeeze %dma_wait3A_189 : memref<1x40xi32, #tpu.memory_space<vmem>> -> memref<40xi32, #tpu.memory_space<vmem>>
      %dma_wait3A_191 = arith.constant 0 : i32
      %dma_wait3A_192 = tpu.memref_slice %arg3[%dma_wait3A_191] : memref<320000xi32, #tpu.memory_space<hbm>> -> memref<40xi32, #tpu.memory_space<hbm>>
      %dma_wait3A_193 = arith.constant 0 : i32
      %dma_wait3A_194 = tpu.memref_slice %arg7[%dma_wait3A_187, %dma_wait3A_193] : memref<3x40xi32, #tpu.memory_space<vmem>> -> memref<1x40xi32, #tpu.memory_space<vmem>>
      %dma_wait3A_195 = tpu.memref_squeeze %dma_wait3A_194 : memref<1x40xi32, #tpu.memory_space<vmem>> -> memref<40xi32, #tpu.memory_space<vmem>>
      %dma_wait3A_196 = arith.constant 0 : i32
      %dma_wait3A_197 = tpu.memref_slice %arg3[%dma_wait3A_196] : memref<320000xi32, #tpu.memory_space<hbm>> -> memref<40xi32, #tpu.memory_space<hbm>>
      tpu.wait_dma2 semaphore(%arg20 : memref<!tpu.dma_semaphore, #tpu.memory_space<semaphore_mem>>) src(%dma_wait3A_197 : memref<40xi32, #tpu.memory_space<hbm>>) dst(%dma_wait3A_195 : memref<40xi32, #tpu.memory_space<vmem>>)
      %dma_wait3A_198 = arith.constant 0 : i32
      %dma_wait3A_199 = tpu.memref_slice %arg6[%dma_wait3A_198] : memref<2000xi32, #tpu.memory_space<vmem>> -> memref<40xi32, #tpu.memory_space<vmem>>
      %dma_wait3A_200 = arith.constant 0 : i32
      %dma_wait3A_201 = arith.constant 0 : i32
      %dma_wait3A_202 = tpu.memref_slice %arg4[%dma_wait3A_200, %dma_wait3A_201] : memref<10000x128xf32, #tpu.memory_space<hbm>> -> memref<10000x128xf32, #tpu.memory_space<hbm>>
      tpu.wait_indirect_dma semaphore(%arg14 : memref<!tpu.dma_semaphore, #tpu.memory_space<semaphore_mem>>) src(%dma_wait3A_202 : memref<10000x128xf32, #tpu.memory_space<hbm>>) dst(%arg10 : memref<40x128xf32, #tpu.memory_space<vmem>>)
      %dma_start3A_203 = arith.constant 2 : i32
      %dma_start3A_204 = arith.constant 0 : i32
      %dma_start3A_205 = tpu.memref_slice %arg7[%dma_start3A_203, %dma_start3A_204] : memref<3x40xi32, #tpu.memory_space<vmem>> -> memref<1x40xi32, #tpu.memory_space<vmem>>
      %dma_start3A_206 = tpu.memref_squeeze %dma_start3A_205 : memref<1x40xi32, #tpu.memory_space<vmem>> -> memref<40xi32, #tpu.memory_space<vmem>>
      %dma_start3A_207 = arith.constant 0 : i32
      %dma_start3A_208 = arith.constant 0 : i32
      %dma_start3A_209 = tpu.memref_slice %arg11[%dma_start3A_207, %dma_start3A_208] : memref<10000x128xf32, #tpu.memory_space<vmem_shared>> -> memref<10000x128xf32, #tpu.memory_space<vmem_shared>>
      tpu.enqueue_indirect_dma source(%arg10 : memref<40x128xf32, #tpu.memory_space<vmem>>) target(%dma_start3A_209 : memref<10000x128xf32, #tpu.memory_space<vmem_shared>>) offsets(%dma_start3A_206 : memref<40xi32, #tpu.memory_space<vmem>>) semaphore(%arg17 : memref<!tpu.dma_semaphore, #tpu.memory_space<semaphore_mem>>) {add = true}
      %dma_wait3A_210 = arith.constant 0 : i32
      %dma_wait3A_211 = arith.constant 0 : i32
      %dma_wait3A_212 = tpu.memref_slice %arg7[%dma_wait3A_210, %dma_wait3A_211] : memref<3x40xi32, #tpu.memory_space<vmem>> -> memref<1x40xi32, #tpu.memory_space<vmem>>
      %dma_wait3A_213 = tpu.memref_squeeze %dma_wait3A_212 : memref<1x40xi32, #tpu.memory_space<vmem>> -> memref<40xi32, #tpu.memory_space<vmem>>
      %dma_wait3A_214 = arith.constant 0 : i32
      %dma_wait3A_215 = tpu.memref_slice %arg3[%dma_wait3A_214] : memref<320000xi32, #tpu.memory_space<hbm>> -> memref<40xi32, #tpu.memory_space<hbm>>
      %dma_wait3A_216 = arith.constant 0 : i32
      %dma_wait3A_217 = tpu.memref_slice %arg7[%dma_wait3A_210, %dma_wait3A_216] : memref<3x40xi32, #tpu.memory_space<vmem>> -> memref<1x40xi32, #tpu.memory_space<vmem>>
      %dma_wait3A_218 = tpu.memref_squeeze %dma_wait3A_217 : memref<1x40xi32, #tpu.memory_space<vmem>> -> memref<40xi32, #tpu.memory_space<vmem>>
      %dma_wait3A_219 = arith.constant 0 : i32
      %dma_wait3A_220 = tpu.memref_slice %arg3[%dma_wait3A_219] : memref<320000xi32, #tpu.memory_space<hbm>> -> memref<40xi32, #tpu.memory_space<hbm>>
      tpu.wait_dma2 semaphore(%arg18 : memref<!tpu.dma_semaphore, #tpu.memory_space<semaphore_mem>>) src(%dma_wait3A_220 : memref<40xi32, #tpu.memory_space<hbm>>) dst(%dma_wait3A_218 : memref<40xi32, #tpu.memory_space<vmem>>)
      %dma_wait3A_221 = arith.constant 0 : i32
      %dma_wait3A_222 = tpu.memref_slice %arg6[%dma_wait3A_221] : memref<2000xi32, #tpu.memory_space<vmem>> -> memref<40xi32, #tpu.memory_space<vmem>>
      %dma_wait3A_223 = arith.constant 0 : i32
      %dma_wait3A_224 = arith.constant 0 : i32
      %dma_wait3A_225 = tpu.memref_slice %arg4[%dma_wait3A_223, %dma_wait3A_224] : memref<10000x128xf32, #tpu.memory_space<hbm>> -> memref<10000x128xf32, #tpu.memory_space<hbm>>
      tpu.wait_indirect_dma semaphore(%arg12 : memref<!tpu.dma_semaphore, #tpu.memory_space<semaphore_mem>>) src(%dma_wait3A_225 : memref<10000x128xf32, #tpu.memory_space<hbm>>) dst(%arg8 : memref<40x128xf32, #tpu.memory_space<vmem>>)
      %dma_start3A_226 = arith.constant 0 : i32
      %dma_start3A_227 = arith.constant 0 : i32
      %dma_start3A_228 = tpu.memref_slice %arg7[%dma_start3A_226, %dma_start3A_227] : memref<3x40xi32, #tpu.memory_space<vmem>> -> memref<1x40xi32, #tpu.memory_space<vmem>>
      %dma_start3A_229 = tpu.memref_squeeze %dma_start3A_228 : memref<1x40xi32, #tpu.memory_space<vmem>> -> memref<40xi32, #tpu.memory_space<vmem>>
      %dma_start3A_230 = arith.constant 0 : i32
      %dma_start3A_231 = arith.constant 0 : i32
      %dma_start3A_232 = tpu.memref_slice %arg11[%dma_start3A_230, %dma_start3A_231] : memref<10000x128xf32, #tpu.memory_space<vmem_shared>> -> memref<10000x128xf32, #tpu.memory_space<vmem_shared>>
      tpu.enqueue_indirect_dma source(%arg8 : memref<40x128xf32, #tpu.memory_space<vmem>>) target(%dma_start3A_232 : memref<10000x128xf32, #tpu.memory_space<vmem_shared>>) offsets(%dma_start3A_229 : memref<40xi32, #tpu.memory_space<vmem>>) semaphore(%arg15 : memref<!tpu.dma_semaphore, #tpu.memory_space<semaphore_mem>>) {add = true}
      %dma_wait3A_233 = arith.constant 1 : i32
      %dma_wait3A_234 = arith.constant 0 : i32
      %dma_wait3A_235 = tpu.memref_slice %arg7[%dma_wait3A_233, %dma_wait3A_234] : memref<3x40xi32, #tpu.memory_space<vmem>> -> memref<1x40xi32, #tpu.memory_space<vmem>>
      %dma_wait3A_236 = tpu.memref_squeeze %dma_wait3A_235 : memref<1x40xi32, #tpu.memory_space<vmem>> -> memref<40xi32, #tpu.memory_space<vmem>>
      %dma_wait3A_237 = arith.constant 0 : i32
      %dma_wait3A_238 = tpu.memref_slice %arg3[%dma_wait3A_237] : memref<320000xi32, #tpu.memory_space<hbm>> -> memref<40xi32, #tpu.memory_space<hbm>>
      %dma_wait3A_239 = arith.constant 0 : i32
      %dma_wait3A_240 = tpu.memref_slice %arg7[%dma_wait3A_233, %dma_wait3A_239] : memref<3x40xi32, #tpu.memory_space<vmem>> -> memref<1x40xi32, #tpu.memory_space<vmem>>
      %dma_wait3A_241 = tpu.memref_squeeze %dma_wait3A_240 : memref<1x40xi32, #tpu.memory_space<vmem>> -> memref<40xi32, #tpu.memory_space<vmem>>
      %dma_wait3A_242 = arith.constant 0 : i32
      %dma_wait3A_243 = tpu.memref_slice %arg3[%dma_wait3A_242] : memref<320000xi32, #tpu.memory_space<hbm>> -> memref<40xi32, #tpu.memory_space<hbm>>
      tpu.wait_dma2 semaphore(%arg19 : memref<!tpu.dma_semaphore, #tpu.memory_space<semaphore_mem>>) src(%dma_wait3A_243 : memref<40xi32, #tpu.memory_space<hbm>>) dst(%dma_wait3A_241 : memref<40xi32, #tpu.memory_space<vmem>>)
      %dma_wait3A_244 = arith.constant 0 : i32
      %dma_wait3A_245 = tpu.memref_slice %arg6[%dma_wait3A_244] : memref<2000xi32, #tpu.memory_space<vmem>> -> memref<40xi32, #tpu.memory_space<vmem>>
      %dma_wait3A_246 = arith.constant 0 : i32
      %dma_wait3A_247 = arith.constant 0 : i32
      %dma_wait3A_248 = tpu.memref_slice %arg4[%dma_wait3A_246, %dma_wait3A_247] : memref<10000x128xf32, #tpu.memory_space<hbm>> -> memref<10000x128xf32, #tpu.memory_space<hbm>>
      tpu.wait_indirect_dma semaphore(%arg13 : memref<!tpu.dma_semaphore, #tpu.memory_space<semaphore_mem>>) src(%dma_wait3A_248 : memref<10000x128xf32, #tpu.memory_space<hbm>>) dst(%arg9 : memref<40x128xf32, #tpu.memory_space<vmem>>)
      %dma_start3A_249 = arith.constant 1 : i32
      %dma_start3A_250 = arith.constant 0 : i32
      %dma_start3A_251 = tpu.memref_slice %arg7[%dma_start3A_249, %dma_start3A_250] : memref<3x40xi32, #tpu.memory_space<vmem>> -> memref<1x40xi32, #tpu.memory_space<vmem>>
      %dma_start3A_252 = tpu.memref_squeeze %dma_start3A_251 : memref<1x40xi32, #tpu.memory_space<vmem>> -> memref<40xi32, #tpu.memory_space<vmem>>
      %dma_start3A_253 = arith.constant 0 : i32
      %dma_start3A_254 = arith.constant 0 : i32
      %dma_start3A_255 = tpu.memref_slice %arg11[%dma_start3A_253, %dma_start3A_254] : memref<10000x128xf32, #tpu.memory_space<vmem_shared>> -> memref<10000x128xf32, #tpu.memory_space<vmem_shared>>
      tpu.enqueue_indirect_dma source(%arg9 : memref<40x128xf32, #tpu.memory_space<vmem>>) target(%dma_start3A_255 : memref<10000x128xf32, #tpu.memory_space<vmem_shared>>) offsets(%dma_start3A_252 : memref<40xi32, #tpu.memory_space<vmem>>) semaphore(%arg16 : memref<!tpu.dma_semaphore, #tpu.memory_space<semaphore_mem>>) {add = true}
      %dma_wait3A_256 = arith.constant 0 : i32
      %dma_wait3A_257 = arith.constant 0 : i32
      %dma_wait3A_258 = tpu.memref_slice %arg7[%dma_wait3A_256, %dma_wait3A_257] : memref<3x40xi32, #tpu.memory_space<vmem>> -> memref<1x40xi32, #tpu.memory_space<vmem>>
      %dma_wait3A_259 = tpu.memref_squeeze %dma_wait3A_258 : memref<1x40xi32, #tpu.memory_space<vmem>> -> memref<40xi32, #tpu.memory_space<vmem>>
      %dma_wait3A_260 = arith.constant 0 : i32
      %dma_wait3A_261 = arith.constant 0 : i32
      %dma_wait3A_262 = tpu.memref_slice %arg11[%dma_wait3A_260, %dma_wait3A_261] : memref<10000x128xf32, #tpu.memory_space<vmem_shared>> -> memref<10000x128xf32, #tpu.memory_space<vmem_shared>>
      tpu.wait_indirect_dma semaphore(%arg15 : memref<!tpu.dma_semaphore, #tpu.memory_space<semaphore_mem>>) src(%arg8 : memref<40x128xf32, #tpu.memory_space<vmem>>) dst(%dma_wait3A_262 : memref<10000x128xf32, #tpu.memory_space<vmem_shared>>)
      %dma_wait3A_263 = arith.constant 0 : i32
      %dma_wait3A_264 = arith.constant 0 : i32
      %dma_wait3A_265 = tpu.memref_slice %arg7[%dma_wait3A_263, %dma_wait3A_264] : memref<3x40xi32, #tpu.memory_space<vmem>> -> memref<1x40xi32, #tpu.memory_space<vmem>>
      %dma_wait3A_266 = tpu.memref_squeeze %dma_wait3A_265 : memref<1x40xi32, #tpu.memory_space<vmem>> -> memref<40xi32, #tpu.memory_space<vmem>>
      %dma_wait3A_267 = arith.constant 0 : i32
      %dma_wait3A_268 = arith.constant 0 : i32
      %dma_wait3A_269 = tpu.memref_slice %arg11[%dma_wait3A_267, %dma_wait3A_268] : memref<10000x128xf32, #tpu.memory_space<vmem_shared>> -> memref<10000x128xf32, #tpu.memory_space<vmem_shared>>
      tpu.wait_indirect_dma semaphore(%arg16 : memref<!tpu.dma_semaphore, #tpu.memory_space<semaphore_mem>>) src(%arg9 : memref<40x128xf32, #tpu.memory_space<vmem>>) dst(%dma_wait3A_269 : memref<10000x128xf32, #tpu.memory_space<vmem_shared>>)
      %dma_wait3A_270 = arith.constant 0 : i32
      %dma_wait3A_271 = arith.constant 0 : i32
      %dma_wait3A_272 = tpu.memref_slice %arg7[%dma_wait3A_270, %dma_wait3A_271] : memref<3x40xi32, #tpu.memory_space<vmem>> -> memref<1x40xi32, #tpu.memory_space<vmem>>
      %dma_wait3A_273 = tpu.memref_squeeze %dma_wait3A_272 : memref<1x40xi32, #tpu.memory_space<vmem>> -> memref<40xi32, #tpu.memory_space<vmem>>
      %dma_wait3A_274 = arith.constant 0 : i32
      %dma_wait3A_275 = arith.constant 0 : i32
      %dma_wait3A_276 = tpu.memref_slice %arg11[%dma_wait3A_274, %dma_wait3A_275] : memref<10000x128xf32, #tpu.memory_space<vmem_shared>> -> memref<10000x128xf32, #tpu.memory_space<vmem_shared>>
      tpu.wait_indirect_dma semaphore(%arg17 : memref<!tpu.dma_semaphore, #tpu.memory_space<semaphore_mem>>) src(%arg10 : memref<40x128xf32, #tpu.memory_space<vmem>>) dst(%dma_wait3A_276 : memref<10000x128xf32, #tpu.memory_space<vmem_shared>>)
      %scan3A_277 = arith.constant 0 : i32
      scf.yield %scan3A_277 : i32
    }
    %scan3A_16 = arith.constant 5 : i32
    %barrier3A_17 = arith.constant 0 : index
    tpu.barrier barrier_id(%barrier3A_17)
    %mul3A_18 = arith.constant 624 : i32
    %mul3A_19 = arith.muli %arg1, %mul3A_18 : i32
    %multiple_of3A_20 = tpu.assume_multiple %mul3A_19, 8 : i32
    %lt3A_21 = arith.constant 15 : i32
    %lt3A_22 = arith.cmpi slt, %arg1, %lt3A_21 : i32
    %convert_element_type3A_23 = arith.extui %lt3A_22 : i1 to i32
    %cond3A_24 = arith.constant 0 : i32
    %cond3A_25 = arith.cmpi ne, %convert_element_type3A_23, %cond3A_24 : i32
    scf.if %cond3A_25 {
      "tpu.region"() ({
        %run_scoped3A = tpu.sem_alloc : memref<!tpu.dma_semaphore, #tpu.memory_space<semaphore_mem>>
        %dma_start3A = arith.constant 0 : i32
        %dma_start3A_31 = arith.constant 0 : i32
        %dma_start3A_32 = tpu.memref_slice %arg5[%arg0, %dma_start3A, %dma_start3A_31] : memref<2x10000x128xf32, #tpu.memory_space<hbm>> -> memref<1x10000x128xf32, #tpu.memory_space<hbm>>
        %dma_start3A_33 = tpu.memref_squeeze %dma_start3A_32 : memref<1x10000x128xf32, #tpu.memory_space<hbm>> -> memref<10000x128xf32, #tpu.memory_space<hbm>>
        %dma_start3A_34 = arith.constant 0 : i32
        %dma_start3A_35 = tpu.memref_slice %dma_start3A_33[%multiple_of3A_20, %dma_start3A_34] : memref<10000x128xf32, #tpu.memory_space<hbm>> -> memref<624x128xf32, #tpu.memory_space<hbm>>
        %dma_start3A_36 = arith.constant 0 : i32
        %dma_start3A_37 = tpu.memref_slice %arg11[%multiple_of3A_20, %dma_start3A_36] : memref<10000x128xf32, #tpu.memory_space<vmem_shared>> -> memref<624x128xf32, #tpu.memory_space<vmem_shared>>
        tpu.enqueue_dma source(%dma_start3A_37 : memref<624x128xf32, #tpu.memory_space<vmem_shared>>) target(%dma_start3A_35 : memref<624x128xf32, #tpu.memory_space<hbm>>) target_semaphore(%run_scoped3A : memref<!tpu.dma_semaphore, #tpu.memory_space<semaphore_mem>>)
        %dma_wait3A = arith.constant 0 : i32
        %dma_wait3A_38 = arith.constant 0 : i32
        %dma_wait3A_39 = tpu.memref_slice %arg5[%arg0, %dma_wait3A, %dma_wait3A_38] : memref<2x10000x128xf32, #tpu.memory_space<hbm>> -> memref<1x10000x128xf32, #tpu.memory_space<hbm>>
        %dma_wait3A_40 = tpu.memref_squeeze %dma_wait3A_39 : memref<1x10000x128xf32, #tpu.memory_space<hbm>> -> memref<10000x128xf32, #tpu.memory_space<hbm>>
        %dma_wait3A_41 = arith.constant 0 : i32
        %dma_wait3A_42 = tpu.memref_slice %dma_wait3A_40[%multiple_of3A_20, %dma_wait3A_41] : memref<10000x128xf32, #tpu.memory_space<hbm>> -> memref<624x128xf32, #tpu.memory_space<hbm>>
        %dma_wait3A_43 = arith.constant 0 : i32
        %dma_wait3A_44 = tpu.memref_slice %arg11[%multiple_of3A_20, %dma_wait3A_43] : memref<10000x128xf32, #tpu.memory_space<vmem_shared>> -> memref<624x128xf32, #tpu.memory_space<vmem_shared>>
        tpu.wait_dma2 semaphore(%run_scoped3A : memref<!tpu.dma_semaphore, #tpu.memory_space<semaphore_mem>>) src(%dma_wait3A_44 : memref<624x128xf32, #tpu.memory_space<vmem_shared>>) dst(%dma_wait3A_42 : memref<624x128xf32, #tpu.memory_space<hbm>>)
        tpu.yield
      }) : () -> ()
    } else {
    }
    %eq3A_26 = arith.constant 15 : i32
    %eq3A_27 = arith.cmpi eq, %arg1, %eq3A_26 : i32
    %convert_element_type3A_28 = arith.extui %eq3A_27 : i1 to i32
    %cond3A_29 = arith.constant 0 : i32
    %cond3A_30 = arith.cmpi ne, %convert_element_type3A_28, %cond3A_29 : i32
    scf.if %cond3A_30 {
      "tpu.region"() ({
        %run_scoped3A = tpu.sem_alloc : memref<!tpu.dma_semaphore, #tpu.memory_space<semaphore_mem>>
        %dma_start3A = arith.constant 0 : i32
        %dma_start3A_31 = arith.constant 0 : i32
        %dma_start3A_32 = tpu.memref_slice %arg5[%arg0, %dma_start3A, %dma_start3A_31] : memref<2x10000x128xf32, #tpu.memory_space<hbm>> -> memref<1x10000x128xf32, #tpu.memory_space<hbm>>
        %dma_start3A_33 = tpu.memref_squeeze %dma_start3A_32 : memref<1x10000x128xf32, #tpu.memory_space<hbm>> -> memref<10000x128xf32, #tpu.memory_space<hbm>>
        %dma_start3A_34 = arith.constant 9360 : i32
        %dma_start3A_35 = arith.constant 0 : i32
        %dma_start3A_36 = tpu.memref_slice %dma_start3A_33[%dma_start3A_34, %dma_start3A_35] : memref<10000x128xf32, #tpu.memory_space<hbm>> -> memref<640x128xf32, #tpu.memory_space<hbm>>
        %dma_start3A_37 = arith.constant 9360 : i32
        %dma_start3A_38 = arith.constant 0 : i32
        %dma_start3A_39 = tpu.memref_slice %arg11[%dma_start3A_37, %dma_start3A_38] : memref<10000x128xf32, #tpu.memory_space<vmem_shared>> -> memref<640x128xf32, #tpu.memory_space<vmem_shared>>
        tpu.enqueue_dma source(%dma_start3A_39 : memref<640x128xf32, #tpu.memory_space<vmem_shared>>) target(%dma_start3A_36 : memref<640x128xf32, #tpu.memory_space<hbm>>) target_semaphore(%run_scoped3A : memref<!tpu.dma_semaphore, #tpu.memory_space<semaphore_mem>>)
        %dma_wait3A = arith.constant 0 : i32
        %dma_wait3A_40 = arith.constant 0 : i32
        %dma_wait3A_41 = tpu.memref_slice %arg5[%arg0, %dma_wait3A, %dma_wait3A_40] : memref<2x10000x128xf32, #tpu.memory_space<hbm>> -> memref<1x10000x128xf32, #tpu.memory_space<hbm>>
        %dma_wait3A_42 = tpu.memref_squeeze %dma_wait3A_41 : memref<1x10000x128xf32, #tpu.memory_space<hbm>> -> memref<10000x128xf32, #tpu.memory_space<hbm>>
        %dma_wait3A_43 = arith.constant 9360 : i32
        %dma_wait3A_44 = arith.constant 0 : i32
        %dma_wait3A_45 = tpu.memref_slice %dma_wait3A_42[%dma_wait3A_43, %dma_wait3A_44] : memref<10000x128xf32, #tpu.memory_space<hbm>> -> memref<640x128xf32, #tpu.memory_space<hbm>>
        %dma_wait3A_46 = arith.constant 9360 : i32
        %dma_wait3A_47 = arith.constant 0 : i32
        %dma_wait3A_48 = tpu.memref_slice %arg11[%dma_wait3A_46, %dma_wait3A_47] : memref<10000x128xf32, #tpu.memory_space<vmem_shared>> -> memref<640x128xf32, #tpu.memory_space<vmem_shared>>
        tpu.wait_dma2 semaphore(%run_scoped3A : memref<!tpu.dma_semaphore, #tpu.memory_space<semaphore_mem>>) src(%dma_wait3A_48 : memref<640x128xf32, #tpu.memory_space<vmem_shared>>) dst(%dma_wait3A_45 : memref<640x128xf32, #tpu.memory_space<hbm>>)
        tpu.yield
      }) : () -> ()
    } else {
    }
    return
  }
}

#map = affine_map<(d0, d1) -> (0)>
#map1 = affine_map<(d0, d1) -> (0, 0)>
#map2 = affine_map<(d0, d1) -> (0, 0, 0)>
module attributes {stable_mosaic.version = 14 : i64} {
  func.func @_agg_body(%arg0: i32, %arg1: i32, %arg2: memref<320000xi32, #tpu.memory_space<hbm>>, %arg3: memref<320000xi32, #tpu.memory_space<hbm>>, %arg4: memref<10000x128xf32, #tpu.memory_space<hbm>>, %arg5: memref<2x10000x128xf32, #tpu.memory_space<hbm>>, %arg6: memref<2000xi32, #tpu.memory_space<vmem>>, %arg7: memref<3x40xi32, #tpu.memory_space<vmem>>, %arg8: memref<40x128xf32, #tpu.memory_space<vmem>>, %arg9: memref<40x128xf32, #tpu.memory_space<vmem>>, %arg10: memref<40x128xf32, #tpu.memory_space<vmem>>, %arg11: memref<10000x128xf32, #tpu.memory_space<vmem_shared>>, %arg12: memref<!tpu.dma_semaphore, #tpu.memory_space<semaphore_mem>>, %arg13: memref<!tpu.dma_semaphore, #tpu.memory_space<semaphore_mem>>, %arg14: memref<!tpu.dma_semaphore, #tpu.memory_space<semaphore_mem>>, %arg15: memref<!tpu.dma_semaphore, #tpu.memory_space<semaphore_mem>>, %arg16: memref<!tpu.dma_semaphore, #tpu.memory_space<semaphore_mem>>, %arg17: memref<!tpu.dma_semaphore, #tpu.memory_space<semaphore_mem>>, %arg18: memref<!tpu.dma_semaphore, #tpu.memory_space<semaphore_mem>>, %arg19: memref<!tpu.dma_semaphore, #tpu.memory_space<semaphore_mem>>, %arg20: memref<!tpu.dma_semaphore, #tpu.memory_space<semaphore_mem>>) attributes {dimension_semantics = [#tpu.dimension_semantics<core_parallel>, #tpu.dimension_semantics<subcore_parallel>], iteration_bounds = array<i64: 2, 16>, scalar_prefetch = 0 : i64, scratch_operands = 15 : i64, tpu.core_type = #tpu.core_type<sc_vector_subcore>, window_params = [{transform_indices = #map}, {transform_indices = #map}, {transform_indices = #map1}, {transform_indices = #map2}]} {
    %mul3A = arith.constant 624 : i32
    %mul3A_0 = arith.muli %arg1, %mul3A : i32
    %multiple_of3A = tpu.assume_multiple %mul3A_0, 8 : i32
    %lt3A = arith.constant 15 : i32
    %lt3A_1 = arith.cmpi slt, %arg1, %lt3A : i32
    %convert_element_type3A = arith.extui %lt3A_1 : i1 to i32
    %cond3A = arith.constant 0 : i32
    %cond3A_2 = arith.cmpi ne, %convert_element_type3A, %cond3A : i32
    scf.if %cond3A_2 {
      "tpu.region"() ({
        %run_scoped3A = tpu.sem_alloc : memref<!tpu.dma_semaphore, #tpu.memory_space<semaphore_mem>>
        %dma_start3A = arith.constant 0 : i32
        %dma_start3A_31 = tpu.memref_slice %arg11[%multiple_of3A, %dma_start3A] : memref<10000x128xf32, #tpu.memory_space<vmem_shared>> -> memref<624x128xf32, #tpu.memory_space<vmem_shared>>
        %dma_start3A_32 = arith.constant 0 : i32
        %dma_start3A_33 = tpu.memref_slice %arg4[%multiple_of3A, %dma_start3A_32] : memref<10000x128xf32, #tpu.memory_space<hbm>> -> memref<624x128xf32, #tpu.memory_space<hbm>>
        tpu.enqueue_dma source(%dma_start3A_33 : memref<624x128xf32, #tpu.memory_space<hbm>>) target(%dma_start3A_31 : memref<624x128xf32, #tpu.memory_space<vmem_shared>>) target_semaphore(%run_scoped3A : memref<!tpu.dma_semaphore, #tpu.memory_space<semaphore_mem>>)
        %dma_wait3A = arith.constant 0 : i32
        %dma_wait3A_34 = tpu.memref_slice %arg11[%multiple_of3A, %dma_wait3A] : memref<10000x128xf32, #tpu.memory_space<vmem_shared>> -> memref<624x128xf32, #tpu.memory_space<vmem_shared>>
        %dma_wait3A_35 = arith.constant 0 : i32
        %dma_wait3A_36 = tpu.memref_slice %arg4[%multiple_of3A, %dma_wait3A_35] : memref<10000x128xf32, #tpu.memory_space<hbm>> -> memref<624x128xf32, #tpu.memory_space<hbm>>
        tpu.wait_dma2 semaphore(%run_scoped3A : memref<!tpu.dma_semaphore, #tpu.memory_space<semaphore_mem>>) src(%dma_wait3A_36 : memref<624x128xf32, #tpu.memory_space<hbm>>) dst(%dma_wait3A_34 : memref<624x128xf32, #tpu.memory_space<vmem_shared>>)
        tpu.yield
      }) : () -> ()
    } else {
    }
    %eq3A = arith.constant 15 : i32
    %eq3A_3 = arith.cmpi eq, %arg1, %eq3A : i32
    %convert_element_type3A_4 = arith.extui %eq3A_3 : i1 to i32
    %cond3A_5 = arith.constant 0 : i32
    %cond3A_6 = arith.cmpi ne, %convert_element_type3A_4, %cond3A_5 : i32
    scf.if %cond3A_6 {
      "tpu.region"() ({
        %run_scoped3A = tpu.sem_alloc : memref<!tpu.dma_semaphore, #tpu.memory_space<semaphore_mem>>
        %dma_start3A = arith.constant 9360 : i32
        %dma_start3A_31 = arith.constant 0 : i32
        %dma_start3A_32 = tpu.memref_slice %arg11[%dma_start3A, %dma_start3A_31] : memref<10000x128xf32, #tpu.memory_space<vmem_shared>> -> memref<640x128xf32, #tpu.memory_space<vmem_shared>>
        %dma_start3A_33 = arith.constant 9360 : i32
        %dma_start3A_34 = arith.constant 0 : i32
        %dma_start3A_35 = tpu.memref_slice %arg4[%dma_start3A_33, %dma_start3A_34] : memref<10000x128xf32, #tpu.memory_space<hbm>> -> memref<640x128xf32, #tpu.memory_space<hbm>>
        tpu.enqueue_dma source(%dma_start3A_35 : memref<640x128xf32, #tpu.memory_space<hbm>>) target(%dma_start3A_32 : memref<640x128xf32, #tpu.memory_space<vmem_shared>>) target_semaphore(%run_scoped3A : memref<!tpu.dma_semaphore, #tpu.memory_space<semaphore_mem>>)
        %dma_wait3A = arith.constant 9360 : i32
        %dma_wait3A_36 = arith.constant 0 : i32
        %dma_wait3A_37 = tpu.memref_slice %arg11[%dma_wait3A, %dma_wait3A_36] : memref<10000x128xf32, #tpu.memory_space<vmem_shared>> -> memref<640x128xf32, #tpu.memory_space<vmem_shared>>
        %dma_wait3A_38 = arith.constant 9360 : i32
        %dma_wait3A_39 = arith.constant 0 : i32
        %dma_wait3A_40 = tpu.memref_slice %arg4[%dma_wait3A_38, %dma_wait3A_39] : memref<10000x128xf32, #tpu.memory_space<hbm>> -> memref<640x128xf32, #tpu.memory_space<hbm>>
        tpu.wait_dma2 semaphore(%run_scoped3A : memref<!tpu.dma_semaphore, #tpu.memory_space<semaphore_mem>>) src(%dma_wait3A_40 : memref<640x128xf32, #tpu.memory_space<hbm>>) dst(%dma_wait3A_37 : memref<640x128xf32, #tpu.memory_space<vmem_shared>>)
        tpu.yield
      }) : () -> ()
    } else {
    }
    %barrier3A = arith.constant 0 : index
    tpu.barrier barrier_id(%barrier3A)
    %mul3A_7 = arith.constant 16 : i32
    %mul3A_8 = arith.muli %arg0, %mul3A_7 : i32
    %add3A = arith.addi %mul3A_8, %arg1 : i32
    %mul3A_9 = arith.constant 10000 : i32
    %mul3A_10 = arith.muli %add3A, %mul3A_9 : i32
    %scan3A = arith.constant 0 : i32
    %scan3A_11 = arith.constant 0 : i32
    %scan3A_12 = arith.constant 5 : i32
    %scan3A_13 = arith.addi %scan3A_11, %scan3A_12 : i32
    %scan3A_14 = arith.constant 1 : i32
    %scan3A_15 = scf.for %scan3A_31 = %scan3A_11 to %scan3A_13 step %scan3A_14 iter_args(%scan3A_32 = %scan3A) -> (i32)  : i32 {
      %mul3A_33 = arith.constant 2000 : i32
      %mul3A_34 = arith.muli %scan3A_31, %mul3A_33 : i32
      %add3A_35 = arith.addi %mul3A_10, %mul3A_34 : i32
      %multiple_of3A_36 = tpu.assume_multiple %add3A_35, 8 : i32
      "tpu.region"() ({
        %run_scoped3A = tpu.sem_alloc : memref<!tpu.dma_semaphore, #tpu.memory_space<semaphore_mem>>
        %dma_start3A_278 = tpu.memref_slice %arg2[%multiple_of3A_36] : memref<320000xi32, #tpu.memory_space<hbm>> -> memref<2000xi32, #tpu.memory_space<hbm>>
        %dma_start3A_279 = tpu.memref_slice %arg2[%multiple_of3A_36] : memref<320000xi32, #tpu.memory_space<hbm>> -> memref<2000xi32, #tpu.memory_space<hbm>>
        tpu.enqueue_dma source(%dma_start3A_279 : memref<2000xi32, #tpu.memory_space<hbm>>) target(%arg6 : memref<2000xi32, #tpu.memory_space<vmem>>) target_semaphore(%run_scoped3A : memref<!tpu.dma_semaphore, #tpu.memory_space<semaphore_mem>>)
        %dma_wait3A_280 = tpu.memref_slice %arg2[%multiple_of3A_36] : memref<320000xi32, #tpu.memory_space<hbm>> -> memref<2000xi32, #tpu.memory_space<hbm>>
        %dma_wait3A_281 = tpu.memref_slice %arg2[%multiple_of3A_36] : memref<320000xi32, #tpu.memory_space<hbm>> -> memref<2000xi32, #tpu.memory_space<hbm>>
        tpu.wait_dma2 semaphore(%run_scoped3A : memref<!tpu.dma_semaphore, #tpu.memory_space<semaphore_mem>>) src(%dma_wait3A_281 : memref<2000xi32, #tpu.memory_space<hbm>>) dst(%arg6 : memref<2000xi32, #tpu.memory_space<vmem>>)
        tpu.yield
      }) : () -> ()
      %add3A_37 = arith.constant 0 : i32
      %add3A_38 = arith.addi %multiple_of3A_36, %add3A_37 : i32
      %multiple_of3A_39 = tpu.assume_multiple %add3A_38, 8 : i32
      %dma_start3A = arith.constant 0 : i32
      %dma_start3A_40 = arith.constant 0 : i32
      %dma_start3A_41 = tpu.memref_slice %arg7[%dma_start3A, %dma_start3A_40] : memref<3x40xi32, #tpu.memory_space<vmem>> -> memref<1x40xi32, #tpu.memory_space<vmem>>
      %dma_start3A_42 = tpu.memref_squeeze %dma_start3A_41 : memref<1x40xi32, #tpu.memory_space<vmem>> -> memref<40xi32, #tpu.memory_space<vmem>>
      %dma_start3A_43 = tpu.memref_slice %arg3[%multiple_of3A_39] : memref<320000xi32, #tpu.memory_space<hbm>> -> memref<40xi32, #tpu.memory_space<hbm>>
      %dma_start3A_44 = arith.constant 0 : i32
      %dma_start3A_45 = tpu.memref_slice %arg7[%dma_start3A, %dma_start3A_44] : memref<3x40xi32, #tpu.memory_space<vmem>> -> memref<1x40xi32, #tpu.memory_space<vmem>>
      %dma_start3A_46 = tpu.memref_squeeze %dma_start3A_45 : memref<1x40xi32, #tpu.memory_space<vmem>> -> memref<40xi32, #tpu.memory_space<vmem>>
      %dma_start3A_47 = tpu.memref_slice %arg3[%multiple_of3A_39] : memref<320000xi32, #tpu.memory_space<hbm>> -> memref<40xi32, #tpu.memory_space<hbm>>
      tpu.enqueue_dma source(%dma_start3A_47 : memref<40xi32, #tpu.memory_space<hbm>>) target(%dma_start3A_46 : memref<40xi32, #tpu.memory_space<vmem>>) target_semaphore(%arg18 : memref<!tpu.dma_semaphore, #tpu.memory_space<semaphore_mem>>)
      %dma_start3A_48 = arith.constant 0 : i32
      %dma_start3A_49 = tpu.memref_slice %arg6[%dma_start3A_48] : memref<2000xi32, #tpu.memory_space<vmem>> -> memref<40xi32, #tpu.memory_space<vmem>>
      %dma_start3A_50 = arith.constant 0 : i32
      %dma_start3A_51 = arith.constant 0 : i32
      %dma_start3A_52 = tpu.memref_slice %arg4[%dma_start3A_50, %dma_start3A_51] : memref<10000x128xf32, #tpu.memory_space<hbm>> -> memref<10000x128xf32, #tpu.memory_space<hbm>>
      tpu.enqueue_indirect_dma source(%dma_start3A_52 : memref<10000x128xf32, #tpu.memory_space<hbm>>) target(%arg8 : memref<40x128xf32, #tpu.memory_space<vmem>>) offsets(%dma_start3A_49 : memref<40xi32, #tpu.memory_space<vmem>>) semaphore(%arg12 : memref<!tpu.dma_semaphore, #tpu.memory_space<semaphore_mem>>)
      %add3A_53 = arith.constant 40 : i32
      %add3A_54 = arith.addi %multiple_of3A_36, %add3A_53 : i32
      %multiple_of3A_55 = tpu.assume_multiple %add3A_54, 8 : i32
      %dma_start3A_56 = arith.constant 1 : i32
      %dma_start3A_57 = arith.constant 0 : i32
      %dma_start3A_58 = tpu.memref_slice %arg7[%dma_start3A_56, %dma_start3A_57] : memref<3x40xi32, #tpu.memory_space<vmem>> -> memref<1x40xi32, #tpu.memory_space<vmem>>
      %dma_start3A_59 = tpu.memref_squeeze %dma_start3A_58 : memref<1x40xi32, #tpu.memory_space<vmem>> -> memref<40xi32, #tpu.memory_space<vmem>>
      %dma_start3A_60 = tpu.memref_slice %arg3[%multiple_of3A_55] : memref<320000xi32, #tpu.memory_space<hbm>> -> memref<40xi32, #tpu.memory_space<hbm>>
      %dma_start3A_61 = arith.constant 0 : i32
      %dma_start3A_62 = tpu.memref_slice %arg7[%dma_start3A_56, %dma_start3A_61] : memref<3x40xi32, #tpu.memory_space<vmem>> -> memref<1x40xi32, #tpu.memory_space<vmem>>
      %dma_start3A_63 = tpu.memref_squeeze %dma_start3A_62 : memref<1x40xi32, #tpu.memory_space<vmem>> -> memref<40xi32, #tpu.memory_space<vmem>>
      %dma_start3A_64 = tpu.memref_slice %arg3[%multiple_of3A_55] : memref<320000xi32, #tpu.memory_space<hbm>> -> memref<40xi32, #tpu.memory_space<hbm>>
      tpu.enqueue_dma source(%dma_start3A_64 : memref<40xi32, #tpu.memory_space<hbm>>) target(%dma_start3A_63 : memref<40xi32, #tpu.memory_space<vmem>>) target_semaphore(%arg19 : memref<!tpu.dma_semaphore, #tpu.memory_space<semaphore_mem>>)
      %dma_start3A_65 = arith.constant 40 : i32
      %dma_start3A_66 = tpu.memref_slice %arg6[%dma_start3A_65] : memref<2000xi32, #tpu.memory_space<vmem>> -> memref<40xi32, #tpu.memory_space<vmem>>
      %dma_start3A_67 = arith.constant 0 : i32
      %dma_start3A_68 = arith.constant 0 : i32
      %dma_start3A_69 = tpu.memref_slice %arg4[%dma_start3A_67, %dma_start3A_68] : memref<10000x128xf32, #tpu.memory_space<hbm>> -> memref<10000x128xf32, #tpu.memory_space<hbm>>
      tpu.enqueue_indirect_dma source(%dma_start3A_69 : memref<10000x128xf32, #tpu.memory_space<hbm>>) target(%arg9 : memref<40x128xf32, #tpu.memory_space<vmem>>) offsets(%dma_start3A_66 : memref<40xi32, #tpu.memory_space<vmem>>) semaphore(%arg13 : memref<!tpu.dma_semaphore, #tpu.memory_space<semaphore_mem>>)
      %add3A_70 = arith.constant 80 : i32
      %add3A_71 = arith.addi %multiple_of3A_36, %add3A_70 : i32
      %multiple_of3A_72 = tpu.assume_multiple %add3A_71, 8 : i32
      %dma_start3A_73 = arith.constant 2 : i32
      %dma_start3A_74 = arith.constant 0 : i32
      %dma_start3A_75 = tpu.memref_slice %arg7[%dma_start3A_73, %dma_start3A_74] : memref<3x40xi32, #tpu.memory_space<vmem>> -> memref<1x40xi32, #tpu.memory_space<vmem>>
      %dma_start3A_76 = tpu.memref_squeeze %dma_start3A_75 : memref<1x40xi32, #tpu.memory_space<vmem>> -> memref<40xi32, #tpu.memory_space<vmem>>
      %dma_start3A_77 = tpu.memref_slice %arg3[%multiple_of3A_72] : memref<320000xi32, #tpu.memory_space<hbm>> -> memref<40xi32, #tpu.memory_space<hbm>>
      %dma_start3A_78 = arith.constant 0 : i32
      %dma_start3A_79 = tpu.memref_slice %arg7[%dma_start3A_73, %dma_start3A_78] : memref<3x40xi32, #tpu.memory_space<vmem>> -> memref<1x40xi32, #tpu.memory_space<vmem>>
      %dma_start3A_80 = tpu.memref_squeeze %dma_start3A_79 : memref<1x40xi32, #tpu.memory_space<vmem>> -> memref<40xi32, #tpu.memory_space<vmem>>
      %dma_start3A_81 = tpu.memref_slice %arg3[%multiple_of3A_72] : memref<320000xi32, #tpu.memory_space<hbm>> -> memref<40xi32, #tpu.memory_space<hbm>>
      tpu.enqueue_dma source(%dma_start3A_81 : memref<40xi32, #tpu.memory_space<hbm>>) target(%dma_start3A_80 : memref<40xi32, #tpu.memory_space<vmem>>) target_semaphore(%arg20 : memref<!tpu.dma_semaphore, #tpu.memory_space<semaphore_mem>>)
      %dma_start3A_82 = arith.constant 80 : i32
      %dma_start3A_83 = tpu.memref_slice %arg6[%dma_start3A_82] : memref<2000xi32, #tpu.memory_space<vmem>> -> memref<40xi32, #tpu.memory_space<vmem>>
      %dma_start3A_84 = arith.constant 0 : i32
      %dma_start3A_85 = arith.constant 0 : i32
      %dma_start3A_86 = tpu.memref_slice %arg4[%dma_start3A_84, %dma_start3A_85] : memref<10000x128xf32, #tpu.memory_space<hbm>> -> memref<10000x128xf32, #tpu.memory_space<hbm>>
      tpu.enqueue_indirect_dma source(%dma_start3A_86 : memref<10000x128xf32, #tpu.memory_space<hbm>>) target(%arg10 : memref<40x128xf32, #tpu.memory_space<vmem>>) offsets(%dma_start3A_83 : memref<40xi32, #tpu.memory_space<vmem>>) semaphore(%arg14 : memref<!tpu.dma_semaphore, #tpu.memory_space<semaphore_mem>>)
      %scan3A_87 = arith.constant 0 : i32
      %scan3A_88 = arith.constant 0 : i32
      %scan3A_89 = arith.constant 15 : i32
      %scan3A_90 = arith.addi %scan3A_88, %scan3A_89 : i32
      %scan3A_91 = arith.constant 1 : i32
      %scan3A_92 = scf.for %scan3A_278 = %scan3A_88 to %scan3A_90 step %scan3A_91 iter_args(%scan3A_279 = %scan3A_87) -> (i32)  : i32 {
        %mul3A_280 = arith.constant 3 : i32
        %mul3A_281 = arith.muli %mul3A_280, %scan3A_278 : i32
        %dma_wait3A_282 = arith.constant 0 : i32
        %dma_wait3A_283 = arith.constant 0 : i32
        %dma_wait3A_284 = tpu.memref_slice %arg7[%dma_wait3A_282, %dma_wait3A_283] : memref<3x40xi32, #tpu.memory_space<vmem>> -> memref<1x40xi32, #tpu.memory_space<vmem>>
        %dma_wait3A_285 = tpu.memref_squeeze %dma_wait3A_284 : memref<1x40xi32, #tpu.memory_space<vmem>> -> memref<40xi32, #tpu.memory_space<vmem>>
        %dma_wait3A_286 = arith.constant 0 : i32
        %dma_wait3A_287 = tpu.memref_slice %arg3[%dma_wait3A_286] : memref<320000xi32, #tpu.memory_space<hbm>> -> memref<40xi32, #tpu.memory_space<hbm>>
        %dma_wait3A_288 = arith.constant 0 : i32
        %dma_wait3A_289 = tpu.memref_slice %arg7[%dma_wait3A_282, %dma_wait3A_288] : memref<3x40xi32, #tpu.memory_space<vmem>> -> memref<1x40xi32, #tpu.memory_space<vmem>>
        %dma_wait3A_290 = tpu.memref_squeeze %dma_wait3A_289 : memref<1x40xi32, #tpu.memory_space<vmem>> -> memref<40xi32, #tpu.memory_space<vmem>>
        %dma_wait3A_291 = arith.constant 0 : i32
        %dma_wait3A_292 = tpu.memref_slice %arg3[%dma_wait3A_291] : memref<320000xi32, #tpu.memory_space<hbm>> -> memref<40xi32, #tpu.memory_space<hbm>>
        tpu.wait_dma2 semaphore(%arg18 : memref<!tpu.dma_semaphore, #tpu.memory_space<semaphore_mem>>) src(%dma_wait3A_292 : memref<40xi32, #tpu.memory_space<hbm>>) dst(%dma_wait3A_290 : memref<40xi32, #tpu.memory_space<vmem>>)
        %dma_wait3A_293 = arith.constant 0 : i32
        %dma_wait3A_294 = tpu.memref_slice %arg6[%dma_wait3A_293] : memref<2000xi32, #tpu.memory_space<vmem>> -> memref<40xi32, #tpu.memory_space<vmem>>
        %dma_wait3A_295 = arith.constant 0 : i32
        %dma_wait3A_296 = arith.constant 0 : i32
        %dma_wait3A_297 = tpu.memref_slice %arg4[%dma_wait3A_295, %dma_wait3A_296] : memref<10000x128xf32, #tpu.memory_space<hbm>> -> memref<10000x128xf32, #tpu.memory_space<hbm>>
        tpu.wait_indirect_dma semaphore(%arg12 : memref<!tpu.dma_semaphore, #tpu.memory_space<semaphore_mem>>) src(%dma_wait3A_297 : memref<10000x128xf32, #tpu.memory_space<hbm>>) dst(%arg8 : memref<40x128xf32, #tpu.memory_space<vmem>>)
        %dma_start3A_298 = arith.constant 0 : i32
        %dma_start3A_299 = arith.constant 0 : i32
        %dma_start3A_300 = tpu.memref_slice %arg7[%dma_start3A_298, %dma_start3A_299] : memref<3x40xi32, #tpu.memory_space<vmem>> -> memref<1x40xi32, #tpu.memory_space<vmem>>
        %dma_start3A_301 = tpu.memref_squeeze %dma_start3A_300 : memref<1x40xi32, #tpu.memory_space<vmem>> -> memref<40xi32, #tpu.memory_space<vmem>>
        %dma_start3A_302 = arith.constant 0 : i32
        %dma_start3A_303 = arith.constant 0 : i32
        %dma_start3A_304 = tpu.memref_slice %arg11[%dma_start3A_302, %dma_start3A_303] : memref<10000x128xf32, #tpu.memory_space<vmem_shared>> -> memref<10000x128xf32, #tpu.memory_space<vmem_shared>>
        tpu.enqueue_indirect_dma source(%arg8 : memref<40x128xf32, #tpu.memory_space<vmem>>) target(%dma_start3A_304 : memref<10000x128xf32, #tpu.memory_space<vmem_shared>>) offsets(%dma_start3A_301 : memref<40xi32, #tpu.memory_space<vmem>>) semaphore(%arg15 : memref<!tpu.dma_semaphore, #tpu.memory_space<semaphore_mem>>) {add = true}
        %dma_wait3A_305 = arith.constant 0 : i32
        %dma_wait3A_306 = arith.constant 0 : i32
        %dma_wait3A_307 = tpu.memref_slice %arg7[%dma_wait3A_305, %dma_wait3A_306] : memref<3x40xi32, #tpu.memory_space<vmem>> -> memref<1x40xi32, #tpu.memory_space<vmem>>
        %dma_wait3A_308 = tpu.memref_squeeze %dma_wait3A_307 : memref<1x40xi32, #tpu.memory_space<vmem>> -> memref<40xi32, #tpu.memory_space<vmem>>
        %dma_wait3A_309 = arith.constant 0 : i32
        %dma_wait3A_310 = arith.constant 0 : i32
        %dma_wait3A_311 = tpu.memref_slice %arg11[%dma_wait3A_309, %dma_wait3A_310] : memref<10000x128xf32, #tpu.memory_space<vmem_shared>> -> memref<10000x128xf32, #tpu.memory_space<vmem_shared>>
        tpu.wait_indirect_dma semaphore(%arg15 : memref<!tpu.dma_semaphore, #tpu.memory_space<semaphore_mem>>) src(%arg8 : memref<40x128xf32, #tpu.memory_space<vmem>>) dst(%dma_wait3A_311 : memref<10000x128xf32, #tpu.memory_space<vmem_shared>>)
        %add3A_312 = arith.constant 3 : i32
        %add3A_313 = arith.addi %mul3A_281, %add3A_312 : i32
        %add3A_314 = arith.constant 0 : i32
        %add3A_315 = arith.addi %add3A_313, %add3A_314 : i32
        %mul3A_316 = arith.constant 40 : i32
        %mul3A_317 = arith.muli %add3A_315, %mul3A_316 : i32
        %add3A_318 = arith.addi %multiple_of3A_36, %mul3A_317 : i32
        %multiple_of3A_319 = tpu.assume_multiple %add3A_318, 8 : i32
        %dma_start3A_320 = arith.constant 0 : i32
        %dma_start3A_321 = arith.constant 0 : i32
        %dma_start3A_322 = tpu.memref_slice %arg7[%dma_start3A_320, %dma_start3A_321] : memref<3x40xi32, #tpu.memory_space<vmem>> -> memref<1x40xi32, #tpu.memory_space<vmem>>
        %dma_start3A_323 = tpu.memref_squeeze %dma_start3A_322 : memref<1x40xi32, #tpu.memory_space<vmem>> -> memref<40xi32, #tpu.memory_space<vmem>>
        %dma_start3A_324 = tpu.memref_slice %arg3[%multiple_of3A_319] : memref<320000xi32, #tpu.memory_space<hbm>> -> memref<40xi32, #tpu.memory_space<hbm>>
        %dma_start3A_325 = arith.constant 0 : i32
        %dma_start3A_326 = tpu.memref_slice %arg7[%dma_start3A_320, %dma_start3A_325] : memref<3x40xi32, #tpu.memory_space<vmem>> -> memref<1x40xi32, #tpu.memory_space<vmem>>
        %dma_start3A_327 = tpu.memref_squeeze %dma_start3A_326 : memref<1x40xi32, #tpu.memory_space<vmem>> -> memref<40xi32, #tpu.memory_space<vmem>>
        %dma_start3A_328 = tpu.memref_slice %arg3[%multiple_of3A_319] : memref<320000xi32, #tpu.memory_space<hbm>> -> memref<40xi32, #tpu.memory_space<hbm>>
        tpu.enqueue_dma source(%dma_start3A_328 : memref<40xi32, #tpu.memory_space<hbm>>) target(%dma_start3A_327 : memref<40xi32, #tpu.memory_space<vmem>>) target_semaphore(%arg18 : memref<!tpu.dma_semaphore, #tpu.memory_space<semaphore_mem>>)
        %add3A_329 = arith.constant 3 : i32
        %add3A_330 = arith.addi %mul3A_281, %add3A_329 : i32
        %add3A_331 = arith.constant 0 : i32
        %add3A_332 = arith.addi %add3A_330, %add3A_331 : i32
        %mul3A_333 = arith.constant 40 : i32
        %mul3A_334 = arith.muli %add3A_332, %mul3A_333 : i32
        %dma_start3A_335 = tpu.memref_slice %arg6[%mul3A_334] : memref<2000xi32, #tpu.memory_space<vmem>> -> memref<40xi32, #tpu.memory_space<vmem>>
        %dma_start3A_336 = arith.constant 0 : i32
        %dma_start3A_337 = arith.constant 0 : i32
        %dma_start3A_338 = tpu.memref_slice %arg4[%dma_start3A_336, %dma_start3A_337] : memref<10000x128xf32, #tpu.memory_space<hbm>> -> memref<10000x128xf32, #tpu.memory_space<hbm>>
        tpu.enqueue_indirect_dma source(%dma_start3A_338 : memref<10000x128xf32, #tpu.memory_space<hbm>>) target(%arg8 : memref<40x128xf32, #tpu.memory_space<vmem>>) offsets(%dma_start3A_335 : memref<40xi32, #tpu.memory_space<vmem>>) semaphore(%arg12 : memref<!tpu.dma_semaphore, #tpu.memory_space<semaphore_mem>>)
        %dma_wait3A_339 = arith.constant 1 : i32
        %dma_wait3A_340 = arith.constant 0 : i32
        %dma_wait3A_341 = tpu.memref_slice %arg7[%dma_wait3A_339, %dma_wait3A_340] : memref<3x40xi32, #tpu.memory_space<vmem>> -> memref<1x40xi32, #tpu.memory_space<vmem>>
        %dma_wait3A_342 = tpu.memref_squeeze %dma_wait3A_341 : memref<1x40xi32, #tpu.memory_space<vmem>> -> memref<40xi32, #tpu.memory_space<vmem>>
        %dma_wait3A_343 = arith.constant 0 : i32
        %dma_wait3A_344 = tpu.memref_slice %arg3[%dma_wait3A_343] : memref<320000xi32, #tpu.memory_space<hbm>> -> memref<40xi32, #tpu.memory_space<hbm>>
        %dma_wait3A_345 = arith.constant 0 : i32
        %dma_wait3A_346 = tpu.memref_slice %arg7[%dma_wait3A_339, %dma_wait3A_345] : memref<3x40xi32, #tpu.memory_space<vmem>> -> memref<1x40xi32, #tpu.memory_space<vmem>>
        %dma_wait3A_347 = tpu.memref_squeeze %dma_wait3A_346 : memref<1x40xi32, #tpu.memory_space<vmem>> -> memref<40xi32, #tpu.memory_space<vmem>>
        %dma_wait3A_348 = arith.constant 0 : i32
        %dma_wait3A_349 = tpu.memref_slice %arg3[%dma_wait3A_348] : memref<320000xi32, #tpu.memory_space<hbm>> -> memref<40xi32, #tpu.memory_space<hbm>>
        tpu.wait_dma2 semaphore(%arg19 : memref<!tpu.dma_semaphore, #tpu.memory_space<semaphore_mem>>) src(%dma_wait3A_349 : memref<40xi32, #tpu.memory_space<hbm>>) dst(%dma_wait3A_347 : memref<40xi32, #tpu.memory_space<vmem>>)
        %dma_wait3A_350 = arith.constant 0 : i32
        %dma_wait3A_351 = tpu.memref_slice %arg6[%dma_wait3A_350] : memref<2000xi32, #tpu.memory_space<vmem>> -> memref<40xi32, #tpu.memory_space<vmem>>
        %dma_wait3A_352 = arith.constant 0 : i32
        %dma_wait3A_353 = arith.constant 0 : i32
        %dma_wait3A_354 = tpu.memref_slice %arg4[%dma_wait3A_352, %dma_wait3A_353] : memref<10000x128xf32, #tpu.memory_space<hbm>> -> memref<10000x128xf32, #tpu.memory_space<hbm>>
        tpu.wait_indirect_dma semaphore(%arg13 : memref<!tpu.dma_semaphore, #tpu.memory_space<semaphore_mem>>) src(%dma_wait3A_354 : memref<10000x128xf32, #tpu.memory_space<hbm>>) dst(%arg9 : memref<40x128xf32, #tpu.memory_space<vmem>>)
        %dma_start3A_355 = arith.constant 1 : i32
        %dma_start3A_356 = arith.constant 0 : i32
        %dma_start3A_357 = tpu.memref_slice %arg7[%dma_start3A_355, %dma_start3A_356] : memref<3x40xi32, #tpu.memory_space<vmem>> -> memref<1x40xi32, #tpu.memory_space<vmem>>
        %dma_start3A_358 = tpu.memref_squeeze %dma_start3A_357 : memref<1x40xi32, #tpu.memory_space<vmem>> -> memref<40xi32, #tpu.memory_space<vmem>>
        %dma_start3A_359 = arith.constant 0 : i32
        %dma_start3A_360 = arith.constant 0 : i32
        %dma_start3A_361 = tpu.memref_slice %arg11[%dma_start3A_359, %dma_start3A_360] : memref<10000x128xf32, #tpu.memory_space<vmem_shared>> -> memref<10000x128xf32, #tpu.memory_space<vmem_shared>>
        tpu.enqueue_indirect_dma source(%arg9 : memref<40x128xf32, #tpu.memory_space<vmem>>) target(%dma_start3A_361 : memref<10000x128xf32, #tpu.memory_space<vmem_shared>>) offsets(%dma_start3A_358 : memref<40xi32, #tpu.memory_space<vmem>>) semaphore(%arg16 : memref<!tpu.dma_semaphore, #tpu.memory_space<semaphore_mem>>) {add = true}
        %dma_wait3A_362 = arith.constant 0 : i32
        %dma_wait3A_363 = arith.constant 0 : i32
        %dma_wait3A_364 = tpu.memref_slice %arg7[%dma_wait3A_362, %dma_wait3A_363] : memref<3x40xi32, #tpu.memory_space<vmem>> -> memref<1x40xi32, #tpu.memory_space<vmem>>
        %dma_wait3A_365 = tpu.memref_squeeze %dma_wait3A_364 : memref<1x40xi32, #tpu.memory_space<vmem>> -> memref<40xi32, #tpu.memory_space<vmem>>
        %dma_wait3A_366 = arith.constant 0 : i32
        %dma_wait3A_367 = arith.constant 0 : i32
        %dma_wait3A_368 = tpu.memref_slice %arg11[%dma_wait3A_366, %dma_wait3A_367] : memref<10000x128xf32, #tpu.memory_space<vmem_shared>> -> memref<10000x128xf32, #tpu.memory_space<vmem_shared>>
        tpu.wait_indirect_dma semaphore(%arg16 : memref<!tpu.dma_semaphore, #tpu.memory_space<semaphore_mem>>) src(%arg9 : memref<40x128xf32, #tpu.memory_space<vmem>>) dst(%dma_wait3A_368 : memref<10000x128xf32, #tpu.memory_space<vmem_shared>>)
        %add3A_369 = arith.constant 3 : i32
        %add3A_370 = arith.addi %mul3A_281, %add3A_369 : i32
        %add3A_371 = arith.constant 1 : i32
        %add3A_372 = arith.addi %add3A_370, %add3A_371 : i32
        %mul3A_373 = arith.constant 40 : i32
        %mul3A_374 = arith.muli %add3A_372, %mul3A_373 : i32
        %add3A_375 = arith.addi %multiple_of3A_36, %mul3A_374 : i32
        %multiple_of3A_376 = tpu.assume_multiple %add3A_375, 8 : i32
        %dma_start3A_377 = arith.constant 1 : i32
        %dma_start3A_378 = arith.constant 0 : i32
        %dma_start3A_379 = tpu.memref_slice %arg7[%dma_start3A_377, %dma_start3A_378] : memref<3x40xi32, #tpu.memory_space<vmem>> -> memref<1x40xi32, #tpu.memory_space<vmem>>
        %dma_start3A_380 = tpu.memref_squeeze %dma_start3A_379 : memref<1x40xi32, #tpu.memory_space<vmem>> -> memref<40xi32, #tpu.memory_space<vmem>>
        %dma_start3A_381 = tpu.memref_slice %arg3[%multiple_of3A_376] : memref<320000xi32, #tpu.memory_space<hbm>> -> memref<40xi32, #tpu.memory_space<hbm>>
        %dma_start3A_382 = arith.constant 0 : i32
        %dma_start3A_383 = tpu.memref_slice %arg7[%dma_start3A_377, %dma_start3A_382] : memref<3x40xi32, #tpu.memory_space<vmem>> -> memref<1x40xi32, #tpu.memory_space<vmem>>
        %dma_start3A_384 = tpu.memref_squeeze %dma_start3A_383 : memref<1x40xi32, #tpu.memory_space<vmem>> -> memref<40xi32, #tpu.memory_space<vmem>>
        %dma_start3A_385 = tpu.memref_slice %arg3[%multiple_of3A_376] : memref<320000xi32, #tpu.memory_space<hbm>> -> memref<40xi32, #tpu.memory_space<hbm>>
        tpu.enqueue_dma source(%dma_start3A_385 : memref<40xi32, #tpu.memory_space<hbm>>) target(%dma_start3A_384 : memref<40xi32, #tpu.memory_space<vmem>>) target_semaphore(%arg19 : memref<!tpu.dma_semaphore, #tpu.memory_space<semaphore_mem>>)
        %add3A_386 = arith.constant 3 : i32
        %add3A_387 = arith.addi %mul3A_281, %add3A_386 : i32
        %add3A_388 = arith.constant 1 : i32
        %add3A_389 = arith.addi %add3A_387, %add3A_388 : i32
        %mul3A_390 = arith.constant 40 : i32
        %mul3A_391 = arith.muli %add3A_389, %mul3A_390 : i32
        %dma_start3A_392 = tpu.memref_slice %arg6[%mul3A_391] : memref<2000xi32, #tpu.memory_space<vmem>> -> memref<40xi32, #tpu.memory_space<vmem>>
        %dma_start3A_393 = arith.constant 0 : i32
        %dma_start3A_394 = arith.constant 0 : i32
        %dma_start3A_395 = tpu.memref_slice %arg4[%dma_start3A_393, %dma_start3A_394] : memref<10000x128xf32, #tpu.memory_space<hbm>> -> memref<10000x128xf32, #tpu.memory_space<hbm>>
        tpu.enqueue_indirect_dma source(%dma_start3A_395 : memref<10000x128xf32, #tpu.memory_space<hbm>>) target(%arg9 : memref<40x128xf32, #tpu.memory_space<vmem>>) offsets(%dma_start3A_392 : memref<40xi32, #tpu.memory_space<vmem>>) semaphore(%arg13 : memref<!tpu.dma_semaphore, #tpu.memory_space<semaphore_mem>>)
        %dma_wait3A_396 = arith.constant 2 : i32
        %dma_wait3A_397 = arith.constant 0 : i32
        %dma_wait3A_398 = tpu.memref_slice %arg7[%dma_wait3A_396, %dma_wait3A_397] : memref<3x40xi32, #tpu.memory_space<vmem>> -> memref<1x40xi32, #tpu.memory_space<vmem>>
        %dma_wait3A_399 = tpu.memref_squeeze %dma_wait3A_398 : memref<1x40xi32, #tpu.memory_space<vmem>> -> memref<40xi32, #tpu.memory_space<vmem>>
        %dma_wait3A_400 = arith.constant 0 : i32
        %dma_wait3A_401 = tpu.memref_slice %arg3[%dma_wait3A_400] : memref<320000xi32, #tpu.memory_space<hbm>> -> memref<40xi32, #tpu.memory_space<hbm>>
        %dma_wait3A_402 = arith.constant 0 : i32
        %dma_wait3A_403 = tpu.memref_slice %arg7[%dma_wait3A_396, %dma_wait3A_402] : memref<3x40xi32, #tpu.memory_space<vmem>> -> memref<1x40xi32, #tpu.memory_space<vmem>>
        %dma_wait3A_404 = tpu.memref_squeeze %dma_wait3A_403 : memref<1x40xi32, #tpu.memory_space<vmem>> -> memref<40xi32, #tpu.memory_space<vmem>>
        %dma_wait3A_405 = arith.constant 0 : i32
        %dma_wait3A_406 = tpu.memref_slice %arg3[%dma_wait3A_405] : memref<320000xi32, #tpu.memory_space<hbm>> -> memref<40xi32, #tpu.memory_space<hbm>>
        tpu.wait_dma2 semaphore(%arg20 : memref<!tpu.dma_semaphore, #tpu.memory_space<semaphore_mem>>) src(%dma_wait3A_406 : memref<40xi32, #tpu.memory_space<hbm>>) dst(%dma_wait3A_404 : memref<40xi32, #tpu.memory_space<vmem>>)
        %dma_wait3A_407 = arith.constant 0 : i32
        %dma_wait3A_408 = tpu.memref_slice %arg6[%dma_wait3A_407] : memref<2000xi32, #tpu.memory_space<vmem>> -> memref<40xi32, #tpu.memory_space<vmem>>
        %dma_wait3A_409 = arith.constant 0 : i32
        %dma_wait3A_410 = arith.constant 0 : i32
        %dma_wait3A_411 = tpu.memref_slice %arg4[%dma_wait3A_409, %dma_wait3A_410] : memref<10000x128xf32, #tpu.memory_space<hbm>> -> memref<10000x128xf32, #tpu.memory_space<hbm>>
        tpu.wait_indirect_dma semaphore(%arg14 : memref<!tpu.dma_semaphore, #tpu.memory_space<semaphore_mem>>) src(%dma_wait3A_411 : memref<10000x128xf32, #tpu.memory_space<hbm>>) dst(%arg10 : memref<40x128xf32, #tpu.memory_space<vmem>>)
        %dma_start3A_412 = arith.constant 2 : i32
        %dma_start3A_413 = arith.constant 0 : i32
        %dma_start3A_414 = tpu.memref_slice %arg7[%dma_start3A_412, %dma_start3A_413] : memref<3x40xi32, #tpu.memory_space<vmem>> -> memref<1x40xi32, #tpu.memory_space<vmem>>
        %dma_start3A_415 = tpu.memref_squeeze %dma_start3A_414 : memref<1x40xi32, #tpu.memory_space<vmem>> -> memref<40xi32, #tpu.memory_space<vmem>>
        %dma_start3A_416 = arith.constant 0 : i32
        %dma_start3A_417 = arith.constant 0 : i32
        %dma_start3A_418 = tpu.memref_slice %arg11[%dma_start3A_416, %dma_start3A_417] : memref<10000x128xf32, #tpu.memory_space<vmem_shared>> -> memref<10000x128xf32, #tpu.memory_space<vmem_shared>>
        tpu.enqueue_indirect_dma source(%arg10 : memref<40x128xf32, #tpu.memory_space<vmem>>) target(%dma_start3A_418 : memref<10000x128xf32, #tpu.memory_space<vmem_shared>>) offsets(%dma_start3A_415 : memref<40xi32, #tpu.memory_space<vmem>>) semaphore(%arg17 : memref<!tpu.dma_semaphore, #tpu.memory_space<semaphore_mem>>) {add = true}
        %dma_wait3A_419 = arith.constant 0 : i32
        %dma_wait3A_420 = arith.constant 0 : i32
        %dma_wait3A_421 = tpu.memref_slice %arg7[%dma_wait3A_419, %dma_wait3A_420] : memref<3x40xi32, #tpu.memory_space<vmem>> -> memref<1x40xi32, #tpu.memory_space<vmem>>
        %dma_wait3A_422 = tpu.memref_squeeze %dma_wait3A_421 : memref<1x40xi32, #tpu.memory_space<vmem>> -> memref<40xi32, #tpu.memory_space<vmem>>
        %dma_wait3A_423 = arith.constant 0 : i32
        %dma_wait3A_424 = arith.constant 0 : i32
        %dma_wait3A_425 = tpu.memref_slice %arg11[%dma_wait3A_423, %dma_wait3A_424] : memref<10000x128xf32, #tpu.memory_space<vmem_shared>> -> memref<10000x128xf32, #tpu.memory_space<vmem_shared>>
        tpu.wait_indirect_dma semaphore(%arg17 : memref<!tpu.dma_semaphore, #tpu.memory_space<semaphore_mem>>) src(%arg10 : memref<40x128xf32, #tpu.memory_space<vmem>>) dst(%dma_wait3A_425 : memref<10000x128xf32, #tpu.memory_space<vmem_shared>>)
        %add3A_426 = arith.constant 3 : i32
        %add3A_427 = arith.addi %mul3A_281, %add3A_426 : i32
        %add3A_428 = arith.constant 2 : i32
        %add3A_429 = arith.addi %add3A_427, %add3A_428 : i32
        %mul3A_430 = arith.constant 40 : i32
        %mul3A_431 = arith.muli %add3A_429, %mul3A_430 : i32
        %add3A_432 = arith.addi %multiple_of3A_36, %mul3A_431 : i32
        %multiple_of3A_433 = tpu.assume_multiple %add3A_432, 8 : i32
        %dma_start3A_434 = arith.constant 2 : i32
        %dma_start3A_435 = arith.constant 0 : i32
        %dma_start3A_436 = tpu.memref_slice %arg7[%dma_start3A_434, %dma_start3A_435] : memref<3x40xi32, #tpu.memory_space<vmem>> -> memref<1x40xi32, #tpu.memory_space<vmem>>
        %dma_start3A_437 = tpu.memref_squeeze %dma_start3A_436 : memref<1x40xi32, #tpu.memory_space<vmem>> -> memref<40xi32, #tpu.memory_space<vmem>>
        %dma_start3A_438 = tpu.memref_slice %arg3[%multiple_of3A_433] : memref<320000xi32, #tpu.memory_space<hbm>> -> memref<40xi32, #tpu.memory_space<hbm>>
        %dma_start3A_439 = arith.constant 0 : i32
        %dma_start3A_440 = tpu.memref_slice %arg7[%dma_start3A_434, %dma_start3A_439] : memref<3x40xi32, #tpu.memory_space<vmem>> -> memref<1x40xi32, #tpu.memory_space<vmem>>
        %dma_start3A_441 = tpu.memref_squeeze %dma_start3A_440 : memref<1x40xi32, #tpu.memory_space<vmem>> -> memref<40xi32, #tpu.memory_space<vmem>>
        %dma_start3A_442 = tpu.memref_slice %arg3[%multiple_of3A_433] : memref<320000xi32, #tpu.memory_space<hbm>> -> memref<40xi32, #tpu.memory_space<hbm>>
        tpu.enqueue_dma source(%dma_start3A_442 : memref<40xi32, #tpu.memory_space<hbm>>) target(%dma_start3A_441 : memref<40xi32, #tpu.memory_space<vmem>>) target_semaphore(%arg20 : memref<!tpu.dma_semaphore, #tpu.memory_space<semaphore_mem>>)
        %add3A_443 = arith.constant 3 : i32
        %add3A_444 = arith.addi %mul3A_281, %add3A_443 : i32
        %add3A_445 = arith.constant 2 : i32
        %add3A_446 = arith.addi %add3A_444, %add3A_445 : i32
        %mul3A_447 = arith.constant 40 : i32
        %mul3A_448 = arith.muli %add3A_446, %mul3A_447 : i32
        %dma_start3A_449 = tpu.memref_slice %arg6[%mul3A_448] : memref<2000xi32, #tpu.memory_space<vmem>> -> memref<40xi32, #tpu.memory_space<vmem>>
        %dma_start3A_450 = arith.constant 0 : i32
        %dma_start3A_451 = arith.constant 0 : i32
        %dma_start3A_452 = tpu.memref_slice %arg4[%dma_start3A_450, %dma_start3A_451] : memref<10000x128xf32, #tpu.memory_space<hbm>> -> memref<10000x128xf32, #tpu.memory_space<hbm>>
        tpu.enqueue_indirect_dma source(%dma_start3A_452 : memref<10000x128xf32, #tpu.memory_space<hbm>>) target(%arg10 : memref<40x128xf32, #tpu.memory_space<vmem>>) offsets(%dma_start3A_449 : memref<40xi32, #tpu.memory_space<vmem>>) semaphore(%arg14 : memref<!tpu.dma_semaphore, #tpu.memory_space<semaphore_mem>>)
        %scan3A_453 = arith.constant 0 : i32
        scf.yield %scan3A_453 : i32
      }
      %scan3A_93 = arith.constant 15 : i32
      %dma_wait3A = arith.constant 0 : i32
      %dma_wait3A_94 = arith.constant 0 : i32
      %dma_wait3A_95 = tpu.memref_slice %arg7[%dma_wait3A, %dma_wait3A_94] : memref<3x40xi32, #tpu.memory_space<vmem>> -> memref<1x40xi32, #tpu.memory_space<vmem>>
      %dma_wait3A_96 = tpu.memref_squeeze %dma_wait3A_95 : memref<1x40xi32, #tpu.memory_space<vmem>> -> memref<40xi32, #tpu.memory_space<vmem>>
      %dma_wait3A_97 = arith.constant 0 : i32
      %dma_wait3A_98 = tpu.memref_slice %arg3[%dma_wait3A_97] : memref<320000xi32, #tpu.memory_space<hbm>> -> memref<40xi32, #tpu.memory_space<hbm>>
      %dma_wait3A_99 = arith.constant 0 : i32
      %dma_wait3A_100 = tpu.memref_slice %arg7[%dma_wait3A, %dma_wait3A_99] : memref<3x40xi32, #tpu.memory_space<vmem>> -> memref<1x40xi32, #tpu.memory_space<vmem>>
      %dma_wait3A_101 = tpu.memref_squeeze %dma_wait3A_100 : memref<1x40xi32, #tpu.memory_space<vmem>> -> memref<40xi32, #tpu.memory_space<vmem>>
      %dma_wait3A_102 = arith.constant 0 : i32
      %dma_wait3A_103 = tpu.memref_slice %arg3[%dma_wait3A_102] : memref<320000xi32, #tpu.memory_space<hbm>> -> memref<40xi32, #tpu.memory_space<hbm>>
      tpu.wait_dma2 semaphore(%arg18 : memref<!tpu.dma_semaphore, #tpu.memory_space<semaphore_mem>>) src(%dma_wait3A_103 : memref<40xi32, #tpu.memory_space<hbm>>) dst(%dma_wait3A_101 : memref<40xi32, #tpu.memory_space<vmem>>)
      %dma_wait3A_104 = arith.constant 0 : i32
      %dma_wait3A_105 = tpu.memref_slice %arg6[%dma_wait3A_104] : memref<2000xi32, #tpu.memory_space<vmem>> -> memref<40xi32, #tpu.memory_space<vmem>>
      %dma_wait3A_106 = arith.constant 0 : i32
      %dma_wait3A_107 = arith.constant 0 : i32
      %dma_wait3A_108 = tpu.memref_slice %arg4[%dma_wait3A_106, %dma_wait3A_107] : memref<10000x128xf32, #tpu.memory_space<hbm>> -> memref<10000x128xf32, #tpu.memory_space<hbm>>
      tpu.wait_indirect_dma semaphore(%arg12 : memref<!tpu.dma_semaphore, #tpu.memory_space<semaphore_mem>>) src(%dma_wait3A_108 : memref<10000x128xf32, #tpu.memory_space<hbm>>) dst(%arg8 : memref<40x128xf32, #tpu.memory_space<vmem>>)
      %dma_start3A_109 = arith.constant 0 : i32
      %dma_start3A_110 = arith.constant 0 : i32
      %dma_start3A_111 = tpu.memref_slice %arg7[%dma_start3A_109, %dma_start3A_110] : memref<3x40xi32, #tpu.memory_space<vmem>> -> memref<1x40xi32, #tpu.memory_space<vmem>>
      %dma_start3A_112 = tpu.memref_squeeze %dma_start3A_111 : memref<1x40xi32, #tpu.memory_space<vmem>> -> memref<40xi32, #tpu.memory_space<vmem>>
      %dma_start3A_113 = arith.constant 0 : i32
      %dma_start3A_114 = arith.constant 0 : i32
      %dma_start3A_115 = tpu.memref_slice %arg11[%dma_start3A_113, %dma_start3A_114] : memref<10000x128xf32, #tpu.memory_space<vmem_shared>> -> memref<10000x128xf32, #tpu.memory_space<vmem_shared>>
      tpu.enqueue_indirect_dma source(%arg8 : memref<40x128xf32, #tpu.memory_space<vmem>>) target(%dma_start3A_115 : memref<10000x128xf32, #tpu.memory_space<vmem_shared>>) offsets(%dma_start3A_112 : memref<40xi32, #tpu.memory_space<vmem>>) semaphore(%arg15 : memref<!tpu.dma_semaphore, #tpu.memory_space<semaphore_mem>>) {add = true}
      %dma_wait3A_116 = arith.constant 0 : i32
      %dma_wait3A_117 = arith.constant 0 : i32
      %dma_wait3A_118 = tpu.memref_slice %arg7[%dma_wait3A_116, %dma_wait3A_117] : memref<3x40xi32, #tpu.memory_space<vmem>> -> memref<1x40xi32, #tpu.memory_space<vmem>>
      %dma_wait3A_119 = tpu.memref_squeeze %dma_wait3A_118 : memref<1x40xi32, #tpu.memory_space<vmem>> -> memref<40xi32, #tpu.memory_space<vmem>>
      %dma_wait3A_120 = arith.constant 0 : i32
      %dma_wait3A_121 = arith.constant 0 : i32
      %dma_wait3A_122 = tpu.memref_slice %arg11[%dma_wait3A_120, %dma_wait3A_121] : memref<10000x128xf32, #tpu.memory_space<vmem_shared>> -> memref<10000x128xf32, #tpu.memory_space<vmem_shared>>
      tpu.wait_indirect_dma semaphore(%arg15 : memref<!tpu.dma_semaphore, #tpu.memory_space<semaphore_mem>>) src(%arg8 : memref<40x128xf32, #tpu.memory_space<vmem>>) dst(%dma_wait3A_122 : memref<10000x128xf32, #tpu.memory_space<vmem_shared>>)
      %add3A_123 = arith.constant 1920 : i32
      %add3A_124 = arith.addi %multiple_of3A_36, %add3A_123 : i32
      %multiple_of3A_125 = tpu.assume_multiple %add3A_124, 8 : i32
      %dma_start3A_126 = arith.constant 0 : i32
      %dma_start3A_127 = arith.constant 0 : i32
      %dma_start3A_128 = tpu.memref_slice %arg7[%dma_start3A_126, %dma_start3A_127] : memref<3x40xi32, #tpu.memory_space<vmem>> -> memref<1x40xi32, #tpu.memory_space<vmem>>
      %dma_start3A_129 = tpu.memref_squeeze %dma_start3A_128 : memref<1x40xi32, #tpu.memory_space<vmem>> -> memref<40xi32, #tpu.memory_space<vmem>>
      %dma_start3A_130 = tpu.memref_slice %arg3[%multiple_of3A_125] : memref<320000xi32, #tpu.memory_space<hbm>> -> memref<40xi32, #tpu.memory_space<hbm>>
      %dma_start3A_131 = arith.constant 0 : i32
      %dma_start3A_132 = tpu.memref_slice %arg7[%dma_start3A_126, %dma_start3A_131] : memref<3x40xi32, #tpu.memory_space<vmem>> -> memref<1x40xi32, #tpu.memory_space<vmem>>
      %dma_start3A_133 = tpu.memref_squeeze %dma_start3A_132 : memref<1x40xi32, #tpu.memory_space<vmem>> -> memref<40xi32, #tpu.memory_space<vmem>>
      %dma_start3A_134 = tpu.memref_slice %arg3[%multiple_of3A_125] : memref<320000xi32, #tpu.memory_space<hbm>> -> memref<40xi32, #tpu.memory_space<hbm>>
      tpu.enqueue_dma source(%dma_start3A_134 : memref<40xi32, #tpu.memory_space<hbm>>) target(%dma_start3A_133 : memref<40xi32, #tpu.memory_space<vmem>>) target_semaphore(%arg18 : memref<!tpu.dma_semaphore, #tpu.memory_space<semaphore_mem>>)
      %dma_start3A_135 = arith.constant 1920 : i32
      %dma_start3A_136 = tpu.memref_slice %arg6[%dma_start3A_135] : memref<2000xi32, #tpu.memory_space<vmem>> -> memref<40xi32, #tpu.memory_space<vmem>>
      %dma_start3A_137 = arith.constant 0 : i32
      %dma_start3A_138 = arith.constant 0 : i32
      %dma_start3A_139 = tpu.memref_slice %arg4[%dma_start3A_137, %dma_start3A_138] : memref<10000x128xf32, #tpu.memory_space<hbm>> -> memref<10000x128xf32, #tpu.memory_space<hbm>>
      tpu.enqueue_indirect_dma source(%dma_start3A_139 : memref<10000x128xf32, #tpu.memory_space<hbm>>) target(%arg8 : memref<40x128xf32, #tpu.memory_space<vmem>>) offsets(%dma_start3A_136 : memref<40xi32, #tpu.memory_space<vmem>>) semaphore(%arg12 : memref<!tpu.dma_semaphore, #tpu.memory_space<semaphore_mem>>)
      %dma_wait3A_140 = arith.constant 1 : i32
      %dma_wait3A_141 = arith.constant 0 : i32
      %dma_wait3A_142 = tpu.memref_slice %arg7[%dma_wait3A_140, %dma_wait3A_141] : memref<3x40xi32, #tpu.memory_space<vmem>> -> memref<1x40xi32, #tpu.memory_space<vmem>>
      %dma_wait3A_143 = tpu.memref_squeeze %dma_wait3A_142 : memref<1x40xi32, #tpu.memory_space<vmem>> -> memref<40xi32, #tpu.memory_space<vmem>>
      %dma_wait3A_144 = arith.constant 0 : i32
      %dma_wait3A_145 = tpu.memref_slice %arg3[%dma_wait3A_144] : memref<320000xi32, #tpu.memory_space<hbm>> -> memref<40xi32, #tpu.memory_space<hbm>>
      %dma_wait3A_146 = arith.constant 0 : i32
      %dma_wait3A_147 = tpu.memref_slice %arg7[%dma_wait3A_140, %dma_wait3A_146] : memref<3x40xi32, #tpu.memory_space<vmem>> -> memref<1x40xi32, #tpu.memory_space<vmem>>
      %dma_wait3A_148 = tpu.memref_squeeze %dma_wait3A_147 : memref<1x40xi32, #tpu.memory_space<vmem>> -> memref<40xi32, #tpu.memory_space<vmem>>
      %dma_wait3A_149 = arith.constant 0 : i32
      %dma_wait3A_150 = tpu.memref_slice %arg3[%dma_wait3A_149] : memref<320000xi32, #tpu.memory_space<hbm>> -> memref<40xi32, #tpu.memory_space<hbm>>
      tpu.wait_dma2 semaphore(%arg19 : memref<!tpu.dma_semaphore, #tpu.memory_space<semaphore_mem>>) src(%dma_wait3A_150 : memref<40xi32, #tpu.memory_space<hbm>>) dst(%dma_wait3A_148 : memref<40xi32, #tpu.memory_space<vmem>>)
      %dma_wait3A_151 = arith.constant 0 : i32
      %dma_wait3A_152 = tpu.memref_slice %arg6[%dma_wait3A_151] : memref<2000xi32, #tpu.memory_space<vmem>> -> memref<40xi32, #tpu.memory_space<vmem>>
      %dma_wait3A_153 = arith.constant 0 : i32
      %dma_wait3A_154 = arith.constant 0 : i32
      %dma_wait3A_155 = tpu.memref_slice %arg4[%dma_wait3A_153, %dma_wait3A_154] : memref<10000x128xf32, #tpu.memory_space<hbm>> -> memref<10000x128xf32, #tpu.memory_space<hbm>>
      tpu.wait_indirect_dma semaphore(%arg13 : memref<!tpu.dma_semaphore, #tpu.memory_space<semaphore_mem>>) src(%dma_wait3A_155 : memref<10000x128xf32, #tpu.memory_space<hbm>>) dst(%arg9 : memref<40x128xf32, #tpu.memory_space<vmem>>)
      %dma_start3A_156 = arith.constant 1 : i32
      %dma_start3A_157 = arith.constant 0 : i32
      %dma_start3A_158 = tpu.memref_slice %arg7[%dma_start3A_156, %dma_start3A_157] : memref<3x40xi32, #tpu.memory_space<vmem>> -> memref<1x40xi32, #tpu.memory_space<vmem>>
      %dma_start3A_159 = tpu.memref_squeeze %dma_start3A_158 : memref<1x40xi32, #tpu.memory_space<vmem>> -> memref<40xi32, #tpu.memory_space<vmem>>
      %dma_start3A_160 = arith.constant 0 : i32
      %dma_start3A_161 = arith.constant 0 : i32
      %dma_start3A_162 = tpu.memref_slice %arg11[%dma_start3A_160, %dma_start3A_161] : memref<10000x128xf32, #tpu.memory_space<vmem_shared>> -> memref<10000x128xf32, #tpu.memory_space<vmem_shared>>
      tpu.enqueue_indirect_dma source(%arg9 : memref<40x128xf32, #tpu.memory_space<vmem>>) target(%dma_start3A_162 : memref<10000x128xf32, #tpu.memory_space<vmem_shared>>) offsets(%dma_start3A_159 : memref<40xi32, #tpu.memory_space<vmem>>) semaphore(%arg16 : memref<!tpu.dma_semaphore, #tpu.memory_space<semaphore_mem>>) {add = true}
      %dma_wait3A_163 = arith.constant 0 : i32
      %dma_wait3A_164 = arith.constant 0 : i32
      %dma_wait3A_165 = tpu.memref_slice %arg7[%dma_wait3A_163, %dma_wait3A_164] : memref<3x40xi32, #tpu.memory_space<vmem>> -> memref<1x40xi32, #tpu.memory_space<vmem>>
      %dma_wait3A_166 = tpu.memref_squeeze %dma_wait3A_165 : memref<1x40xi32, #tpu.memory_space<vmem>> -> memref<40xi32, #tpu.memory_space<vmem>>
      %dma_wait3A_167 = arith.constant 0 : i32
      %dma_wait3A_168 = arith.constant 0 : i32
      %dma_wait3A_169 = tpu.memref_slice %arg11[%dma_wait3A_167, %dma_wait3A_168] : memref<10000x128xf32, #tpu.memory_space<vmem_shared>> -> memref<10000x128xf32, #tpu.memory_space<vmem_shared>>
      tpu.wait_indirect_dma semaphore(%arg16 : memref<!tpu.dma_semaphore, #tpu.memory_space<semaphore_mem>>) src(%arg9 : memref<40x128xf32, #tpu.memory_space<vmem>>) dst(%dma_wait3A_169 : memref<10000x128xf32, #tpu.memory_space<vmem_shared>>)
      %add3A_170 = arith.constant 1960 : i32
      %add3A_171 = arith.addi %multiple_of3A_36, %add3A_170 : i32
      %multiple_of3A_172 = tpu.assume_multiple %add3A_171, 8 : i32
      %dma_start3A_173 = arith.constant 1 : i32
      %dma_start3A_174 = arith.constant 0 : i32
      %dma_start3A_175 = tpu.memref_slice %arg7[%dma_start3A_173, %dma_start3A_174] : memref<3x40xi32, #tpu.memory_space<vmem>> -> memref<1x40xi32, #tpu.memory_space<vmem>>
      %dma_start3A_176 = tpu.memref_squeeze %dma_start3A_175 : memref<1x40xi32, #tpu.memory_space<vmem>> -> memref<40xi32, #tpu.memory_space<vmem>>
      %dma_start3A_177 = tpu.memref_slice %arg3[%multiple_of3A_172] : memref<320000xi32, #tpu.memory_space<hbm>> -> memref<40xi32, #tpu.memory_space<hbm>>
      %dma_start3A_178 = arith.constant 0 : i32
      %dma_start3A_179 = tpu.memref_slice %arg7[%dma_start3A_173, %dma_start3A_178] : memref<3x40xi32, #tpu.memory_space<vmem>> -> memref<1x40xi32, #tpu.memory_space<vmem>>
      %dma_start3A_180 = tpu.memref_squeeze %dma_start3A_179 : memref<1x40xi32, #tpu.memory_space<vmem>> -> memref<40xi32, #tpu.memory_space<vmem>>
      %dma_start3A_181 = tpu.memref_slice %arg3[%multiple_of3A_172] : memref<320000xi32, #tpu.memory_space<hbm>> -> memref<40xi32, #tpu.memory_space<hbm>>
      tpu.enqueue_dma source(%dma_start3A_181 : memref<40xi32, #tpu.memory_space<hbm>>) target(%dma_start3A_180 : memref<40xi32, #tpu.memory_space<vmem>>) target_semaphore(%arg19 : memref<!tpu.dma_semaphore, #tpu.memory_space<semaphore_mem>>)
      %dma_start3A_182 = arith.constant 1960 : i32
      %dma_start3A_183 = tpu.memref_slice %arg6[%dma_start3A_182] : memref<2000xi32, #tpu.memory_space<vmem>> -> memref<40xi32, #tpu.memory_space<vmem>>
      %dma_start3A_184 = arith.constant 0 : i32
      %dma_start3A_185 = arith.constant 0 : i32
      %dma_start3A_186 = tpu.memref_slice %arg4[%dma_start3A_184, %dma_start3A_185] : memref<10000x128xf32, #tpu.memory_space<hbm>> -> memref<10000x128xf32, #tpu.memory_space<hbm>>
      tpu.enqueue_indirect_dma source(%dma_start3A_186 : memref<10000x128xf32, #tpu.memory_space<hbm>>) target(%arg9 : memref<40x128xf32, #tpu.memory_space<vmem>>) offsets(%dma_start3A_183 : memref<40xi32, #tpu.memory_space<vmem>>) semaphore(%arg13 : memref<!tpu.dma_semaphore, #tpu.memory_space<semaphore_mem>>)
      %dma_wait3A_187 = arith.constant 2 : i32
      %dma_wait3A_188 = arith.constant 0 : i32
      %dma_wait3A_189 = tpu.memref_slice %arg7[%dma_wait3A_187, %dma_wait3A_188] : memref<3x40xi32, #tpu.memory_space<vmem>> -> memref<1x40xi32, #tpu.memory_space<vmem>>
      %dma_wait3A_190 = tpu.memref_squeeze %dma_wait3A_189 : memref<1x40xi32, #tpu.memory_space<vmem>> -> memref<40xi32, #tpu.memory_space<vmem>>
      %dma_wait3A_191 = arith.constant 0 : i32
      %dma_wait3A_192 = tpu.memref_slice %arg3[%dma_wait3A_191] : memref<320000xi32, #tpu.memory_space<hbm>> -> memref<40xi32, #tpu.memory_space<hbm>>
      %dma_wait3A_193 = arith.constant 0 : i32
      %dma_wait3A_194 = tpu.memref_slice %arg7[%dma_wait3A_187, %dma_wait3A_193] : memref<3x40xi32, #tpu.memory_space<vmem>> -> memref<1x40xi32, #tpu.memory_space<vmem>>
      %dma_wait3A_195 = tpu.memref_squeeze %dma_wait3A_194 : memref<1x40xi32, #tpu.memory_space<vmem>> -> memref<40xi32, #tpu.memory_space<vmem>>
      %dma_wait3A_196 = arith.constant 0 : i32
      %dma_wait3A_197 = tpu.memref_slice %arg3[%dma_wait3A_196] : memref<320000xi32, #tpu.memory_space<hbm>> -> memref<40xi32, #tpu.memory_space<hbm>>
      tpu.wait_dma2 semaphore(%arg20 : memref<!tpu.dma_semaphore, #tpu.memory_space<semaphore_mem>>) src(%dma_wait3A_197 : memref<40xi32, #tpu.memory_space<hbm>>) dst(%dma_wait3A_195 : memref<40xi32, #tpu.memory_space<vmem>>)
      %dma_wait3A_198 = arith.constant 0 : i32
      %dma_wait3A_199 = tpu.memref_slice %arg6[%dma_wait3A_198] : memref<2000xi32, #tpu.memory_space<vmem>> -> memref<40xi32, #tpu.memory_space<vmem>>
      %dma_wait3A_200 = arith.constant 0 : i32
      %dma_wait3A_201 = arith.constant 0 : i32
      %dma_wait3A_202 = tpu.memref_slice %arg4[%dma_wait3A_200, %dma_wait3A_201] : memref<10000x128xf32, #tpu.memory_space<hbm>> -> memref<10000x128xf32, #tpu.memory_space<hbm>>
      tpu.wait_indirect_dma semaphore(%arg14 : memref<!tpu.dma_semaphore, #tpu.memory_space<semaphore_mem>>) src(%dma_wait3A_202 : memref<10000x128xf32, #tpu.memory_space<hbm>>) dst(%arg10 : memref<40x128xf32, #tpu.memory_space<vmem>>)
      %dma_start3A_203 = arith.constant 2 : i32
      %dma_start3A_204 = arith.constant 0 : i32
      %dma_start3A_205 = tpu.memref_slice %arg7[%dma_start3A_203, %dma_start3A_204] : memref<3x40xi32, #tpu.memory_space<vmem>> -> memref<1x40xi32, #tpu.memory_space<vmem>>
      %dma_start3A_206 = tpu.memref_squeeze %dma_start3A_205 : memref<1x40xi32, #tpu.memory_space<vmem>> -> memref<40xi32, #tpu.memory_space<vmem>>
      %dma_start3A_207 = arith.constant 0 : i32
      %dma_start3A_208 = arith.constant 0 : i32
      %dma_start3A_209 = tpu.memref_slice %arg11[%dma_start3A_207, %dma_start3A_208] : memref<10000x128xf32, #tpu.memory_space<vmem_shared>> -> memref<10000x128xf32, #tpu.memory_space<vmem_shared>>
      tpu.enqueue_indirect_dma source(%arg10 : memref<40x128xf32, #tpu.memory_space<vmem>>) target(%dma_start3A_209 : memref<10000x128xf32, #tpu.memory_space<vmem_shared>>) offsets(%dma_start3A_206 : memref<40xi32, #tpu.memory_space<vmem>>) semaphore(%arg17 : memref<!tpu.dma_semaphore, #tpu.memory_space<semaphore_mem>>) {add = true}
      %dma_wait3A_210 = arith.constant 0 : i32
      %dma_wait3A_211 = arith.constant 0 : i32
      %dma_wait3A_212 = tpu.memref_slice %arg7[%dma_wait3A_210, %dma_wait3A_211] : memref<3x40xi32, #tpu.memory_space<vmem>> -> memref<1x40xi32, #tpu.memory_space<vmem>>
      %dma_wait3A_213 = tpu.memref_squeeze %dma_wait3A_212 : memref<1x40xi32, #tpu.memory_space<vmem>> -> memref<40xi32, #tpu.memory_space<vmem>>
      %dma_wait3A_214 = arith.constant 0 : i32
      %dma_wait3A_215 = tpu.memref_slice %arg3[%dma_wait3A_214] : memref<320000xi32, #tpu.memory_space<hbm>> -> memref<40xi32, #tpu.memory_space<hbm>>
      %dma_wait3A_216 = arith.constant 0 : i32
      %dma_wait3A_217 = tpu.memref_slice %arg7[%dma_wait3A_210, %dma_wait3A_216] : memref<3x40xi32, #tpu.memory_space<vmem>> -> memref<1x40xi32, #tpu.memory_space<vmem>>
      %dma_wait3A_218 = tpu.memref_squeeze %dma_wait3A_217 : memref<1x40xi32, #tpu.memory_space<vmem>> -> memref<40xi32, #tpu.memory_space<vmem>>
      %dma_wait3A_219 = arith.constant 0 : i32
      %dma_wait3A_220 = tpu.memref_slice %arg3[%dma_wait3A_219] : memref<320000xi32, #tpu.memory_space<hbm>> -> memref<40xi32, #tpu.memory_space<hbm>>
      tpu.wait_dma2 semaphore(%arg18 : memref<!tpu.dma_semaphore, #tpu.memory_space<semaphore_mem>>) src(%dma_wait3A_220 : memref<40xi32, #tpu.memory_space<hbm>>) dst(%dma_wait3A_218 : memref<40xi32, #tpu.memory_space<vmem>>)
      %dma_wait3A_221 = arith.constant 0 : i32
      %dma_wait3A_222 = tpu.memref_slice %arg6[%dma_wait3A_221] : memref<2000xi32, #tpu.memory_space<vmem>> -> memref<40xi32, #tpu.memory_space<vmem>>
      %dma_wait3A_223 = arith.constant 0 : i32
      %dma_wait3A_224 = arith.constant 0 : i32
      %dma_wait3A_225 = tpu.memref_slice %arg4[%dma_wait3A_223, %dma_wait3A_224] : memref<10000x128xf32, #tpu.memory_space<hbm>> -> memref<10000x128xf32, #tpu.memory_space<hbm>>
      tpu.wait_indirect_dma semaphore(%arg12 : memref<!tpu.dma_semaphore, #tpu.memory_space<semaphore_mem>>) src(%dma_wait3A_225 : memref<10000x128xf32, #tpu.memory_space<hbm>>) dst(%arg8 : memref<40x128xf32, #tpu.memory_space<vmem>>)
      %dma_start3A_226 = arith.constant 0 : i32
      %dma_start3A_227 = arith.constant 0 : i32
      %dma_start3A_228 = tpu.memref_slice %arg7[%dma_start3A_226, %dma_start3A_227] : memref<3x40xi32, #tpu.memory_space<vmem>> -> memref<1x40xi32, #tpu.memory_space<vmem>>
      %dma_start3A_229 = tpu.memref_squeeze %dma_start3A_228 : memref<1x40xi32, #tpu.memory_space<vmem>> -> memref<40xi32, #tpu.memory_space<vmem>>
      %dma_start3A_230 = arith.constant 0 : i32
      %dma_start3A_231 = arith.constant 0 : i32
      %dma_start3A_232 = tpu.memref_slice %arg11[%dma_start3A_230, %dma_start3A_231] : memref<10000x128xf32, #tpu.memory_space<vmem_shared>> -> memref<10000x128xf32, #tpu.memory_space<vmem_shared>>
      tpu.enqueue_indirect_dma source(%arg8 : memref<40x128xf32, #tpu.memory_space<vmem>>) target(%dma_start3A_232 : memref<10000x128xf32, #tpu.memory_space<vmem_shared>>) offsets(%dma_start3A_229 : memref<40xi32, #tpu.memory_space<vmem>>) semaphore(%arg15 : memref<!tpu.dma_semaphore, #tpu.memory_space<semaphore_mem>>) {add = true}
      %dma_wait3A_233 = arith.constant 1 : i32
      %dma_wait3A_234 = arith.constant 0 : i32
      %dma_wait3A_235 = tpu.memref_slice %arg7[%dma_wait3A_233, %dma_wait3A_234] : memref<3x40xi32, #tpu.memory_space<vmem>> -> memref<1x40xi32, #tpu.memory_space<vmem>>
      %dma_wait3A_236 = tpu.memref_squeeze %dma_wait3A_235 : memref<1x40xi32, #tpu.memory_space<vmem>> -> memref<40xi32, #tpu.memory_space<vmem>>
      %dma_wait3A_237 = arith.constant 0 : i32
      %dma_wait3A_238 = tpu.memref_slice %arg3[%dma_wait3A_237] : memref<320000xi32, #tpu.memory_space<hbm>> -> memref<40xi32, #tpu.memory_space<hbm>>
      %dma_wait3A_239 = arith.constant 0 : i32
      %dma_wait3A_240 = tpu.memref_slice %arg7[%dma_wait3A_233, %dma_wait3A_239] : memref<3x40xi32, #tpu.memory_space<vmem>> -> memref<1x40xi32, #tpu.memory_space<vmem>>
      %dma_wait3A_241 = tpu.memref_squeeze %dma_wait3A_240 : memref<1x40xi32, #tpu.memory_space<vmem>> -> memref<40xi32, #tpu.memory_space<vmem>>
      %dma_wait3A_242 = arith.constant 0 : i32
      %dma_wait3A_243 = tpu.memref_slice %arg3[%dma_wait3A_242] : memref<320000xi32, #tpu.memory_space<hbm>> -> memref<40xi32, #tpu.memory_space<hbm>>
      tpu.wait_dma2 semaphore(%arg19 : memref<!tpu.dma_semaphore, #tpu.memory_space<semaphore_mem>>) src(%dma_wait3A_243 : memref<40xi32, #tpu.memory_space<hbm>>) dst(%dma_wait3A_241 : memref<40xi32, #tpu.memory_space<vmem>>)
      %dma_wait3A_244 = arith.constant 0 : i32
      %dma_wait3A_245 = tpu.memref_slice %arg6[%dma_wait3A_244] : memref<2000xi32, #tpu.memory_space<vmem>> -> memref<40xi32, #tpu.memory_space<vmem>>
      %dma_wait3A_246 = arith.constant 0 : i32
      %dma_wait3A_247 = arith.constant 0 : i32
      %dma_wait3A_248 = tpu.memref_slice %arg4[%dma_wait3A_246, %dma_wait3A_247] : memref<10000x128xf32, #tpu.memory_space<hbm>> -> memref<10000x128xf32, #tpu.memory_space<hbm>>
      tpu.wait_indirect_dma semaphore(%arg13 : memref<!tpu.dma_semaphore, #tpu.memory_space<semaphore_mem>>) src(%dma_wait3A_248 : memref<10000x128xf32, #tpu.memory_space<hbm>>) dst(%arg9 : memref<40x128xf32, #tpu.memory_space<vmem>>)
      %dma_start3A_249 = arith.constant 1 : i32
      %dma_start3A_250 = arith.constant 0 : i32
      %dma_start3A_251 = tpu.memref_slice %arg7[%dma_start3A_249, %dma_start3A_250] : memref<3x40xi32, #tpu.memory_space<vmem>> -> memref<1x40xi32, #tpu.memory_space<vmem>>
      %dma_start3A_252 = tpu.memref_squeeze %dma_start3A_251 : memref<1x40xi32, #tpu.memory_space<vmem>> -> memref<40xi32, #tpu.memory_space<vmem>>
      %dma_start3A_253 = arith.constant 0 : i32
      %dma_start3A_254 = arith.constant 0 : i32
      %dma_start3A_255 = tpu.memref_slice %arg11[%dma_start3A_253, %dma_start3A_254] : memref<10000x128xf32, #tpu.memory_space<vmem_shared>> -> memref<10000x128xf32, #tpu.memory_space<vmem_shared>>
      tpu.enqueue_indirect_dma source(%arg9 : memref<40x128xf32, #tpu.memory_space<vmem>>) target(%dma_start3A_255 : memref<10000x128xf32, #tpu.memory_space<vmem_shared>>) offsets(%dma_start3A_252 : memref<40xi32, #tpu.memory_space<vmem>>) semaphore(%arg16 : memref<!tpu.dma_semaphore, #tpu.memory_space<semaphore_mem>>) {add = true}
      %dma_wait3A_256 = arith.constant 0 : i32
      %dma_wait3A_257 = arith.constant 0 : i32
      %dma_wait3A_258 = tpu.memref_slice %arg7[%dma_wait3A_256, %dma_wait3A_257] : memref<3x40xi32, #tpu.memory_space<vmem>> -> memref<1x40xi32, #tpu.memory_space<vmem>>
      %dma_wait3A_259 = tpu.memref_squeeze %dma_wait3A_258 : memref<1x40xi32, #tpu.memory_space<vmem>> -> memref<40xi32, #tpu.memory_space<vmem>>
      %dma_wait3A_260 = arith.constant 0 : i32
      %dma_wait3A_261 = arith.constant 0 : i32
      %dma_wait3A_262 = tpu.memref_slice %arg11[%dma_wait3A_260, %dma_wait3A_261] : memref<10000x128xf32, #tpu.memory_space<vmem_shared>> -> memref<10000x128xf32, #tpu.memory_space<vmem_shared>>
      tpu.wait_indirect_dma semaphore(%arg15 : memref<!tpu.dma_semaphore, #tpu.memory_space<semaphore_mem>>) src(%arg8 : memref<40x128xf32, #tpu.memory_space<vmem>>) dst(%dma_wait3A_262 : memref<10000x128xf32, #tpu.memory_space<vmem_shared>>)
      %dma_wait3A_263 = arith.constant 0 : i32
      %dma_wait3A_264 = arith.constant 0 : i32
      %dma_wait3A_265 = tpu.memref_slice %arg7[%dma_wait3A_263, %dma_wait3A_264] : memref<3x40xi32, #tpu.memory_space<vmem>> -> memref<1x40xi32, #tpu.memory_space<vmem>>
      %dma_wait3A_266 = tpu.memref_squeeze %dma_wait3A_265 : memref<1x40xi32, #tpu.memory_space<vmem>> -> memref<40xi32, #tpu.memory_space<vmem>>
      %dma_wait3A_267 = arith.constant 0 : i32
      %dma_wait3A_268 = arith.constant 0 : i32
      %dma_wait3A_269 = tpu.memref_slice %arg11[%dma_wait3A_267, %dma_wait3A_268] : memref<10000x128xf32, #tpu.memory_space<vmem_shared>> -> memref<10000x128xf32, #tpu.memory_space<vmem_shared>>
      tpu.wait_indirect_dma semaphore(%arg16 : memref<!tpu.dma_semaphore, #tpu.memory_space<semaphore_mem>>) src(%arg9 : memref<40x128xf32, #tpu.memory_space<vmem>>) dst(%dma_wait3A_269 : memref<10000x128xf32, #tpu.memory_space<vmem_shared>>)
      %dma_wait3A_270 = arith.constant 0 : i32
      %dma_wait3A_271 = arith.constant 0 : i32
      %dma_wait3A_272 = tpu.memref_slice %arg7[%dma_wait3A_270, %dma_wait3A_271] : memref<3x40xi32, #tpu.memory_space<vmem>> -> memref<1x40xi32, #tpu.memory_space<vmem>>
      %dma_wait3A_273 = tpu.memref_squeeze %dma_wait3A_272 : memref<1x40xi32, #tpu.memory_space<vmem>> -> memref<40xi32, #tpu.memory_space<vmem>>
      %dma_wait3A_274 = arith.constant 0 : i32
      %dma_wait3A_275 = arith.constant 0 : i32
      %dma_wait3A_276 = tpu.memref_slice %arg11[%dma_wait3A_274, %dma_wait3A_275] : memref<10000x128xf32, #tpu.memory_space<vmem_shared>> -> memref<10000x128xf32, #tpu.memory_space<vmem_shared>>
      tpu.wait_indirect_dma semaphore(%arg17 : memref<!tpu.dma_semaphore, #tpu.memory_space<semaphore_mem>>) src(%arg10 : memref<40x128xf32, #tpu.memory_space<vmem>>) dst(%dma_wait3A_276 : memref<10000x128xf32, #tpu.memory_space<vmem_shared>>)
      %scan3A_277 = arith.constant 0 : i32
      scf.yield %scan3A_277 : i32
    }
    %scan3A_16 = arith.constant 5 : i32
    %barrier3A_17 = arith.constant 0 : index
    tpu.barrier barrier_id(%barrier3A_17)
    %mul3A_18 = arith.constant 624 : i32
    %mul3A_19 = arith.muli %arg1, %mul3A_18 : i32
    %multiple_of3A_20 = tpu.assume_multiple %mul3A_19, 8 : i32
    %lt3A_21 = arith.constant 15 : i32
    %lt3A_22 = arith.cmpi slt, %arg1, %lt3A_21 : i32
    %convert_element_type3A_23 = arith.extui %lt3A_22 : i1 to i32
    %cond3A_24 = arith.constant 0 : i32
    %cond3A_25 = arith.cmpi ne, %convert_element_type3A_23, %cond3A_24 : i32
    scf.if %cond3A_25 {
      "tpu.region"() ({
        %run_scoped3A = tpu.sem_alloc : memref<!tpu.dma_semaphore, #tpu.memory_space<semaphore_mem>>
        %dma_start3A = arith.constant 0 : i32
        %dma_start3A_31 = arith.constant 0 : i32
        %dma_start3A_32 = tpu.memref_slice %arg5[%arg0, %dma_start3A, %dma_start3A_31] : memref<2x10000x128xf32, #tpu.memory_space<hbm>> -> memref<1x10000x128xf32, #tpu.memory_space<hbm>>
        %dma_start3A_33 = tpu.memref_squeeze %dma_start3A_32 : memref<1x10000x128xf32, #tpu.memory_space<hbm>> -> memref<10000x128xf32, #tpu.memory_space<hbm>>
        %dma_start3A_34 = arith.constant 0 : i32
        %dma_start3A_35 = tpu.memref_slice %dma_start3A_33[%multiple_of3A_20, %dma_start3A_34] : memref<10000x128xf32, #tpu.memory_space<hbm>> -> memref<624x128xf32, #tpu.memory_space<hbm>>
        %dma_start3A_36 = arith.constant 0 : i32
        %dma_start3A_37 = tpu.memref_slice %arg11[%multiple_of3A_20, %dma_start3A_36] : memref<10000x128xf32, #tpu.memory_space<vmem_shared>> -> memref<624x128xf32, #tpu.memory_space<vmem_shared>>
        tpu.enqueue_dma source(%dma_start3A_37 : memref<624x128xf32, #tpu.memory_space<vmem_shared>>) target(%dma_start3A_35 : memref<624x128xf32, #tpu.memory_space<hbm>>) target_semaphore(%run_scoped3A : memref<!tpu.dma_semaphore, #tpu.memory_space<semaphore_mem>>)
        %dma_wait3A = arith.constant 0 : i32
        %dma_wait3A_38 = arith.constant 0 : i32
        %dma_wait3A_39 = tpu.memref_slice %arg5[%arg0, %dma_wait3A, %dma_wait3A_38] : memref<2x10000x128xf32, #tpu.memory_space<hbm>> -> memref<1x10000x128xf32, #tpu.memory_space<hbm>>
        %dma_wait3A_40 = tpu.memref_squeeze %dma_wait3A_39 : memref<1x10000x128xf32, #tpu.memory_space<hbm>> -> memref<10000x128xf32, #tpu.memory_space<hbm>>
        %dma_wait3A_41 = arith.constant 0 : i32
        %dma_wait3A_42 = tpu.memref_slice %dma_wait3A_40[%multiple_of3A_20, %dma_wait3A_41] : memref<10000x128xf32, #tpu.memory_space<hbm>> -> memref<624x128xf32, #tpu.memory_space<hbm>>
        %dma_wait3A_43 = arith.constant 0 : i32
        %dma_wait3A_44 = tpu.memref_slice %arg11[%multiple_of3A_20, %dma_wait3A_43] : memref<10000x128xf32, #tpu.memory_space<vmem_shared>> -> memref<624x128xf32, #tpu.memory_space<vmem_shared>>
        tpu.wait_dma2 semaphore(%run_scoped3A : memref<!tpu.dma_semaphore, #tpu.memory_space<semaphore_mem>>) src(%dma_wait3A_44 : memref<624x128xf32, #tpu.memory_space<vmem_shared>>) dst(%dma_wait3A_42 : memref<624x128xf32, #tpu.memory_space<hbm>>)
        tpu.yield
      }) : () -> ()
    } else {
    }
    %eq3A_26 = arith.constant 15 : i32
    %eq3A_27 = arith.cmpi eq, %arg1, %eq3A_26 : i32
    %convert_element_type3A_28 = arith.extui %eq3A_27 : i1 to i32
    %cond3A_29 = arith.constant 0 : i32
    %cond3A_30 = arith.cmpi ne, %convert_element_type3A_28, %cond3A_29 : i32
    scf.if %cond3A_30 {
      "tpu.region"() ({
        %run_scoped3A = tpu.sem_alloc : memref<!tpu.dma_semaphore, #tpu.memory_space<semaphore_mem>>
        %dma_start3A = arith.constant 0 : i32
        %dma_start3A_31 = arith.constant 0 : i32
        %dma_start3A_32 = tpu.memref_slice %arg5[%arg0, %dma_start3A, %dma_start3A_31] : memref<2x10000x128xf32, #tpu.memory_space<hbm>> -> memref<1x10000x128xf32, #tpu.memory_space<hbm>>
        %dma_start3A_33 = tpu.memref_squeeze %dma_start3A_32 : memref<1x10000x128xf32, #tpu.memory_space<hbm>> -> memref<10000x128xf32, #tpu.memory_space<hbm>>
        %dma_start3A_34 = arith.constant 9360 : i32
        %dma_start3A_35 = arith.constant 0 : i32
        %dma_start3A_36 = tpu.memref_slice %dma_start3A_33[%dma_start3A_34, %dma_start3A_35] : memref<10000x128xf32, #tpu.memory_space<hbm>> -> memref<640x128xf32, #tpu.memory_space<hbm>>
        %dma_start3A_37 = arith.constant 9360 : i32
        %dma_start3A_38 = arith.constant 0 : i32
        %dma_start3A_39 = tpu.memref_slice %arg11[%dma_start3A_37, %dma_start3A_38] : memref<10000x128xf32, #tpu.memory_space<vmem_shared>> -> memref<640x128xf32, #tpu.memory_space<vmem_shared>>
        tpu.enqueue_dma source(%dma_start3A_39 : memref<640x128xf32, #tpu.memory_space<vmem_shared>>) target(%dma_start3A_36 : memref<640x128xf32, #tpu.memory_space<hbm>>) target_semaphore(%run_scoped3A : memref<!tpu.dma_semaphore, #tpu.memory_space<semaphore_mem>>)
        %dma_wait3A = arith.constant 0 : i32
        %dma_wait3A_40 = arith.constant 0 : i32
        %dma_wait3A_41 = tpu.memref_slice %arg5[%arg0, %dma_wait3A, %dma_wait3A_40] : memref<2x10000x128xf32, #tpu.memory_space<hbm>> -> memref<1x10000x128xf32, #tpu.memory_space<hbm>>
        %dma_wait3A_42 = tpu.memref_squeeze %dma_wait3A_41 : memref<1x10000x128xf32, #tpu.memory_space<hbm>> -> memref<10000x128xf32, #tpu.memory_space<hbm>>
        %dma_wait3A_43 = arith.constant 9360 : i32
        %dma_wait3A_44 = arith.constant 0 : i32
        %dma_wait3A_45 = tpu.memref_slice %dma_wait3A_42[%dma_wait3A_43, %dma_wait3A_44] : memref<10000x128xf32, #tpu.memory_space<hbm>> -> memref<640x128xf32, #tpu.memory_space<hbm>>
        %dma_wait3A_46 = arith.constant 9360 : i32
        %dma_wait3A_47 = arith.constant 0 : i32
        %dma_wait3A_48 = tpu.memref_slice %arg11[%dma_wait3A_46, %dma_wait3A_47] : memref<10000x128xf32, #tpu.memory_space<vmem_shared>> -> memref<640x128xf32, #tpu.memory_space<vmem_shared>>
        tpu.wait_dma2 semaphore(%run_scoped3A : memref<!tpu.dma_semaphore, #tpu.memory_space<semaphore_mem>>) src(%dma_wait3A_48 : memref<640x128xf32, #tpu.memory_space<vmem_shared>>) dst(%dma_wait3A_45 : memref<640x128xf32, #tpu.memory_space<hbm>>)
        tpu.yield
      }) : () -> ()
    } else {
    }
    return
  }
}

module attributes {stable_mosaic.version = 14 : i64} {
  func.func @_mid_body(%arg0: i32, %arg1: memref<2x1000x128xf32, #tpu.memory_space<vmem>>, %arg2: memref<1000x128xf32, #tpu.memory_space<vmem>>, %arg3: memref<1000x1xf32, #tpu.memory_space<vmem>>, %arg4: memref<1x128xf32, #tpu.memory_space<vmem>>, %arg5: memref<128x128xf32, #tpu.memory_space<vmem>>, %arg6: memref<1000x128xf32, #tpu.memory_space<vmem>>) attributes {dimension_semantics = [#tpu.dimension_semantics<arbitrary>], iteration_bounds = array<i64: 10>, scalar_prefetch = 0 : i64, scratch_operands = 0 : i64, tpu.core_type = #tpu.core_type<tc>, window_params = [{transform_indices = @transform_0, window_bounds = array<i64: 2, 1000, 128>}, {transform_indices = @transform_1, window_bounds = array<i64: 1000, 128>}, {transform_indices = @transform_2, window_bounds = array<i64: 1000, 1>}, {pipeline_mode = #tpu.pipeline_mode<synchronous>, transform_indices = @transform_3, window_bounds = array<i64: 1, 128>}, {pipeline_mode = #tpu.pipeline_mode<synchronous>, transform_indices = @transform_4, window_bounds = array<i64: 128, 128>}, {transform_indices = @transform_5, window_bounds = array<i64: 1000, 128>}]} {
    %get3A = arith.constant 0 : index
    %get3A_0 = arith.constant 0 : index
    %get3A_1 = arith.constant 0 : index
    %get3A_2 = vector.load %arg1[%get3A, %get3A_0, %get3A_1] : memref<2x1000x128xf32, #tpu.memory_space<vmem>>, vector<1x1000x128xf32>
    %get3A_3 = vector.shape_cast %get3A_2 : vector<1x1000x128xf32> to vector<1000x128xf32>
    %get3A_4 = arith.constant 1 : index
    %get3A_5 = arith.constant 0 : index
    %get3A_6 = arith.constant 0 : index
    %get3A_7 = vector.load %arg1[%get3A_4, %get3A_5, %get3A_6] : memref<2x1000x128xf32, #tpu.memory_space<vmem>>, vector<1x1000x128xf32>
    %get3A_8 = vector.shape_cast %get3A_7 : vector<1x1000x128xf32> to vector<1000x128xf32>
    %add3A = arith.addf %get3A_3, %get3A_8 : vector<1000x128xf32>
    %get3A_9 = arith.constant 0 : index
    %get3A_10 = arith.constant 0 : index
    %get3A_11 = vector.load %arg2[%get3A_9, %get3A_10] : memref<1000x128xf32, #tpu.memory_space<vmem>>, vector<1000x128xf32>
    %sub3A = arith.subf %add3A, %get3A_11 : vector<1000x128xf32>
    %get3A_12 = arith.constant 0 : index
    %get3A_13 = arith.constant 0 : index
    %get3A_14 = vector.load %arg3[%get3A_12, %get3A_13] : memref<1000x1xf32, #tpu.memory_space<vmem>>, vector<1000x1xf32>
    %mul3A = vector.broadcast %get3A_14 : vector<1000x1xf32> to vector<1000x128xf32>
    %mul3A_15 = arith.mulf %sub3A, %mul3A : vector<1000x128xf32>
    %get3A_16 = arith.constant 0 : index
    %get3A_17 = arith.constant 0 : index
    %get3A_18 = vector.load %arg4[%get3A_16, %get3A_17] : memref<1x128xf32, #tpu.memory_space<vmem>>, vector<1x128xf32>
    %add3A_19 = vector.broadcast %get3A_18 : vector<1x128xf32> to vector<1000x128xf32>
    %add3A_20 = arith.addf %mul3A_15, %add3A_19 : vector<1000x128xf32>
    %max3A = arith.constant 0.000000e+00 : f32
    %max3A_21 = vector.broadcast %max3A : f32 to vector<1000x128xf32>
    %max3A_22 = arith.maximumf %add3A_20, %max3A_21 : vector<1000x128xf32>
    %get3A_23 = arith.constant 0 : index
    %get3A_24 = arith.constant 0 : index
    %get3A_25 = vector.load %arg5[%get3A_23, %get3A_24] : memref<128x128xf32, #tpu.memory_space<vmem>>, vector<128x128xf32>
    %dot_general3A = arith.constant dense<0.000000e+00> : vector<1000x128xf32>
    %dot_general3A_26 = tpu.matmul %max3A_22, %get3A_25, %dot_general3A {dimension_numbers = #tpu.dot_dimension_numbers<[1], [0], [0], [1], [0, 0, 1, 1], [], []>, transpose_lhs_hint = false} : vector<1000x128xf32>, vector<128x128xf32>, vector<1000x128xf32> -> vector<1000x128xf32>
    %mul3A_27 = vector.broadcast %get3A_14 : vector<1000x1xf32> to vector<1000x128xf32>
    %mul3A_28 = arith.mulf %dot_general3A_26, %mul3A_27 : vector<1000x128xf32>
    %swap3A = arith.constant 0 : index
    %swap3A_29 = arith.constant 0 : index
    %swap3A_30 = vector.load %arg6[%swap3A, %swap3A_29] : memref<1000x128xf32, #tpu.memory_space<vmem>>, vector<1000x128xf32>
    tpu.vector_store %arg6[%swap3A, %swap3A_29], %mul3A_28 {strides = array<i32>} : memref<1000x128xf32, #tpu.memory_space<vmem>>, vector<1000x128xf32>,
    return
  }
  func.func @transform_0(%arg0: i32) -> (i32, i32, i32) {
    %c0_i32 = arith.constant 0 : i32
    %c0_i32_0 = arith.constant 0 : i32
    %c0_i32_1 = arith.constant 0 : i32
    return %c0_i32, %arg0, %c0_i32_0 : i32, i32, i32
  }
  func.func @transform_1(%arg0: i32) -> (i32, i32) {
    %c0_i32 = arith.constant 0 : i32
    %c0_i32_0 = arith.constant 0 : i32
    return %arg0, %c0_i32 : i32, i32
  }
  func.func @transform_2(%arg0: i32) -> (i32, i32) {
    %c0_i32 = arith.constant 0 : i32
    %c0_i32_0 = arith.constant 0 : i32
    return %arg0, %c0_i32 : i32, i32
  }
  func.func @transform_3(%arg0: i32) -> (i32, i32) {
    %c0_i32 = arith.constant 0 : i32
    %c0_i32_0 = arith.constant 0 : i32
    %c0_i32_1 = arith.constant 0 : i32
    return %c0_i32, %c0_i32_0 : i32, i32
  }
  func.func @transform_4(%arg0: i32) -> (i32, i32) {
    %c0_i32 = arith.constant 0 : i32
    %c0_i32_0 = arith.constant 0 : i32
    %c0_i32_1 = arith.constant 0 : i32
    return %c0_i32, %c0_i32_0 : i32, i32
  }
  func.func @transform_5(%arg0: i32) -> (i32, i32) {
    %c0_i32 = arith.constant 0 : i32
    %c0_i32_0 = arith.constant 0 : i32
    return %arg0, %c0_i32 : i32, i32
  }
}

module attributes {stable_mosaic.version = 14 : i64} {
  func.func @_mm1_body(%arg0: i32, %arg1: memref<1000x32xf32, #tpu.memory_space<vmem>>, %arg2: memref<1000x128xf32, #tpu.memory_space<vmem>>, %arg3: memref<128x128xf32, #tpu.memory_space<vmem>>, %arg4: memref<1000x128xf32, #tpu.memory_space<vmem>>, %arg5: memref<1000x1xf32, #tpu.memory_space<vmem>>) attributes {dimension_semantics = [#tpu.dimension_semantics<arbitrary>], iteration_bounds = array<i64: 10>, scalar_prefetch = 0 : i64, scratch_operands = 0 : i64, tpu.core_type = #tpu.core_type<tc>, window_params = [{transform_indices = @transform_0, window_bounds = array<i64: 1000, 32>}, {transform_indices = @transform_1, window_bounds = array<i64: 1000, 128>}, {pipeline_mode = #tpu.pipeline_mode<synchronous>, transform_indices = @transform_2, window_bounds = array<i64: 128, 128>}, {transform_indices = @transform_3, window_bounds = array<i64: 1000, 128>}, {transform_indices = @transform_4, window_bounds = array<i64: 1000, 1>}]} {
    %get3A = arith.constant 0 : index
    %get3A_0 = arith.constant 0 : index
    %get3A_1 = vector.load %arg1[%get3A, %get3A_0] : memref<1000x32xf32, #tpu.memory_space<vmem>>, vector<1000x32xf32>
    %reduce_sum3A = arith.constant dense<0.000000e+00> : vector<1000xf32>
    %reduce_sum3A_2 = vector.multi_reduction <add>, %get3A_1, %reduce_sum3A [1] : vector<1000x32xf32> to vector<1000xf32>
    %add3A = arith.constant 1.000000e+00 : f32
    %add3A_3 = vector.broadcast %add3A : f32 to vector<1000xf32>
    %add3A_4 = arith.addf %reduce_sum3A_2, %add3A_3 : vector<1000xf32>
    %rsqrt3A = math.rsqrt %add3A_4 : vector<1000xf32>
    %broadcast_in_dim3A = vector.shape_cast %rsqrt3A : vector<1000xf32> to vector<1000x1xf32>
    %get3A_5 = arith.constant 0 : index
    %get3A_6 = arith.constant 0 : index
    %get3A_7 = vector.load %arg2[%get3A_5, %get3A_6] : memref<1000x128xf32, #tpu.memory_space<vmem>>, vector<1000x128xf32>
    %get3A_8 = arith.constant 0 : index
    %get3A_9 = arith.constant 0 : index
    %get3A_10 = vector.load %arg3[%get3A_8, %get3A_9] : memref<128x128xf32, #tpu.memory_space<vmem>>, vector<128x128xf32>
    %dot_general3A = arith.constant dense<0.000000e+00> : vector<1000x128xf32>
    %dot_general3A_11 = tpu.matmul %get3A_7, %get3A_10, %dot_general3A {dimension_numbers = #tpu.dot_dimension_numbers<[1], [0], [0], [1], [0, 0, 1, 1], [], []>, transpose_lhs_hint = false} : vector<1000x128xf32>, vector<128x128xf32>, vector<1000x128xf32> -> vector<1000x128xf32>
    %mul3A = vector.broadcast %broadcast_in_dim3A : vector<1000x1xf32> to vector<1000x128xf32>
    %mul3A_12 = arith.mulf %dot_general3A_11, %mul3A : vector<1000x128xf32>
    %swap3A = arith.constant 0 : index
    %swap3A_13 = arith.constant 0 : index
    %swap3A_14 = vector.load %arg4[%swap3A, %swap3A_13] : memref<1000x128xf32, #tpu.memory_space<vmem>>, vector<1000x128xf32>
    tpu.vector_store %arg4[%swap3A, %swap3A_13], %mul3A_12 {strides = array<i32>} : memref<1000x128xf32, #tpu.memory_space<vmem>>, vector<1000x128xf32>,
    %swap3A_15 = arith.constant 0 : index
    %swap3A_16 = arith.constant 0 : index
    %swap3A_17 = vector.load %arg5[%swap3A_15, %swap3A_16] : memref<1000x1xf32, #tpu.memory_space<vmem>>, vector<1000x1xf32>
    tpu.vector_store %arg5[%swap3A_15, %swap3A_16], %broadcast_in_dim3A {strides = array<i32>} : memref<1000x1xf32, #tpu.memory_space<vmem>>, vector<1000x1xf32>,
    return
  }
  func.func @transform_0(%arg0: i32) -> (i32, i32) {
    %c0_i32 = arith.constant 0 : i32
    %c0_i32_0 = arith.constant 0 : i32
    return %arg0, %c0_i32 : i32, i32
  }
  func.func @transform_1(%arg0: i32) -> (i32, i32) {
    %c0_i32 = arith.constant 0 : i32
    %c0_i32_0 = arith.constant 0 : i32
    return %arg0, %c0_i32 : i32, i32
  }
  func.func @transform_2(%arg0: i32) -> (i32, i32) {
    %c0_i32 = arith.constant 0 : i32
    %c0_i32_0 = arith.constant 0 : i32
    %c0_i32_1 = arith.constant 0 : i32
    return %c0_i32, %c0_i32_0 : i32, i32
  }
  func.func @transform_3(%arg0: i32) -> (i32, i32) {
    %c0_i32 = arith.constant 0 : i32
    %c0_i32_0 = arith.constant 0 : i32
    return %arg0, %c0_i32 : i32, i32
  }
  func.func @transform_4(%arg0: i32) -> (i32, i32) {
    %c0_i32 = arith.constant 0 : i32
    %c0_i32_0 = arith.constant 0 : i32
    return %arg0, %c0_i32 : i32, i32
  }
}

module attributes {stable_mosaic.version = 14 : i64} {
  func.func @_head_body(%arg0: i32, %arg1: memref<2x1000x128xf32, #tpu.memory_space<vmem>>, %arg2: memref<1000x128xf32, #tpu.memory_space<vmem>>, %arg3: memref<1000x1xf32, #tpu.memory_space<vmem>>, %arg4: memref<1x128xf32, #tpu.memory_space<vmem>>, %arg5: memref<128x40xf32, #tpu.memory_space<vmem>>, %arg6: memref<1x40xf32, #tpu.memory_space<vmem>>, %arg7: memref<1000x40xf32, #tpu.memory_space<vmem>>) attributes {dimension_semantics = [#tpu.dimension_semantics<arbitrary>], iteration_bounds = array<i64: 10>, scalar_prefetch = 0 : i64, scratch_operands = 0 : i64, tpu.core_type = #tpu.core_type<tc>, window_params = [{transform_indices = @transform_0, window_bounds = array<i64: 2, 1000, 128>}, {transform_indices = @transform_1, window_bounds = array<i64: 1000, 128>}, {transform_indices = @transform_2, window_bounds = array<i64: 1000, 1>}, {pipeline_mode = #tpu.pipeline_mode<synchronous>, transform_indices = @transform_3, window_bounds = array<i64: 1, 128>}, {pipeline_mode = #tpu.pipeline_mode<synchronous>, transform_indices = @transform_4, window_bounds = array<i64: 128, 40>}, {pipeline_mode = #tpu.pipeline_mode<synchronous>, transform_indices = @transform_5, window_bounds = array<i64: 1, 40>}, {transform_indices = @transform_6, window_bounds = array<i64: 1000, 40>}]} {
    %get3A = arith.constant 0 : index
    %get3A_0 = arith.constant 0 : index
    %get3A_1 = arith.constant 0 : index
    %get3A_2 = vector.load %arg1[%get3A, %get3A_0, %get3A_1] : memref<2x1000x128xf32, #tpu.memory_space<vmem>>, vector<1x1000x128xf32>
    %get3A_3 = vector.shape_cast %get3A_2 : vector<1x1000x128xf32> to vector<1000x128xf32>
    %get3A_4 = arith.constant 1 : index
    %get3A_5 = arith.constant 0 : index
    %get3A_6 = arith.constant 0 : index
    %get3A_7 = vector.load %arg1[%get3A_4, %get3A_5, %get3A_6] : memref<2x1000x128xf32, #tpu.memory_space<vmem>>, vector<1x1000x128xf32>
    %get3A_8 = vector.shape_cast %get3A_7 : vector<1x1000x128xf32> to vector<1000x128xf32>
    %add3A = arith.addf %get3A_3, %get3A_8 : vector<1000x128xf32>
    %get3A_9 = arith.constant 0 : index
    %get3A_10 = arith.constant 0 : index
    %get3A_11 = vector.load %arg2[%get3A_9, %get3A_10] : memref<1000x128xf32, #tpu.memory_space<vmem>>, vector<1000x128xf32>
    %sub3A = arith.subf %add3A, %get3A_11 : vector<1000x128xf32>
    %get3A_12 = arith.constant 0 : index
    %get3A_13 = arith.constant 0 : index
    %get3A_14 = vector.load %arg3[%get3A_12, %get3A_13] : memref<1000x1xf32, #tpu.memory_space<vmem>>, vector<1000x1xf32>
    %mul3A = vector.broadcast %get3A_14 : vector<1000x1xf32> to vector<1000x128xf32>
    %mul3A_15 = arith.mulf %sub3A, %mul3A : vector<1000x128xf32>
    %get3A_16 = arith.constant 0 : index
    %get3A_17 = arith.constant 0 : index
    %get3A_18 = vector.load %arg4[%get3A_16, %get3A_17] : memref<1x128xf32, #tpu.memory_space<vmem>>, vector<1x128xf32>
    %add3A_19 = vector.broadcast %get3A_18 : vector<1x128xf32> to vector<1000x128xf32>
    %add3A_20 = arith.addf %mul3A_15, %add3A_19 : vector<1000x128xf32>
    %max3A = arith.constant 0.000000e+00 : f32
    %max3A_21 = vector.broadcast %max3A : f32 to vector<1000x128xf32>
    %max3A_22 = arith.maximumf %add3A_20, %max3A_21 : vector<1000x128xf32>
    %get3A_23 = arith.constant 0 : index
    %get3A_24 = arith.constant 0 : index
    %get3A_25 = vector.load %arg5[%get3A_23, %get3A_24] : memref<128x40xf32, #tpu.memory_space<vmem>>, vector<128x40xf32>
    %dot_general3A = arith.constant dense<0.000000e+00> : vector<1000x40xf32>
    %dot_general3A_26 = tpu.matmul %max3A_22, %get3A_25, %dot_general3A {dimension_numbers = #tpu.dot_dimension_numbers<[1], [0], [0], [1], [0, 0, 1, 1], [], []>, transpose_lhs_hint = false} : vector<1000x128xf32>, vector<128x40xf32>, vector<1000x40xf32> -> vector<1000x40xf32>
    %get3A_27 = arith.constant 0 : index
    %get3A_28 = arith.constant 0 : index
    %get3A_29 = vector.load %arg6[%get3A_27, %get3A_28] : memref<1x40xf32, #tpu.memory_space<vmem>>, vector<1x40xf32>
    %add3A_30 = vector.broadcast %get3A_29 : vector<1x40xf32> to vector<1000x40xf32>
    %add3A_31 = arith.addf %dot_general3A_26, %add3A_30 : vector<1000x40xf32>
    %swap3A = arith.constant 0 : index
    %swap3A_32 = arith.constant 0 : index
    %swap3A_33 = vector.load %arg7[%swap3A, %swap3A_32] : memref<1000x40xf32, #tpu.memory_space<vmem>>, vector<1000x40xf32>
    tpu.vector_store %arg7[%swap3A, %swap3A_32], %add3A_31 {strides = array<i32>} : memref<1000x40xf32, #tpu.memory_space<vmem>>, vector<1000x40xf32>,
    return
  }
  func.func @transform_0(%arg0: i32) -> (i32, i32, i32) {
    %c0_i32 = arith.constant 0 : i32
    %c0_i32_0 = arith.constant 0 : i32
    %c0_i32_1 = arith.constant 0 : i32
    return %c0_i32, %arg0, %c0_i32_0 : i32, i32, i32
  }
  func.func @transform_1(%arg0: i32) -> (i32, i32) {
    %c0_i32 = arith.constant 0 : i32
    %c0_i32_0 = arith.constant 0 : i32
    return %arg0, %c0_i32 : i32, i32
  }
  func.func @transform_2(%arg0: i32) -> (i32, i32) {
    %c0_i32 = arith.constant 0 : i32
    %c0_i32_0 = arith.constant 0 : i32
    return %arg0, %c0_i32 : i32, i32
  }
  func.func @transform_3(%arg0: i32) -> (i32, i32) {
    %c0_i32 = arith.constant 0 : i32
    %c0_i32_0 = arith.constant 0 : i32
    %c0_i32_1 = arith.constant 0 : i32
    return %c0_i32, %c0_i32_0 : i32, i32
  }
  func.func @transform_4(%arg0: i32) -> (i32, i32) {
    %c0_i32 = arith.constant 0 : i32
    %c0_i32_0 = arith.constant 0 : i32
    %c0_i32_1 = arith.constant 0 : i32
    return %c0_i32, %c0_i32_0 : i32, i32
  }
  func.func @transform_5(%arg0: i32) -> (i32, i32) {
    %c0_i32 = arith.constant 0 : i32
    %c0_i32_0 = arith.constant 0 : i32
    %c0_i32_1 = arith.constant 0 : i32
    return %c0_i32, %c0_i32_0 : i32, i32
  }
  func.func @transform_6(%arg0: i32) -> (i32, i32) {
    %c0_i32 = arith.constant 0 : i32
    %c0_i32_0 = arith.constant 0 : i32
    return %arg0, %c0_i32 : i32, i32
  }
}

</mosaic_0001>

<sc_bundles>
// kernel: kernel.11.cloned.1.call-start
scs
__scs_entry_jumppad:
0x0: {  	(pc) =	sbr.rel $0x88, $3  }
0x1: {  	(tag) =	ssettag $0x0;
	lr =	simm.s32 $0x1  }
0x2: {  	[smem:$0x3F99] =	sst lr;
	_ =	strace $0xD0000000  }
0x3: {  	_ = 	snop  }
0x4: {  	_ = 	snop  }
0x5: {  	_ = 	snop  }
0x6: {  	_ = 	snop  }
0x7: {  	_ = 	snop  }
__scs_overlays_trampoline_lowered:
0x8: {  	[smem:$0x3FA8] =	sst s0  }
0x9: {  	[smem:$0x3FA9] =	sst s1  }
0xa: {  	[smem:$0x3FAA] =	sst s2  }
0xb: {  	[smem:$0x3FAB] =	sst s3  }
0xc: {  	[smem:$0x3FAC] =	sst s4  }
0xd: {  	[smem:$0x3FAD] =	sst s5  }
0xe: {  	[smem:$0x3FAE] =	sst s6  }
0xf: {  	[smem:$0x3FAF] =	sst s7  }
0x10: {  	[smem:$0x3FB0] =	sst s8  }
0x11: {  	[smem:$0x3FB1] =	sst s9;
	s0 =	simm.s32 @!p0 $0x0  }
0x12: {  	s1 =	sld [smem:$0x3F97];
	s0 =	simm.s32 @p0 $0x1  }
0x13: {  	[smem:$0x3FB2] =	sst s0;
	s0 =	simm.s32 @!p1 $0x0  }
0x14: {  	s2 =	sld [smem:$0x3F96];
	s0 =	simm.s32 @p1 $0x1  }
0x15: {  	[smem:$0x3FB3] =	sst s0;
	s0 =	simm.s32 @!p2 $0x0  }
0x16: {  	s3 =	sld [smem:$0x3FDB];
	s0 =	simm.s32 @p2 $0x1  }
0x17: {  	s4 =	simm.s32 $0x1BF5;
	[smem:$0x3FB5] =	sst s0  }
0x18: {  	s0 =	sld [smem:$0x3F98];
	_ =	swait.ge [sflag:s4], $0x0  }
0x19: {  	s7 =	sld [smem:$0x3F99]  }
0x1a: {  	s8 =	sadd.s32 $0xFFFFE003, lr  }
0x1b: {  	s9 =	sadd.s32 $0xFFFFFEF7, lr;
	s5 =	simm.s32 $0xFFFFFFFF;
	p2 =	slt.u32 s8, $0xFFFFF086  }
0x1c: {  	p1 =	slt.u32 s9, $0xF7A;
	s5 =	simm.s32 @!p2 $0x0  }
0x1d: {  	s5 =	simm.s32 @p1 $0x1;
	p0 =	seq.s32 s7, s2  }
0x1e: {  	s7 =	smul.u32 @!p0 $0xF7A, s2;
	p2 =	seq.s32 @!p0 s5, $0x0  }
0x1f: {  	s9 =	smul.u32 $0xF7A, s1;
	s8 =	simm.s32 @!p0 $0x1BF5;
	p2 =	por !p2, p0  }
0x20: {  	[sflag:s8] =	ssyncset.s32 @!p0 $0xFFFFF086;
	s6 =	sadd.s32 @!p0 s3, s7;
	s7 =	simm.s32 @!p0 $0x108  }
0x21: {  	s3 =	sadd.s32 s3, s9;
	s6 =	sadd.s32 @!p0 $0x88, s6;
	s7 =	simm.s32 @p2 $0x1082  }
0x22: {  	[simem:s7], [sflag:s8] =	dma.local @!p0 [hbm:s6], $0xF7A  }
0x23: {  	s9 =	sor.u32 $0xD0000000, s2;
	s6 =	simm.s32 $0x108;
	_ =	swait.ge @!p0 [sflag:s8], $0x0  }
0x24: {  	s3 =	sadd.s32 $0x88, s3;
	s6 =	simm.s32 @!p1 $0x1082;
	[sflag:s4] =	ssyncset.s32 $0xFFFFF086  }
0x25: {  	[simem:s6], [sflag:s4] =	dma.local [hbm:s3], $0xF7A  }
0x26: {  	[smem:$0x3F99] =	sst s1;
	(tag) =	ssettag s2;
	_ =	strace s9  }
0x27: {  	s1 =	sld [smem:$0x3FA9]  }
0x28: {  	s2 =	sld [smem:$0x3FAA]  }
0x29: {  	s4 =	sld [smem:$0x3FAC]  }
0x2a: {  	p0 =	seq.s32 s5, $0x0;
	s5 =	sld [smem:$0x3FAD]  }
0x2b: {  	s6 =	sld [smem:$0x3FAE]  }
0x2c: {  	s7 =	sld [smem:$0x3FAF]  }
0x2d: {  	s3 =	simm.s32 $0x108;
	s8 =	sld [smem:$0x3FB0]  }
0x2e: {  	s3 =	simm.s32 @!p0 $0x1082;
	s9 =	sld [smem:$0x3FB1]  }
0x2f: {  	lr =	sadd.s32 s0, s3;
	s0 =	sld [smem:$0x3FA8]  }
0x30: {  	s3 =	sld [smem:$0x3FAB]  }
0x31: {  	[smem:$0x3FB4] =	sst s10  }
0x32: {  	s10 =	sld [smem:$0x3FB2];
	_ =	sdelay $0x3  }
0x33: {  	p0 =	seq.s32 s10, $0x1;
	s10 =	sld [smem:$0x3FB4];
	_ =	sdelay $0x3  }
0x34: {  	[smem:$0x3FB4] =	sst s10  }
0x35: {  	s10 =	sld [smem:$0x3FB3];
	_ =	sdelay $0x3  }
0x36: {  	p1 =	seq.s32 s10, $0x1;
	s10 =	sld [smem:$0x3FB4];
	_ =	sdelay $0x3  }
0x37: {  	[smem:$0x3FB4] =	sst s10  }
0x38: {  	s10 =	sld [smem:$0x3FB5]  }
0x39: {  	_ = 	snop;
	(pc) =	sbr.ind lr, $3  }
0x3a: {  	_ = 	snop  }
0x3b: {  	_ = 	snop  }
0x3c: {  	p2 =	seq.s32 s10, $0x1;
	s10 =	sld [smem:$0x3FB4]  }
0x3d: {  	_ =	shalt  }
0x3e: {  	_ =	shalt  }
0x3f: {  	_ =	shalt  }
0x40: {  	_ =	shalt  }
0x41: {  	_ =	shalt  }
0x42: {  	_ =	shalt  }
0x43: {  	_ =	shalt  }
0x44: {  	_ =	shalt  }
0x45: {  	_ =	shalt  }
0x46: {  	_ =	shalt  }
0x47: {  	_ =	shalt  }
0x48: {  	_ =	shalt  }
0x49: {  	_ =	shalt  }
0x4a: {  	_ =	shalt  }
0x4b: {  	_ =	shalt  }
0x4c: {  	_ =	shalt  }
0x4d: {  	_ =	shalt  }
0x4e: {  	_ =	shalt  }
0x4f: {  	_ =	shalt  }
0x50: {  	_ =	shalt  }
0x51: {  	_ =	shalt  }
0x52: {  	_ =	shalt  }
0x53: {  	_ =	shalt  }
0x54: {  	_ =	shalt  }
0x55: {  	_ =	shalt  }
0x56: {  	_ =	shalt  }
0x57: {  	_ =	shalt  }
0x58: {  	_ =	shalt  }
0x59: {  	_ =	shalt  }
0x5a: {  	_ =	shalt  }
0x5b: {  	_ =	shalt  }
0x5c: {  	_ =	shalt  }
0x5d: {  	_ =	shalt  }
0x5e: {  	_ =	shalt  }
0x5f: {  	_ =	shalt  }
0x60: {  	_ =	shalt  }
0x61: {  	_ =	shalt  }
0x62: {  	_ =	shalt  }
0x63: {  	_ =	shalt  }
0x64: {  	_ =	shalt  }
0x65: {  	_ =	shalt  }
0x66: {  	_ =	shalt  }
0x67: {  	_ =	shalt  }
0x68: {  	_ =	shalt  }
0x69: {  	_ =	shalt  }
0x6a: {  	_ =	shalt  }
0x6b: {  	_ =	shalt  }
0x6c: {  	_ =	shalt  }
0x6d: {  	_ =	shalt  }
0x6e: {  	_ =	shalt  }
0x6f: {  	_ =	shalt  }
0x70: {  	_ =	shalt  }
0x71: {  	_ =	shalt  }
0x72: {  	_ =	shalt  }
0x73: {  	_ =	shalt  }
0x74: {  	_ =	shalt  }
0x75: {  	_ =	shalt  }
0x76: {  	_ =	shalt  }
0x77: {  	_ =	shalt  }
0x78: {  	_ =	shalt  }
0x79: {  	_ =	shalt  }
0x7a: {  	_ =	shalt  }
0x7b: {  	_ =	shalt  }
0x7c: {  	_ =	shalt  }
0x7d: {  	_ =	shalt  }
0x7e: {  	_ =	shalt  }
0x7f: {  	_ =	shalt  }
0x80: {  	_ =	shalt  }
0x81: {  	_ =	shalt  }
0x82: {  	_ =	shalt  }
0x83: {  	_ =	shalt  }
0x84: {  	_ =	shalt  }
0x85: {  	_ =	shalt  }
0x86: {  	_ =	shalt  }
0x87: {  	_ =	shalt  }
.Lfunc_end0:
.L_simem_size_0:
called_computation.1_lowered:
.L_overlay_start_0:
0x88: {  	s2 =	sld [smem:$0x3FD9]  }
0x89: {  	s3 =	sld [smem:$0x3FFE];
	_ =	sdelay $0x1  }
0x8a: {  	s1 =	srdreg.scid  }
0x8b: {  	s0 =	sand.u32 $0x1, s1  }
0x8c: {  	s16 =	sshll.u32 s0, $0xA;
	s2 =	sadd.s32 s3, s2  }
0x8d: {  	s2 =	sadd.s32 s2, s16  }
0x8e: {  	[smem:$0x3FC0] =	sst s2  }
0x8f: {  	_ = 	snop  }
0x90: {  	(tm) =	ssettm $0x1  }
0x91: {  	s17 =	sld [smem:$0x3FFB];
	_ =	sdelay $0x3  }
0x92: {  	_ =	strace s17  }
0x93: {  	s2 =	sld [smem:$0x3FFC];
	_ =	sdelay $0x3  }
0x94: {  	_ =	strace s2  }
0x95: {  	s2 =	sld [smem:$0x3FFD];
	_ =	sdelay $0x3  }
0x96: {  	_ =	strace s2  }
0x97: {  	_ =	strace $0x8FFFFFFF  }
0x98: {  	s18 =	sld [smem:$0x3FDB];
	_ =	sdelay $0x1  }
0x99: {  	s19 =	simm.s32 $_scs_section_size  }
0x9a: {  	s4 =	simm.s32 $_size__tile_overlayer_lowered;
	s5 =	simm.s32 $_tile_overlayer_lowered  }
0x9b: {  	s22 =	simm.s32 $0x1BFF;
	s21 =	sshll.u32 s5, $0x1;
	s2 =	sadd.s32 s19, s18  }
0x9c: {  	s6 =	simm.s32 $0x0;
	s20 =	sshll.u32 s4, $0x1;
	s4 =	sadd.s32 s21, s2  }
0x9d: {  	[timem:s6], [sflag:s22] =	dma.local [hbm:s4], s20  }
0x9e: {  	_ =	swait.ge [sflag:s22], s20  }
0x9f: {  	s3 =	ssub.s32 $0x0, s20;
	[sflag:s22] =	ssyncset.done $0x0  }
0xa0: {  	[sflag:s22] =	ssyncadd.s32 s3;
	_ =	sdelay $0x1  }
0xa1: {  	s23 =	simm.s32 $0x1B8B  }
0xa2: {  	_ =	swait.ge [sflag:s23], $0x1  }
0xa3: {  	[sflag:s23] =	ssyncset.done $0x0  }
0xa4: {  	s25 =	simm.s32 $0x1B8E;
	s24 =	sld [smem:$0x3FFE];
	[sflag:s23] =	ssyncadd.s32 $0xFFFFFFFF  }
0xa5: {  	s26 =	simm.s32 $execute0_lowered;
	[smem:$0x3FD2] =	sst s25  }
0xa6: {  	s4 =	sshll.u32 s26, $0x1;
	_ =	strace $0x80000049;
	[dreg:$0x1] =	wrdreg $0xFFFFFFFF  }
0xa7: {  	s28 =	simm.s32 $_size_execute0_lowered;
	s2 =	sadd.s32 s2, s4;
	[dreg:$0x0] =	wrdreg $0x0  }
0xa8: {  	s4 =	sshll.u32 s28, $0x1;
	[dreg:$0x2] =	wrdreg s2  }
0xa9: {  	[dreg:$0x3] =	wrdreg s4  }
0xaa: {  	[dreg:$0x4] =	wrdreg $0xC0  }
0xab: {  	_ =	task [dreg:s6], $0x5FFFF  }
0xac: {  	[dreg:$0x1] =	wrdreg $0xFFFFFFFF  }
0xad: {  	[dreg:$0x0] =	wrdreg $0x60  }
0xae: {  	[dreg:$0x2] =	wrdreg s24  }
0xaf: {  	[dreg:$0x3] =	wrdreg $0x46000  }
0xb0: {  	[dreg:$0x4] =	wrdreg $0x9  }
0xb1: {  	_ =	task.clear_ibuf [dreg:s6], $0x5FFFF;
	_ =	strace $0x90000049  }
0xb2: {  	s29 =	simm.s32 $0x9;
	_ =	strace $0x8000004B  }
0xb3: {  	_ =	swait.ge [sflag:s29], $0x1  }
0xb4: {  	[sflag:s29] =	ssyncadd.s32 $0xFFFFFFFF  }
0xb5: {  	_ =	strace $0x9000004B  }
0xb6: {  	_ =	sfence  }
0xb7: {  	s30 =	sld [smem:$0x0];
	_ =	sdelay $0x2  }
0xb8: {  	s31 =	sshll.u32 s1, $0xD;
	s1 =	sshrl.u32 s1, $0x2  }
0xb9: {  	s3 =	sand.u32 $0x4000, s31;
	s1 =	sadd.s32 s1, s30  }
0xba: {  	s0 =	sor.u32 s3, s0;
	s1 =	sshll.u32 s1, $0x11  }
0xbb: {  	s0 =	sor.u32 s1, s0  }
0xbc: {  	s0 =	sadd.s32 $0x8F2B, s0  }
0xbd: {  	[sflag:s0] =	ssyncadd.remote.s32 $0x1  }
0xbe: {  	_ =	sfence.sel $0xFFFF  }
0xbf: {  	[dreg:$0x0] =	wrdreg $0xFFFFFFFF;
	(pc) =	sbr.abs _section_cstart, $3  }
0xc0: {  	[dreg:$0x1] =	wrdreg $0xFFFFFFFF  }
0xc1: {  	_ =	task.clear_ibuf [dreg:s6], $0x2FFFF;
	_ =	strace $0x9FFFFFFF  }
0xc2: {  	(tm) =	ssettm $0x7FFFFFFF  }
0xc3: {  	_ =	shalt  }
tec
execute0_lowered:
.L_overlay_start_1:
0x0: {  	(tag) =	ssettag $0x1  }
0x1: {  	s0 =	rddreg [dreg:$0x0]  }
0x2: {  	s1 =	rddreg [dreg:$0x1]  }
0x3: {  	s2 =	simm.s32 $0x0;
	s3 =	srdreg.scid;
	s12 =	stileid.u32  }
0x4: {  	s28 =	simm.s32 $0x3200;
	s29 =	simm.s32 $0x7;
	s30 =	simm.s32 $0x1  }
0x5: {  	s31 =	simm.s32 $0x4;
	s15 =	simm.s32 $0x0;
	[smem:$0x7FF] =	sst s2  }
0x6: {  	s4 =	sadd.s32 $0xC600, s0;
	s3 =	sand.u32 $0x1, s3;
	s8 =	smul.u32 $0x4E000, s12  }
0x7: {  	s5 =	sadd.s32 $0x2800, s0;
	s6 =	sadd.s32 $0x16400, s0;
	s11 =	smul.u32 $0x2700, s12  }
0x8: {  	s19 =	smul.u32 $0x2710, s12;
	p0 =	seq.s32 s12, $0xF;
	_ =	strace $0x8000004A  }
0x9: {  	[dreg:$0x3] =	wrdreg s4;
	s18 =	smul.u32 $0x27100, s3;
	s7 =	ssub.s32 $0x2, s3  }
0xa: {  	s3 =	sshll.u32 s3, $0x4;
	s10 =	sshrl.u32 s7, $0x1;
	s8 =	sshrl.u32 s8, $0x2  }
0xb: {  	[dreg:$0x4] =	wrdreg s11;
	s11 =	sadd.s32 s6, s11;
	s3 =	sor.u32 s12, s3  }
0xc: {  	s9 =	sadd.s32 s18, s0;
	s7 =	ssub.s32 s7, s10;
	s8 =	sadd.s32 s8, s1  }
0xd: {  	[dreg:$0x5] =	wrdreg s11;
	s11 =	sadd.s32 $0x124800, s1;
	s0 =	sadd.s32 $0x3AD00, s0  }
0xe: {  	s4 =	sadd.s32 s19, s18;
	s20 =	smul.u32 $0x2710, s3;
	[dreg:$0x6] =	wrdreg s0  }
0xf: {  	s21 =	sadd.s32 $0xC8, s4;
	s22 =	sadd.s32 $0x3D600, s9;
	s23 =	smax.u32 s7, $0x1  }
0x10: {  	s24 =	sadd.s32 $0xA0, s4;
	s25 =	sadd.s32 $0x78, s4;
	s13 =	sshrl.u32 @p0 s11, $0x3  }
0x11: {  	s14 =	sshrl.u32 @!p0 s8, $0x3;
	s8 =	simm.s32 $0x5;
	[dreg:$0x7] =	wrdreg s20  }
0x12: {  	s7 =	simm.s32 $0x9;
	s9 =	simm.s32 $0x3;
	[dreg:$0x8] =	wrdreg s22  }
0x13: {  	[dreg:$0x9] =	wrdreg s23;
	s0 =	sshrl.u32 s21, $0x3;
	s3 =	sshrl.u32 s25, $0x3  }
0x14: {  	s20 =	simm.s32 $0x800;
	s21 =	simm.s32 $0x28;
	s22 =	simm.s32 $0xA00  }
0x15: {  	s23 =	simm.s32 $0x880;
	[dreg:$0xd] =	wrdreg s13;
	s0 =	sadd.s32 s0, s5  }
0x16: {  	s25 =	simm.s32 $0x900;
	[dreg:$0xa] =	wrdreg s0;
	s0 =	sshrl.u32 s24, $0x3  }
0x17: {  	[dreg:$0xf] =	wrdreg s14;
	s26 =	sadd.s32 s3, s5;
	s0 =	sadd.s32 s0, s5  }
0x18: {  	s3 =	simm.s32 $0x2;
	[dreg:$0xb] =	wrdreg s0;
	s0 =	sshll.u32 @!p0 s12, $0x6  }
0x19: {  	[dreg:$0xc] =	wrdreg s26;
	s24 =	simm.s32 $0x1E00;
	s11 =	sor.u32 @!p0 $0x1C0A, s0  }
0x1a: {  	s12 =	simm.s32 $0x6;
	s0 =	simm.s32 $0x8;
	[dreg:$0xe] =	wrdreg s11  }
.LBB2_1:
0x1b: {  	[dreg:$0x10] =	wrdreg s15  }
0x1c: {  	s4 =	simm.s32 @p0 $0x1FCA;
	s10 =	rddreg [dreg:$0x6]  }
0x1d: {  	[spmem:s13], [sflag:s4] =	dma.local @p0 [hbm:s10], $0x2800  }
0x1e: {  	s4 =	simm.s32 @p0 $0xA  }
0x1f: {  	_ =	swait.ge @p0 [sflag:s4], $0x2800  }
0x20: {  	[sflag:s4] =	ssyncset.done @p0 $0x0  }
0x21: {  	[sflag:s4] =	ssyncadd.s32 @p0 $0xFFFFD800;
	s4 =	rddreg [dreg:$0x5]  }
0x22: {  	[spmem:s14], [sflag:s11] =	dma.local @!p0 [hbm:s4], $0x2700  }
0x23: {  	s4 =	simm.s32 @!p0 $0xA  }
0x24: {  	_ =	swait.ge @!p0 [sflag:s4], $0x2700  }
0x25: {  	[sflag:s4] =	ssyncset.done @!p0 $0x0  }
0x26: {  	[sflag:s4] =	ssyncadd.s32 @!p0 $0xFFFFD900  }
0x27: {  	[bflag:$0x0] =	sbarrier.arrive $0xFFFF  }
0x28: {  	s11 =	rddreg [dreg:$0xc]  }
0x29: {  	s16 =	rddreg [dreg:$0xb]  }
0x2a: {  	s18 =	simm.s32 $0x0;
	s17 =	rddreg [dreg:$0xa]  }
.LBB2_2:
0x2b: {  	s4 =	smul.u32 $0x7D0, s18  }
0x2c: {  	s10 =	rddreg [dreg:$0x7]  }
0x2d: {  	s15 =	sadd.s32 s10, s4  }
0x2e: {  	s13 =	rddreg [dreg:$0x3];
	s4 =	sshrl.u32 s15, $0x3  }
0x2f: {  	s14 =	simm.s32 $0xA;
	s10 =	sadd.s32 s13, s4;
	s13 =	simm.s32 $0x0  }
0x30: {  	[tilespmem:s13], [sflag:$0xA] =	stream.linear.gather [hbm4b:s10+s13], $0x7D0, $0x38;
	[tilespmem:$0x17E80] =	vst v63  }
0x31: {  	_ =	swait.ge [sflag:s14], $0x7D0  }
0x32: {  	[sflag:s14] =	ssyncset.done $0x0  }
0x33: {  	s19 =	sadd.s32 $0x28, s15;
	s26 =	sadd.s32 s5, s4;
	[sflag:s14] =	ssyncadd.s32 $0xFFFFF830  }
0x34: {  	[tilespmem:s20], [sflag:$0x7] =	stream.linear.gather [hbm4b:s26+s13], $0x28, $0x38;
	[tilespmem:$0x17E80] =	vst v63  }
0x35: {  	s4 =	sshrl.u32 s19, $0x3  }
0x36: {  	[tilespmem:s22], [sflag:$0x1] =	stream.indirect.gather [hbm4b:s6+s21], $0x80, s13, s21, $0xb8;
	[tilespmem:$0x17E80] =	vst v63  }
0x37: {  	s4 =	sadd.s32 s5, s4  }
0x38: {  	[tilespmem:s23], [sflag:$0x8] =	stream.linear.gather [hbm4b:s4+s13], $0x28, $0x38;
	[tilespmem:$0x17E80] =	vst v63  }
0x39: {  	_ = 	snop  }
0x3a: {  	[tilespmem:s24], [sflag:$0x2] =	stream.indirect.gather [hbm4b:s6+s21], $0x80, s21, s21, $0xb8;
	[tilespmem:$0x17E80] =	vst v63  }
0x3b: {  	s10 =	sadd.s32 $0xA, s26  }
0x3c: {  	[tilespmem:s25], [sflag:$0x9] =	stream.linear.gather [hbm4b:s10+s13], $0x28, $0x38;
	[tilespmem:$0x17E80] =	vst v63  }
0x3d: {  	s14 =	simm.s32 $0x50  }
0x3e: {  	[tilespmem:s28], [sflag:$0x3] =	stream.indirect.gather [hbm4b:s6+s21], $0x80, s14, s21, $0xb8;
	[tilespmem:$0x17E80] =	vst v63  }
0x3f: {  	_ =	swait.ge [sflag:s29], $0x28  }
0x40: {  	[sflag:s29] =	ssyncset.done $0x0  }
0x41: {  	[sflag:s29] =	ssyncadd.s32 $0xFFFFFFD8  }
0x42: {  	_ =	swait.ge [sflag:s30], $0x1400  }
0x43: {  	[sflag:s30] =	ssyncset.done $0x0  }
0x44: {  	[sflag:s30] =	ssyncadd.s32 $0xFFFFEC00  }
0x45: {  	[spmem:s1] =	stream.indirect.scatter.add.f32 [tilespmem:s22], [sflag:$0x4], $0x80, s20, s21, $0xb8;
	[tilespmem:$0x17E80] =	vst v63  }
0x46: {  	_ =	swait.ge [sflag:s31], $0x1400  }
0x47: {  	[sflag:s31] =	ssyncset.done $0x0  }
0x48: {  	s19 =	sadd.s32 $0x0, s11;
	[sflag:s31] =	ssyncadd.s32 $0xFFFFEC00  }
0x49: {  	[tilespmem:s20], [sflag:$0x7] =	stream.linear.gather [hbm4b:s19+s2], $0x28, $0x38;
	[tilespmem:$0x17E80] =	vst v63  }
0x4a: {  	s10 =	simm.s32 $0x78  }
0x4b: {  	[tilespmem:s22], [sflag:$0x1] =	stream.indirect.gather [hbm4b:s6+s21], $0x80, s10, s21, $0xb8;
	[tilespmem:$0x17E80] =	vst v63  }
0x4c: {  	_ =	swait.ge [sflag:s0], $0x28  }
0x4d: {  	[sflag:s0] =	ssyncset.done $0x0  }
0x4e: {  	[sflag:s0] =	ssyncadd.s32 $0xFFFFFFD8  }
0x4f: {  	_ =	swait.ge [sflag:s3], $0x1400  }
0x50: {  	[sflag:s3] =	ssyncset.done $0x0  }
0x51: {  	[sflag:s3] =	ssyncadd.s32 $0xFFFFEC00  }
0x52: {  	[spmem:s1] =	stream.indirect.scatter.add.f32 [tilespmem:s24], [sflag:$0x5], $0x80, s23, s21, $0xb8;
	[tilespmem:$0x17E80] =	vst v63  }
0x53: {  	_ =	swait.ge [sflag:s8], $0x1400  }
0x54: {  	[sflag:s8] =	ssyncset.done $0x0  }
0x55: {  	s13 =	sadd.s32 $0x0, s16;
	[sflag:s8] =	ssyncadd.s32 $0xFFFFEC00  }
0x56: {  	[tilespmem:s23], [sflag:$0x8] =	stream.linear.gather [hbm4b:s13+s2], $0x28, $0x38;
	[tilespmem:$0x17E80] =	vst v63  }
0x57: {  	s14 =	simm.s32 $0xA0  }
0x58: {  	[tilespmem:s24], [sflag:$0x2] =	stream.indirect.gather [hbm4b:s6+s21], $0x80, s14, s21, $0xb8;
	[tilespmem:$0x17E80] =	vst v63  }
0x59: {  	_ =	swait.ge [sflag:s7], $0x28  }
0x5a: {  	[sflag:s7] =	ssyncset.done $0x0  }
0x5b: {  	[sflag:s7] =	ssyncadd.s32 $0xFFFFFFD8  }
0x5c: {  	_ =	swait.ge [sflag:s9], $0x1400  }
0x5d: {  	[sflag:s9] =	ssyncset.done $0x0  }
0x5e: {  	[sflag:s9] =	ssyncadd.s32 $0xFFFFEC00  }
0x5f: {  	[spmem:s1] =	stream.indirect.scatter.add.f32 [tilespmem:s28], [sflag:$0x6], $0x80, s25, s21, $0xb8;
	[tilespmem:$0x17E80] =	vst v63  }
0x60: {  	_ =	swait.ge [sflag:s12], $0x1400  }
0x61: {  	s4 =	simm.s32 $0x140;
	s19 =	sadd.s32 $0x0, s17;
	[sflag:s12] =	ssyncset.done $0x0  }
0x62: {  	s13 =	simm.s32 $0xC8;
	s14 =	simm.s32 $0xF;
	[sflag:s12] =	ssyncadd.s32 $0xFFFFEC00  }
0x63: {  	[tilespmem:s25], [sflag:$0x9] =	stream.linear.gather [hbm4b:s19+s2], $0x28, $0x38;
	[tilespmem:$0x17E80] =	vst v63  }
.LBB2_3:
0x64: {  	[tilespmem:s28], [sflag:$0x3] =	stream.indirect.gather [hbm4b:s6+s21], $0x80, s13, s21, $0xb8;
	[tilespmem:$0x17E80] =	vst v63  }
0x65: {  	s10 =	smov.u32 s14;
	s13 =	smov.u32 s4  }
0x66: {  	p1 =	sne.s32 s14, $0xD2;
	s14 =	sadd.s32 $0xF, s14;
	_ =	swait.ge [sflag:s29], $0x28  }
0x67: {  	[sflag:s29] =	ssyncset.done $0x0  }
0x68: {  	[sflag:s29] =	ssyncadd.s32 $0xFFFFFFD8  }
0x69: {  	_ =	swait.ge [sflag:s30], $0x1400  }
0x6a: {  	[sflag:s30] =	ssyncset.done $0x0  }
0x6b: {  	[sflag:s30] =	ssyncadd.s32 $0xFFFFEC00  }
0x6c: {  	[spmem:s1] =	stream.indirect.scatter.add.f32 [tilespmem:s22], [sflag:$0x4], $0x80, s20, s21, $0xb8;
	[tilespmem:$0x17E80] =	vst v63  }
0x6d: {  	_ =	swait.ge [sflag:s31], $0x1400  }
0x6e: {  	[sflag:s31] =	ssyncset.done $0x0  }
0x6f: {  	s19 =	sadd.s32 s10, s11;
	[sflag:s31] =	ssyncadd.s32 $0xFFFFEC00  }
0x70: {  	[tilespmem:s20], [sflag:$0x7] =	stream.linear.gather [hbm4b:s19+s2], $0x28, $0x38;
	[tilespmem:$0x17E80] =	vst v63  }
0x71: {  	s19 =	sadd.s32 $0xFFFFFFB0, s4  }
0x72: {  	[tilespmem:s22], [sflag:$0x1] =	stream.indirect.gather [hbm4b:s6+s21], $0x80, s19, s21, $0xb8;
	[tilespmem:$0x17E80] =	vst v63  }
0x73: {  	_ =	swait.ge [sflag:s0], $0x28  }
0x74: {  	[sflag:s0] =	ssyncset.done $0x0  }
0x75: {  	[sflag:s0] =	ssyncadd.s32 $0xFFFFFFD8  }
0x76: {  	_ =	swait.ge [sflag:s3], $0x1400  }
0x77: {  	[sflag:s3] =	ssyncset.done $0x0  }
0x78: {  	[sflag:s3] =	ssyncadd.s32 $0xFFFFEC00  }
0x79: {  	[spmem:s1] =	stream.indirect.scatter.add.f32 [tilespmem:s24], [sflag:$0x5], $0x80, s23, s21, $0xb8;
	[tilespmem:$0x17E80] =	vst v63  }
0x7a: {  	_ =	swait.ge [sflag:s8], $0x1400  }
0x7b: {  	[sflag:s8] =	ssyncset.done $0x0  }
0x7c: {  	s19 =	sadd.s32 s10, s16;
	[sflag:s8] =	ssyncadd.s32 $0xFFFFEC00  }
0x7d: {  	[tilespmem:s23], [sflag:$0x8] =	stream.linear.gather [hbm4b:s19+s2], $0x28, $0x38;
	[tilespmem:$0x17E80] =	vst v63  }
0x7e: {  	s19 =	sadd.s32 $0xFFFFFFD8, s4  }
0x7f: {  	[tilespmem:s24], [sflag:$0x2] =	stream.indirect.gather [hbm4b:s6+s21], $0x80, s19, s21, $0xb8;
	[tilespmem:$0x17E80] =	vst v63  }
0x80: {  	_ =	swait.ge [sflag:s7], $0x28  }
0x81: {  	[sflag:s7] =	ssyncset.done $0x0  }
0x82: {  	[sflag:s7] =	ssyncadd.s32 $0xFFFFFFD8  }
0x83: {  	_ =	swait.ge [sflag:s9], $0x1400  }
0x84: {  	[sflag:s9] =	ssyncset.done $0x0  }
0x85: {  	[sflag:s9] =	ssyncadd.s32 $0xFFFFEC00  }
0x86: {  	[spmem:s1] =	stream.indirect.scatter.add.f32 [tilespmem:s28], [sflag:$0x6], $0x80, s25, s21, $0xb8;
	[tilespmem:$0x17E80] =	vst v63  }
.Ltmp0:
0x87: {  	_ =	swait.ge [sflag:s12], $0x1400;
	(pc) =	sbr.rel @p1 .LBB2_3-.Ltmp0, $4  }
0x88: {  	[sflag:s12] =	ssyncset.done $0x0  }
0x89: {  	s10 =	sadd.s32 s10, s17;
	[sflag:s12] =	ssyncadd.s32 $0xFFFFEC00  }
0x8a: {  	[tilespmem:s25], [sflag:$0x9] =	stream.linear.gather [hbm4b:s10+s2], $0x28, $0x38;
	[tilespmem:$0x17E80] =	vst v63  }
0x8b: {  	s4 =	sadd.s32 $0x78, s4  }
0x8c: {  	[tilespmem:s28], [sflag:$0x3] =	stream.indirect.gather [hbm4b:s6+s21], $0x80, s13, s21, $0xb8;
	[tilespmem:$0x17E80] =	vst v63  }
0x8d: {  	_ =	swait.ge [sflag:s29], $0x28  }
0x8e: {  	[sflag:s29] =	ssyncset.done $0x0  }
0x8f: {  	[sflag:s29] =	ssyncadd.s32 $0xFFFFFFD8  }
0x90: {  	_ =	swait.ge [sflag:s30], $0x1400  }
0x91: {  	[sflag:s30] =	ssyncset.done $0x0  }
0x92: {  	[sflag:s30] =	ssyncadd.s32 $0xFFFFEC00  }
0x93: {  	[spmem:s1] =	stream.indirect.scatter.add.f32 [tilespmem:s22], [sflag:$0x4], $0x80, s20, s21, $0xb8;
	[tilespmem:$0x17E80] =	vst v63  }
0x94: {  	_ =	swait.ge [sflag:s31], $0x1400  }
0x95: {  	[sflag:s31] =	ssyncset.done $0x0  }
0x96: {  	s4 =	sadd.s32 $0xF0, s26;
	[sflag:s31] =	ssyncadd.s32 $0xFFFFEC00  }
0x97: {  	[tilespmem:s20], [sflag:$0x7] =	stream.linear.gather [hbm4b:s4+s2], $0x28, $0x38;
	[tilespmem:$0x17E80] =	vst v63  }
0x98: {  	s14 =	simm.s32 $0x780  }
0x99: {  	[tilespmem:s22], [sflag:$0x1] =	stream.indirect.gather [hbm4b:s6+s21], $0x80, s14, s21, $0xb8;
	[tilespmem:$0x17E80] =	vst v63  }
0x9a: {  	_ =	swait.ge [sflag:s0], $0x28  }
0x9b: {  	[sflag:s0] =	ssyncset.done $0x0  }
0x9c: {  	[sflag:s0] =	ssyncadd.s32 $0xFFFFFFD8  }
0x9d: {  	_ =	swait.ge [sflag:s3], $0x1400  }
0x9e: {  	[sflag:s3] =	ssyncset.done $0x0  }
0x9f: {  	[sflag:s3] =	ssyncadd.s32 $0xFFFFEC00  }
0xa0: {  	[spmem:s1] =	stream.indirect.scatter.add.f32 [tilespmem:s24], [sflag:$0x5], $0x80, s23, s21, $0xb8;
	[tilespmem:$0x17E80] =	vst v63  }
0xa1: {  	s19 =	sadd.s32 $0x7A8, s15;
	_ =	swait.ge [sflag:s8], $0x1400  }
0xa2: {  	s4 =	sshrl.u32 s19, $0x3;
	[sflag:s8] =	ssyncset.done $0x0  }
0xa3: {  	s4 =	sadd.s32 s5, s4;
	[sflag:s8] =	ssyncadd.s32 $0xFFFFEC00  }
0xa4: {  	[tilespmem:s23], [sflag:$0x8] =	stream.linear.gather [hbm4b:s4+s2], $0x28, $0x38;
	[tilespmem:$0x17E80] =	vst v63  }
0xa5: {  	s26 =	simm.s32 $0x7A8  }
0xa6: {  	[tilespmem:s24], [sflag:$0x2] =	stream.indirect.gather [hbm4b:s6+s21], $0x80, s26, s21, $0xb8;
	[tilespmem:$0x17E80] =	vst v63  }
0xa7: {  	_ =	swait.ge [sflag:s7], $0x28  }
0xa8: {  	[sflag:s7] =	ssyncset.done $0x0  }
0xa9: {  	[sflag:s7] =	ssyncadd.s32 $0xFFFFFFD8  }
0xaa: {  	_ =	swait.ge [sflag:s9], $0x1400  }
0xab: {  	[sflag:s9] =	ssyncset.done $0x0  }
0xac: {  	[sflag:s9] =	ssyncadd.s32 $0xFFFFEC00  }
0xad: {  	[spmem:s1] =	stream.indirect.scatter.add.f32 [tilespmem:s28], [sflag:$0x6], $0x80, s25, s21, $0xb8;
	[tilespmem:$0x17E80] =	vst v63  }
0xae: {  	_ =	swait.ge [sflag:s29], $0x28  }
0xaf: {  	[sflag:s29] =	ssyncset.done $0x0  }
0xb0: {  	[sflag:s29] =	ssyncadd.s32 $0xFFFFFFD8  }
0xb1: {  	_ =	swait.ge [sflag:s30], $0x1400  }
0xb2: {  	[sflag:s30] =	ssyncset.done $0x0  }
0xb3: {  	[sflag:s30] =	ssyncadd.s32 $0xFFFFEC00  }
0xb4: {  	[spmem:s1] =	stream.indirect.scatter.add.f32 [tilespmem:s22], [sflag:$0x4], $0x80, s20, s21, $0xb8;
	[tilespmem:$0x17E80] =	vst v63  }
0xb5: {  	_ =	swait.ge [sflag:s0], $0x28  }
0xb6: {  	[sflag:s0] =	ssyncset.done $0x0  }
0xb7: {  	[sflag:s0] =	ssyncadd.s32 $0xFFFFFFD8  }
0xb8: {  	_ =	swait.ge [sflag:s3], $0x1400  }
0xb9: {  	[sflag:s3] =	ssyncset.done $0x0  }
0xba: {  	[sflag:s3] =	ssyncadd.s32 $0xFFFFEC00  }
0xbb: {  	[spmem:s1] =	stream.indirect.scatter.add.f32 [tilespmem:s24], [sflag:$0x5], $0x80, s23, s21, $0xb8;
	[tilespmem:$0x17E80] =	vst v63  }
0xbc: {  	_ =	swait.ge [sflag:s31], $0x1400  }
0xbd: {  	[sflag:s31] =	ssyncset.done $0x0  }
0xbe: {  	s18 =	sadd.s32 $0x1, s18;
	[sflag:s31] =	ssyncadd.s32 $0xFFFFEC00  }
0xbf: {  	p1 =	sne.s32 s18, $0x5;
	_ =	swait.ge [sflag:s8], $0x1400  }
.Ltmp1:
0xc0: {  	[sflag:s8] =	ssyncset.done $0x0;
	(pc) =	sbr.rel @p1 .LBB2_2-.Ltmp1, $4  }
0xc1: {  	[sflag:s8] =	ssyncadd.s32 $0xFFFFEC00  }
0xc2: {  	_ =	swait.ge [sflag:s12], $0x1400  }
0xc3: {  	s17 =	sadd.s32 $0xFA, s17;
	[sflag:s12] =	ssyncset.done $0x0  }
0xc4: {  	s16 =	sadd.s32 $0xFA, s16;
	s11 =	sadd.s32 $0xFA, s11;
	[sflag:s12] =	ssyncadd.s32 $0xFFFFEC00  }
0xc5: {  	[bflag:$0x0] =	sbarrier.arrive $0xFFFF  }
0xc6: {  	s11 =	rddreg [dreg:$0x8]  }
0xc7: {  	s10 =	simm.s32 @p0 $0x1FCA;
	s13 =	rddreg [dreg:$0xd];
	s4 =	sadd.s32 @p0 $0x24900, s11  }
0xc8: {  	[hbm:s4], [sflag:s10] =	dma.local @p0 [spmem:s13], $0x2800  }
0xc9: {  	s4 =	simm.s32 @p0 $0xA  }
0xca: {  	_ =	swait.ge @p0 [sflag:s4], $0x2800  }
0xcb: {  	[sflag:s4] =	ssyncset.done @p0 $0x0;
	s14 =	rddreg [dreg:$0xf]  }
0xcc: {  	[sflag:s4] =	ssyncadd.s32 @p0 $0xFFFFD800;
	s4 =	rddreg [dreg:$0x4]  }
0xcd: {  	s4 =	sadd.s32 @!p0 s4, s11;
	s11 =	rddreg [dreg:$0xe]  }
0xce: {  	[hbm:s4], [sflag:s11] =	dma.local @!p0 [spmem:s14], $0x2700  }
0xcf: {  	s4 =	simm.s32 @!p0 $0xA  }
0xd0: {  	_ =	swait.ge @!p0 [sflag:s4], $0x2700  }
0xd1: {  	s15 =	rddreg [dreg:$0x10]  }
0xd2: {  	s26 =	rddreg [dreg:$0x9];
	s15 =	sadd.s32 $0x1, s15  }
0xd3: {  	p1 =	sne.s32 s15, s26  }
.Ltmp2:
0xd4: {  	_ = 	snop;
	(pc) =	sbr.rel @p1 .LBB2_1-.Ltmp2, $3  }
0xd5: {  	_ =	sdelay $0x1  }
0xd6: {  	[sflag:s4] =	ssyncset.done @!p0 $0x0  }
0xd7: {  	[sflag:s4] =	ssyncadd.s32 @!p0 $0xFFFFD900  }
0xd8: {  	_ =	sfence.sel $0x180000  }
0xd9: {  	[bflag:$0x0] =	sbarrier.arrive $0xFFFF  }
0xda: {  	_ =	strace $0x9000004A  }
0xdb: {  	s0 =	stileid.u32;
	[bflag:$0x2] =	sbarrier.arrive $0xFFFF  }
0xdc: {  	p0 =	sne.s32 s0, $0x0;
	s0 =	rddreg [dreg:$0x2]  }
0xdd: {  	s0 =	sadd.s32 @!p0 $0x100000, s0  }
0xde: {  	[sflag:s0] =	ssyncadd.tile.s32 @!p0 $0x1;
	_ =	shalt  }
.Lfunc_end2:
_tile_overlayer_lowered:
.L_overlay_start_2:
0xdf: {  	(tag) =	ssettag $0x2  }
0xe0: {  	s0 =	rddreg [dreg:$0x0];
	s2 =	stileid.u32  }
0xe1: {  	s1 =	rddreg [dreg:$0x1];
	p0 =	sne.s32 s2, $0x0  }
0xe2: {  	s3 =	rddreg [dreg:$0x2];
	[bflag:$0x3] =	sbarrier.arrive $0xFFFF;
	s2 =	simm.s32 @!p0 $0x1C0A  }
0xe3: {  	[timem:s3], [sflag:s2] =	dma.local @!p0 [hbm:s0], s1  }
0xe4: {  	s0 =	simm.s32 @!p0 $0xA  }
0xe5: {  	_ =	swait.ge @!p0 [sflag:s0], s1  }
0xe6: {  	s1 =	ssub.s32 @!p0 $0x0, s1;
	[sflag:s0] =	ssyncset.done @!p0 $0x0  }
0xe7: {  	[sflag:s0] =	ssyncadd.s32 @!p0 s1  }
0xe8: {  	[bflag:$0x3] =	sbarrier.arrive $0xFFFF  }
0xe9: {  	_ =	shalt  }

// kernel: kernel.14.cloned.1.call-start
scs
__scs_entry_jumppad:
0x0: {  	(pc) =	sbr.rel $0x88, $3  }
0x1: {  	(tag) =	ssettag $0x0;
	lr =	simm.s32 $0x1  }
0x2: {  	[smem:$0x3F99] =	sst lr;
	_ =	strace $0xD0000000  }
0x3: {  	_ = 	snop  }
0x4: {  	_ = 	snop  }
0x5: {  	_ = 	snop  }
0x6: {  	_ = 	snop  }
0x7: {  	_ = 	snop  }
__scs_overlays_trampoline_lowered:
0x8: {  	[smem:$0x3FA8] =	sst s0  }
0x9: {  	[smem:$0x3FA9] =	sst s1  }
0xa: {  	[smem:$0x3FAA] =	sst s2  }
0xb: {  	[smem:$0x3FAB] =	sst s3  }
0xc: {  	[smem:$0x3FAC] =	sst s4  }
0xd: {  	[smem:$0x3FAD] =	sst s5  }
0xe: {  	[smem:$0x3FAE] =	sst s6  }
0xf: {  	[smem:$0x3FAF] =	sst s7  }
0x10: {  	[smem:$0x3FB0] =	sst s8  }
0x11: {  	[smem:$0x3FB1] =	sst s9;
	s0 =	simm.s32 @!p0 $0x0  }
0x12: {  	s1 =	sld [smem:$0x3F97];
	s0 =	simm.s32 @p0 $0x1  }
0x13: {  	[smem:$0x3FB2] =	sst s0;
	s0 =	simm.s32 @!p1 $0x0  }
0x14: {  	s2 =	sld [smem:$0x3F96];
	s0 =	simm.s32 @p1 $0x1  }
0x15: {  	[smem:$0x3FB3] =	sst s0;
	s0 =	simm.s32 @!p2 $0x0  }
0x16: {  	s3 =	sld [smem:$0x3FDB];
	s0 =	simm.s32 @p2 $0x1  }
0x17: {  	s4 =	simm.s32 $0x1BF5;
	[smem:$0x3FB5] =	sst s0  }
0x18: {  	s0 =	sld [smem:$0x3F98];
	_ =	swait.ge [sflag:s4], $0x0  }
0x19: {  	s7 =	sld [smem:$0x3F99]  }
0x1a: {  	s8 =	sadd.s32 $0xFFFFE003, lr  }
0x1b: {  	s9 =	sadd.s32 $0xFFFFFEF7, lr;
	s5 =	simm.s32 $0xFFFFFFFF;
	p2 =	slt.u32 s8, $0xFFFFF086  }
0x1c: {  	p1 =	slt.u32 s9, $0xF7A;
	s5 =	simm.s32 @!p2 $0x0  }
0x1d: {  	s5 =	simm.s32 @p1 $0x1;
	p0 =	seq.s32 s7, s2  }
0x1e: {  	s7 =	smul.u32 @!p0 $0xF7A, s2;
	p2 =	seq.s32 @!p0 s5, $0x0  }
0x1f: {  	s9 =	smul.u32 $0xF7A, s1;
	s8 =	simm.s32 @!p0 $0x1BF5;
	p2 =	por !p2, p0  }
0x20: {  	[sflag:s8] =	ssyncset.s32 @!p0 $0xFFFFF086;
	s6 =	sadd.s32 @!p0 s3, s7;
	s7 =	simm.s32 @!p0 $0x108  }
0x21: {  	s3 =	sadd.s32 s3, s9;
	s6 =	sadd.s32 @!p0 $0x88, s6;
	s7 =	simm.s32 @p2 $0x1082  }
0x22: {  	[simem:s7], [sflag:s8] =	dma.local @!p0 [hbm:s6], $0xF7A  }
0x23: {  	s9 =	sor.u32 $0xD0000000, s2;
	s6 =	simm.s32 $0x108;
	_ =	swait.ge @!p0 [sflag:s8], $0x0  }
0x24: {  	s3 =	sadd.s32 $0x88, s3;
	s6 =	simm.s32 @!p1 $0x1082;
	[sflag:s4] =	ssyncset.s32 $0xFFFFF086  }
0x25: {  	[simem:s6], [sflag:s4] =	dma.local [hbm:s3], $0xF7A  }
0x26: {  	[smem:$0x3F99] =	sst s1;
	(tag) =	ssettag s2;
	_ =	strace s9  }
0x27: {  	s1 =	sld [smem:$0x3FA9]  }
0x28: {  	s2 =	sld [smem:$0x3FAA]  }
0x29: {  	s4 =	sld [smem:$0x3FAC]  }
0x2a: {  	p0 =	seq.s32 s5, $0x0;
	s5 =	sld [smem:$0x3FAD]  }
0x2b: {  	s6 =	sld [smem:$0x3FAE]  }
0x2c: {  	s7 =	sld [smem:$0x3FAF]  }
0x2d: {  	s3 =	simm.s32 $0x108;
	s8 =	sld [smem:$0x3FB0]  }
0x2e: {  	s3 =	simm.s32 @!p0 $0x1082;
	s9 =	sld [smem:$0x3FB1]  }
0x2f: {  	lr =	sadd.s32 s0, s3;
	s0 =	sld [smem:$0x3FA8]  }
0x30: {  	s3 =	sld [smem:$0x3FAB]  }
0x31: {  	[smem:$0x3FB4] =	sst s10  }
0x32: {  	s10 =	sld [smem:$0x3FB2];
	_ =	sdelay $0x3  }
0x33: {  	p0 =	seq.s32 s10, $0x1;
	s10 =	sld [smem:$0x3FB4];
	_ =	sdelay $0x3  }
0x34: {  	[smem:$0x3FB4] =	sst s10  }
0x35: {  	s10 =	sld [smem:$0x3FB3];
	_ =	sdelay $0x3  }
0x36: {  	p1 =	seq.s32 s10, $0x1;
	s10 =	sld [smem:$0x3FB4];
	_ =	sdelay $0x3  }
0x37: {  	[smem:$0x3FB4] =	sst s10  }
0x38: {  	s10 =	sld [smem:$0x3FB5]  }
0x39: {  	_ = 	snop;
	(pc) =	sbr.ind lr, $3  }
0x3a: {  	_ = 	snop  }
0x3b: {  	_ = 	snop  }
0x3c: {  	p2 =	seq.s32 s10, $0x1;
	s10 =	sld [smem:$0x3FB4]  }
0x3d: {  	_ =	shalt  }
0x3e: {  	_ =	shalt  }
0x3f: {  	_ =	shalt  }
0x40: {  	_ =	shalt  }
0x41: {  	_ =	shalt  }
0x42: {  	_ =	shalt  }
0x43: {  	_ =	shalt  }
0x44: {  	_ =	shalt  }
0x45: {  	_ =	shalt  }
0x46: {  	_ =	shalt  }
0x47: {  	_ =	shalt  }
0x48: {  	_ =	shalt  }
0x49: {  	_ =	shalt  }
0x4a: {  	_ =	shalt  }
0x4b: {  	_ =	shalt  }
0x4c: {  	_ =	shalt  }
0x4d: {  	_ =	shalt  }
0x4e: {  	_ =	shalt  }
0x4f: {  	_ =	shalt  }
0x50: {  	_ =	shalt  }
0x51: {  	_ =	shalt  }
0x52: {  	_ =	shalt  }
0x53: {  	_ =	shalt  }
0x54: {  	_ =	shalt  }
0x55: {  	_ =	shalt  }
0x56: {  	_ =	shalt  }
0x57: {  	_ =	shalt  }
0x58: {  	_ =	shalt  }
0x59: {  	_ =	shalt  }
0x5a: {  	_ =	shalt  }
0x5b: {  	_ =	shalt  }
0x5c: {  	_ =	shalt  }
0x5d: {  	_ =	shalt  }
0x5e: {  	_ =	shalt  }
0x5f: {  	_ =	shalt  }
0x60: {  	_ =	shalt  }
0x61: {  	_ =	shalt  }
0x62: {  	_ =	shalt  }
0x63: {  	_ =	shalt  }
0x64: {  	_ =	shalt  }
0x65: {  	_ =	shalt  }
0x66: {  	_ =	shalt  }
0x67: {  	_ =	shalt  }
0x68: {  	_ =	shalt  }
0x69: {  	_ =	shalt  }
0x6a: {  	_ =	shalt  }
0x6b: {  	_ =	shalt  }
0x6c: {  	_ =	shalt  }
0x6d: {  	_ =	shalt  }
0x6e: {  	_ =	shalt  }
0x6f: {  	_ =	shalt  }
0x70: {  	_ =	shalt  }
0x71: {  	_ =	shalt  }
0x72: {  	_ =	shalt  }
0x73: {  	_ =	shalt  }
0x74: {  	_ =	shalt  }
0x75: {  	_ =	shalt  }
0x76: {  	_ =	shalt  }
0x77: {  	_ =	shalt  }
0x78: {  	_ =	shalt  }
0x79: {  	_ =	shalt  }
0x7a: {  	_ =	shalt  }
0x7b: {  	_ =	shalt  }
0x7c: {  	_ =	shalt  }
0x7d: {  	_ =	shalt  }
0x7e: {  	_ =	shalt  }
0x7f: {  	_ =	shalt  }
0x80: {  	_ =	shalt  }
0x81: {  	_ =	shalt  }
0x82: {  	_ =	shalt  }
0x83: {  	_ =	shalt  }
0x84: {  	_ =	shalt  }
0x85: {  	_ =	shalt  }
0x86: {  	_ =	shalt  }
0x87: {  	_ =	shalt  }
.Lfunc_end0:
.L_simem_size_0:
called_computation.2_lowered:
.L_overlay_start_0:
0x88: {  	s2 =	sld [smem:$0x3FD9]  }
0x89: {  	s3 =	sld [smem:$0x3FFE];
	_ =	sdelay $0x1  }
0x8a: {  	s1 =	srdreg.scid  }
0x8b: {  	s0 =	sand.u32 $0x1, s1  }
0x8c: {  	s16 =	sshll.u32 s0, $0xA;
	s2 =	sadd.s32 s3, s2  }
0x8d: {  	s2 =	sadd.s32 s2, s16  }
0x8e: {  	[smem:$0x3FC0] =	sst s2  }
0x8f: {  	_ = 	snop  }
0x90: {  	(tm) =	ssettm $0x1  }
0x91: {  	s17 =	sld [smem:$0x3FFB];
	_ =	sdelay $0x3  }
0x92: {  	_ =	strace s17  }
0x93: {  	s2 =	sld [smem:$0x3FFC];
	_ =	sdelay $0x3  }
0x94: {  	_ =	strace s2  }
0x95: {  	s2 =	sld [smem:$0x3FFD];
	_ =	sdelay $0x3  }
0x96: {  	_ =	strace s2  }
0x97: {  	_ =	strace $0x8FFFFFFF  }
0x98: {  	s18 =	sld [smem:$0x3FDB];
	_ =	sdelay $0x1  }
0x99: {  	s19 =	simm.s32 $_scs_section_size  }
0x9a: {  	s4 =	simm.s32 $_size__tile_overlayer_lowered;
	s5 =	simm.s32 $_tile_overlayer_lowered  }
0x9b: {  	s22 =	simm.s32 $0x1BFF;
	s21 =	sshll.u32 s5, $0x1;
	s2 =	sadd.s32 s19, s18  }
0x9c: {  	s6 =	simm.s32 $0x0;
	s20 =	sshll.u32 s4, $0x1;
	s4 =	sadd.s32 s21, s2  }
0x9d: {  	[timem:s6], [sflag:s22] =	dma.local [hbm:s4], s20  }
0x9e: {  	_ =	swait.ge [sflag:s22], s20  }
0x9f: {  	s3 =	ssub.s32 $0x0, s20;
	[sflag:s22] =	ssyncset.done $0x0  }
0xa0: {  	[sflag:s22] =	ssyncadd.s32 s3;
	_ =	sdelay $0x1  }
0xa1: {  	s23 =	simm.s32 $0x1B8B  }
0xa2: {  	_ =	swait.ge [sflag:s23], $0x1  }
0xa3: {  	[sflag:s23] =	ssyncset.done $0x0  }
0xa4: {  	s25 =	simm.s32 $0x1B8E;
	s24 =	sld [smem:$0x3FFE];
	[sflag:s23] =	ssyncadd.s32 $0xFFFFFFFF  }
0xa5: {  	s26 =	simm.s32 $execute0_lowered;
	[smem:$0x3FD2] =	sst s25  }
0xa6: {  	s4 =	sshll.u32 s26, $0x1;
	_ =	strace $0x8000004C;
	[dreg:$0x1] =	wrdreg $0xFFFFFFFF  }
0xa7: {  	s28 =	simm.s32 $_size_execute0_lowered;
	s2 =	sadd.s32 s2, s4;
	[dreg:$0x0] =	wrdreg $0x0  }
0xa8: {  	s4 =	sshll.u32 s28, $0x1;
	[dreg:$0x2] =	wrdreg s2  }
0xa9: {  	[dreg:$0x3] =	wrdreg s4  }
0xaa: {  	[dreg:$0x4] =	wrdreg $0xC0  }
0xab: {  	_ =	task [dreg:s6], $0x5FFFF  }
0xac: {  	[dreg:$0x1] =	wrdreg $0xFFFFFFFF  }
0xad: {  	[dreg:$0x0] =	wrdreg $0x60  }
0xae: {  	[dreg:$0x2] =	wrdreg s24  }
0xaf: {  	[dreg:$0x3] =	wrdreg $0x46000  }
0xb0: {  	[dreg:$0x4] =	wrdreg $0x9  }
0xb1: {  	_ =	task.clear_ibuf [dreg:s6], $0x5FFFF;
	_ =	strace $0x9000004C  }
0xb2: {  	s29 =	simm.s32 $0x9;
	_ =	strace $0x8000004E  }
0xb3: {  	_ =	swait.ge [sflag:s29], $0x1  }
0xb4: {  	[sflag:s29] =	ssyncadd.s32 $0xFFFFFFFF  }
0xb5: {  	_ =	strace $0x9000004E  }
0xb6: {  	_ =	sfence  }
0xb7: {  	s30 =	sld [smem:$0x0];
	_ =	sdelay $0x2  }
0xb8: {  	s31 =	sshll.u32 s1, $0xD;
	s1 =	sshrl.u32 s1, $0x2  }
0xb9: {  	s3 =	sand.u32 $0x4000, s31;
	s1 =	sadd.s32 s1, s30  }
0xba: {  	s0 =	sor.u32 s3, s0;
	s1 =	sshll.u32 s1, $0x11  }
0xbb: {  	s0 =	sor.u32 s1, s0  }
0xbc: {  	s0 =	sadd.s32 $0x8F2B, s0  }
0xbd: {  	[sflag:s0] =	ssyncadd.remote.s32 $0x1  }
0xbe: {  	_ =	sfence.sel $0xFFFF  }
0xbf: {  	[dreg:$0x0] =	wrdreg $0xFFFFFFFF;
	(pc) =	sbr.abs _section_cstart, $3  }
0xc0: {  	[dreg:$0x1] =	wrdreg $0xFFFFFFFF  }
0xc1: {  	_ =	task.clear_ibuf [dreg:s6], $0x2FFFF;
	_ =	strace $0x9FFFFFFF  }
0xc2: {  	(tm) =	ssettm $0x7FFFFFFF  }
0xc3: {  	_ =	shalt  }
tec
execute0_lowered:
.L_overlay_start_1:
0x0: {  	(tag) =	ssettag $0x1  }
0x1: {  	s0 =	rddreg [dreg:$0x0]  }
0x2: {  	s1 =	rddreg [dreg:$0x1]  }
0x3: {  	s2 =	simm.s32 $0x0;
	s3 =	srdreg.scid;
	s12 =	stileid.u32  }
0x4: {  	s28 =	simm.s32 $0x3200;
	s29 =	simm.s32 $0x7;
	s30 =	simm.s32 $0x1  }
0x5: {  	s31 =	simm.s32 $0x4;
	s15 =	simm.s32 $0x0;
	[smem:$0x7FF] =	sst s2  }
0x6: {  	s4 =	sadd.s32 $0xC600, s0;
	s3 =	sand.u32 $0x1, s3;
	s8 =	smul.u32 $0x4E000, s12  }
0x7: {  	s5 =	sadd.s32 $0x2800, s0;
	s6 =	sadd.s32 $0x16400, s0;
	s11 =	smul.u32 $0x2700, s12  }
0x8: {  	s19 =	smul.u32 $0x2710, s12;
	p0 =	seq.s32 s12, $0xF;
	_ =	strace $0x8000004D  }
0x9: {  	[dreg:$0x3] =	wrdreg s4;
	s18 =	smul.u32 $0x27100, s3;
	s7 =	ssub.s32 $0x2, s3  }
0xa: {  	s3 =	sshll.u32 s3, $0x4;
	s10 =	sshrl.u32 s7, $0x1;
	s8 =	sshrl.u32 s8, $0x2  }
0xb: {  	[dreg:$0x4] =	wrdreg s11;
	s11 =	sadd.s32 s6, s11;
	s3 =	sor.u32 s12, s3  }
0xc: {  	s9 =	sadd.s32 s18, s0;
	s7 =	ssub.s32 s7, s10;
	s8 =	sadd.s32 s8, s1  }
0xd: {  	[dreg:$0x5] =	wrdreg s11;
	s11 =	sadd.s32 $0x124800, s1;
	s0 =	sadd.s32 $0x3AD00, s0  }
0xe: {  	s4 =	sadd.s32 s19, s18;
	s20 =	smul.u32 $0x2710, s3;
	[dreg:$0x6] =	wrdreg s0  }
0xf: {  	s21 =	sadd.s32 $0xC8, s4;
	s22 =	sadd.s32 $0x3D600, s9;
	s23 =	smax.u32 s7, $0x1  }
0x10: {  	s24 =	sadd.s32 $0xA0, s4;
	s25 =	sadd.s32 $0x78, s4;
	s13 =	sshrl.u32 @p0 s11, $0x3  }
0x11: {  	s14 =	sshrl.u32 @!p0 s8, $0x3;
	s8 =	simm.s32 $0x5;
	[dreg:$0x7] =	wrdreg s20  }
0x12: {  	s7 =	simm.s32 $0x9;
	s9 =	simm.s32 $0x3;
	[dreg:$0x8] =	wrdreg s22  }
0x13: {  	[dreg:$0x9] =	wrdreg s23;
	s0 =	sshrl.u32 s21, $0x3;
	s3 =	sshrl.u32 s25, $0x3  }
0x14: {  	s20 =	simm.s32 $0x800;
	s21 =	simm.s32 $0x28;
	s22 =	simm.s32 $0xA00  }
0x15: {  	s23 =	simm.s32 $0x880;
	[dreg:$0xd] =	wrdreg s13;
	s0 =	sadd.s32 s0, s5  }
0x16: {  	s25 =	simm.s32 $0x900;
	[dreg:$0xa] =	wrdreg s0;
	s0 =	sshrl.u32 s24, $0x3  }
0x17: {  	[dreg:$0xf] =	wrdreg s14;
	s26 =	sadd.s32 s3, s5;
	s0 =	sadd.s32 s0, s5  }
0x18: {  	s3 =	simm.s32 $0x2;
	[dreg:$0xb] =	wrdreg s0;
	s0 =	sshll.u32 @!p0 s12, $0x6  }
0x19: {  	[dreg:$0xc] =	wrdreg s26;
	s24 =	simm.s32 $0x1E00;
	s11 =	sor.u32 @!p0 $0x1C0A, s0  }
0x1a: {  	s12 =	simm.s32 $0x6;
	s0 =	simm.s32 $0x8;
	[dreg:$0xe] =	wrdreg s11  }
.LBB2_1:
0x1b: {  	[dreg:$0x10] =	wrdreg s15  }
0x1c: {  	s4 =	simm.s32 @p0 $0x1FCA;
	s10 =	rddreg [dreg:$0x6]  }
0x1d: {  	[spmem:s13], [sflag:s4] =	dma.local @p0 [hbm:s10], $0x2800  }
0x1e: {  	s4 =	simm.s32 @p0 $0xA  }
0x1f: {  	_ =	swait.ge @p0 [sflag:s4], $0x2800  }
0x20: {  	[sflag:s4] =	ssyncset.done @p0 $0x0  }
0x21: {  	[sflag:s4] =	ssyncadd.s32 @p0 $0xFFFFD800;
	s4 =	rddreg [dreg:$0x5]  }
0x22: {  	[spmem:s14], [sflag:s11] =	dma.local @!p0 [hbm:s4], $0x2700  }
0x23: {  	s4 =	simm.s32 @!p0 $0xA  }
0x24: {  	_ =	swait.ge @!p0 [sflag:s4], $0x2700  }
0x25: {  	[sflag:s4] =	ssyncset.done @!p0 $0x0  }
0x26: {  	[sflag:s4] =	ssyncadd.s32 @!p0 $0xFFFFD900  }
0x27: {  	[bflag:$0x0] =	sbarrier.arrive $0xFFFF  }
0x28: {  	s11 =	rddreg [dreg:$0xc]  }
0x29: {  	s16 =	rddreg [dreg:$0xb]  }
0x2a: {  	s18 =	simm.s32 $0x0;
	s17 =	rddreg [dreg:$0xa]  }
.LBB2_2:
0x2b: {  	s4 =	smul.u32 $0x7D0, s18  }
0x2c: {  	s10 =	rddreg [dreg:$0x7]  }
0x2d: {  	s15 =	sadd.s32 s10, s4  }
0x2e: {  	s13 =	rddreg [dreg:$0x3];
	s4 =	sshrl.u32 s15, $0x3  }
0x2f: {  	s14 =	simm.s32 $0xA;
	s10 =	sadd.s32 s13, s4;
	s13 =	simm.s32 $0x0  }
0x30: {  	[tilespmem:s13], [sflag:$0xA] =	stream.linear.gather [hbm4b:s10+s13], $0x7D0, $0x38;
	[tilespmem:$0x17E80] =	vst v63  }
0x31: {  	_ =	swait.ge [sflag:s14], $0x7D0  }
0x32: {  	[sflag:s14] =	ssyncset.done $0x0  }
0x33: {  	s19 =	sadd.s32 $0x28, s15;
	s26 =	sadd.s32 s5, s4;
	[sflag:s14] =	ssyncadd.s32 $0xFFFFF830  }
0x34: {  	[tilespmem:s20], [sflag:$0x7] =	stream.linear.gather [hbm4b:s26+s13], $0x28, $0x38;
	[tilespmem:$0x17E80] =	vst v63  }
0x35: {  	s4 =	sshrl.u32 s19, $0x3  }
0x36: {  	[tilespmem:s22], [sflag:$0x1] =	stream.indirect.gather [hbm4b:s6+s21], $0x80, s13, s21, $0xb8;
	[tilespmem:$0x17E80] =	vst v63  }
0x37: {  	s4 =	sadd.s32 s5, s4  }
0x38: {  	[tilespmem:s23], [sflag:$0x8] =	stream.linear.gather [hbm4b:s4+s13], $0x28, $0x38;
	[tilespmem:$0x17E80] =	vst v63  }
0x39: {  	_ = 	snop  }
0x3a: {  	[tilespmem:s24], [sflag:$0x2] =	stream.indirect.gather [hbm4b:s6+s21], $0x80, s21, s21, $0xb8;
	[tilespmem:$0x17E80] =	vst v63  }
0x3b: {  	s10 =	sadd.s32 $0xA, s26  }
0x3c: {  	[tilespmem:s25], [sflag:$0x9] =	stream.linear.gather [hbm4b:s10+s13], $0x28, $0x38;
	[tilespmem:$0x17E80] =	vst v63  }
0x3d: {  	s14 =	simm.s32 $0x50  }
0x3e: {  	[tilespmem:s28], [sflag:$0x3] =	stream.indirect.gather [hbm4b:s6+s21], $0x80, s14, s21, $0xb8;
	[tilespmem:$0x17E80] =	vst v63  }
0x3f: {  	_ =	swait.ge [sflag:s29], $0x28  }
0x40: {  	[sflag:s29] =	ssyncset.done $0x0  }
0x41: {  	[sflag:s29] =	ssyncadd.s32 $0xFFFFFFD8  }
0x42: {  	_ =	swait.ge [sflag:s30], $0x1400  }
0x43: {  	[sflag:s30] =	ssyncset.done $0x0  }
0x44: {  	[sflag:s30] =	ssyncadd.s32 $0xFFFFEC00  }
0x45: {  	[spmem:s1] =	stream.indirect.scatter.add.f32 [tilespmem:s22], [sflag:$0x4], $0x80, s20, s21, $0xb8;
	[tilespmem:$0x17E80] =	vst v63  }
0x46: {  	_ =	swait.ge [sflag:s31], $0x1400  }
0x47: {  	[sflag:s31] =	ssyncset.done $0x0  }
0x48: {  	s19 =	sadd.s32 $0x0, s11;
	[sflag:s31] =	ssyncadd.s32 $0xFFFFEC00  }
0x49: {  	[tilespmem:s20], [sflag:$0x7] =	stream.linear.gather [hbm4b:s19+s2], $0x28, $0x38;
	[tilespmem:$0x17E80] =	vst v63  }
0x4a: {  	s10 =	simm.s32 $0x78  }
0x4b: {  	[tilespmem:s22], [sflag:$0x1] =	stream.indirect.gather [hbm4b:s6+s21], $0x80, s10, s21, $0xb8;
	[tilespmem:$0x17E80] =	vst v63  }
0x4c: {  	_ =	swait.ge [sflag:s0], $0x28  }
0x4d: {  	[sflag:s0] =	ssyncset.done $0x0  }
0x4e: {  	[sflag:s0] =	ssyncadd.s32 $0xFFFFFFD8  }
0x4f: {  	_ =	swait.ge [sflag:s3], $0x1400  }
0x50: {  	[sflag:s3] =	ssyncset.done $0x0  }
0x51: {  	[sflag:s3] =	ssyncadd.s32 $0xFFFFEC00  }
0x52: {  	[spmem:s1] =	stream.indirect.scatter.add.f32 [tilespmem:s24], [sflag:$0x5], $0x80, s23, s21, $0xb8;
	[tilespmem:$0x17E80] =	vst v63  }
0x53: {  	_ =	swait.ge [sflag:s8], $0x1400  }
0x54: {  	[sflag:s8] =	ssyncset.done $0x0  }
0x55: {  	s13 =	sadd.s32 $0x0, s16;
	[sflag:s8] =	ssyncadd.s32 $0xFFFFEC00  }
0x56: {  	[tilespmem:s23], [sflag:$0x8] =	stream.linear.gather [hbm4b:s13+s2], $0x28, $0x38;
	[tilespmem:$0x17E80] =	vst v63  }
0x57: {  	s14 =	simm.s32 $0xA0  }
0x58: {  	[tilespmem:s24], [sflag:$0x2] =	stream.indirect.gather [hbm4b:s6+s21], $0x80, s14, s21, $0xb8;
	[tilespmem:$0x17E80] =	vst v63  }
0x59: {  	_ =	swait.ge [sflag:s7], $0x28  }
0x5a: {  	[sflag:s7] =	ssyncset.done $0x0  }
0x5b: {  	[sflag:s7] =	ssyncadd.s32 $0xFFFFFFD8  }
0x5c: {  	_ =	swait.ge [sflag:s9], $0x1400  }
0x5d: {  	[sflag:s9] =	ssyncset.done $0x0  }
0x5e: {  	[sflag:s9] =	ssyncadd.s32 $0xFFFFEC00  }
0x5f: {  	[spmem:s1] =	stream.indirect.scatter.add.f32 [tilespmem:s28], [sflag:$0x6], $0x80, s25, s21, $0xb8;
	[tilespmem:$0x17E80] =	vst v63  }
0x60: {  	_ =	swait.ge [sflag:s12], $0x1400  }
0x61: {  	s4 =	simm.s32 $0x140;
	s19 =	sadd.s32 $0x0, s17;
	[sflag:s12] =	ssyncset.done $0x0  }
0x62: {  	s13 =	simm.s32 $0xC8;
	s14 =	simm.s32 $0xF;
	[sflag:s12] =	ssyncadd.s32 $0xFFFFEC00  }
0x63: {  	[tilespmem:s25], [sflag:$0x9] =	stream.linear.gather [hbm4b:s19+s2], $0x28, $0x38;
	[tilespmem:$0x17E80] =	vst v63  }
.LBB2_3:
0x64: {  	[tilespmem:s28], [sflag:$0x3] =	stream.indirect.gather [hbm4b:s6+s21], $0x80, s13, s21, $0xb8;
	[tilespmem:$0x17E80] =	vst v63  }
0x65: {  	s10 =	smov.u32 s14;
	s13 =	smov.u32 s4  }
0x66: {  	p1 =	sne.s32 s14, $0xD2;
	s14 =	sadd.s32 $0xF, s14;
	_ =	swait.ge [sflag:s29], $0x28  }
0x67: {  	[sflag:s29] =	ssyncset.done $0x0  }
0x68: {  	[sflag:s29] =	ssyncadd.s32 $0xFFFFFFD8  }
0x69: {  	_ =	swait.ge [sflag:s30], $0x1400  }
0x6a: {  	[sflag:s30] =	ssyncset.done $0x0  }
0x6b: {  	[sflag:s30] =	ssyncadd.s32 $0xFFFFEC00  }
0x6c: {  	[spmem:s1] =	stream.indirect.scatter.add.f32 [tilespmem:s22], [sflag:$0x4], $0x80, s20, s21, $0xb8;
	[tilespmem:$0x17E80] =	vst v63  }
0x6d: {  	_ =	swait.ge [sflag:s31], $0x1400  }
0x6e: {  	[sflag:s31] =	ssyncset.done $0x0  }
0x6f: {  	s19 =	sadd.s32 s10, s11;
	[sflag:s31] =	ssyncadd.s32 $0xFFFFEC00  }
0x70: {  	[tilespmem:s20], [sflag:$0x7] =	stream.linear.gather [hbm4b:s19+s2], $0x28, $0x38;
	[tilespmem:$0x17E80] =	vst v63  }
0x71: {  	s19 =	sadd.s32 $0xFFFFFFB0, s4  }
0x72: {  	[tilespmem:s22], [sflag:$0x1] =	stream.indirect.gather [hbm4b:s6+s21], $0x80, s19, s21, $0xb8;
	[tilespmem:$0x17E80] =	vst v63  }
0x73: {  	_ =	swait.ge [sflag:s0], $0x28  }
0x74: {  	[sflag:s0] =	ssyncset.done $0x0  }
0x75: {  	[sflag:s0] =	ssyncadd.s32 $0xFFFFFFD8  }
0x76: {  	_ =	swait.ge [sflag:s3], $0x1400  }
0x77: {  	[sflag:s3] =	ssyncset.done $0x0  }
0x78: {  	[sflag:s3] =	ssyncadd.s32 $0xFFFFEC00  }
0x79: {  	[spmem:s1] =	stream.indirect.scatter.add.f32 [tilespmem:s24], [sflag:$0x5], $0x80, s23, s21, $0xb8;
	[tilespmem:$0x17E80] =	vst v63  }
0x7a: {  	_ =	swait.ge [sflag:s8], $0x1400  }
0x7b: {  	[sflag:s8] =	ssyncset.done $0x0  }
0x7c: {  	s19 =	sadd.s32 s10, s16;
	[sflag:s8] =	ssyncadd.s32 $0xFFFFEC00  }
0x7d: {  	[tilespmem:s23], [sflag:$0x8] =	stream.linear.gather [hbm4b:s19+s2], $0x28, $0x38;
	[tilespmem:$0x17E80] =	vst v63  }
0x7e: {  	s19 =	sadd.s32 $0xFFFFFFD8, s4  }
0x7f: {  	[tilespmem:s24], [sflag:$0x2] =	stream.indirect.gather [hbm4b:s6+s21], $0x80, s19, s21, $0xb8;
	[tilespmem:$0x17E80] =	vst v63  }
0x80: {  	_ =	swait.ge [sflag:s7], $0x28  }
0x81: {  	[sflag:s7] =	ssyncset.done $0x0  }
0x82: {  	[sflag:s7] =	ssyncadd.s32 $0xFFFFFFD8  }
0x83: {  	_ =	swait.ge [sflag:s9], $0x1400  }
0x84: {  	[sflag:s9] =	ssyncset.done $0x0  }
0x85: {  	[sflag:s9] =	ssyncadd.s32 $0xFFFFEC00  }
0x86: {  	[spmem:s1] =	stream.indirect.scatter.add.f32 [tilespmem:s28], [sflag:$0x6], $0x80, s25, s21, $0xb8;
	[tilespmem:$0x17E80] =	vst v63  }
.Ltmp0:
0x87: {  	_ =	swait.ge [sflag:s12], $0x1400;
	(pc) =	sbr.rel @p1 .LBB2_3-.Ltmp0, $4  }
0x88: {  	[sflag:s12] =	ssyncset.done $0x0  }
0x89: {  	s10 =	sadd.s32 s10, s17;
	[sflag:s12] =	ssyncadd.s32 $0xFFFFEC00  }
0x8a: {  	[tilespmem:s25], [sflag:$0x9] =	stream.linear.gather [hbm4b:s10+s2], $0x28, $0x38;
	[tilespmem:$0x17E80] =	vst v63  }
0x8b: {  	s4 =	sadd.s32 $0x78, s4  }
0x8c: {  	[tilespmem:s28], [sflag:$0x3] =	stream.indirect.gather [hbm4b:s6+s21], $0x80, s13, s21, $0xb8;
	[tilespmem:$0x17E80] =	vst v63  }
0x8d: {  	_ =	swait.ge [sflag:s29], $0x28  }
0x8e: {  	[sflag:s29] =	ssyncset.done $0x0  }
0x8f: {  	[sflag:s29] =	ssyncadd.s32 $0xFFFFFFD8  }
0x90: {  	_ =	swait.ge [sflag:s30], $0x1400  }
0x91: {  	[sflag:s30] =	ssyncset.done $0x0  }
0x92: {  	[sflag:s30] =	ssyncadd.s32 $0xFFFFEC00  }
0x93: {  	[spmem:s1] =	stream.indirect.scatter.add.f32 [tilespmem:s22], [sflag:$0x4], $0x80, s20, s21, $0xb8;
	[tilespmem:$0x17E80] =	vst v63  }
0x94: {  	_ =	swait.ge [sflag:s31], $0x1400  }
0x95: {  	[sflag:s31] =	ssyncset.done $0x0  }
0x96: {  	s4 =	sadd.s32 $0xF0, s26;
	[sflag:s31] =	ssyncadd.s32 $0xFFFFEC00  }
0x97: {  	[tilespmem:s20], [sflag:$0x7] =	stream.linear.gather [hbm4b:s4+s2], $0x28, $0x38;
	[tilespmem:$0x17E80] =	vst v63  }
0x98: {  	s14 =	simm.s32 $0x780  }
0x99: {  	[tilespmem:s22], [sflag:$0x1] =	stream.indirect.gather [hbm4b:s6+s21], $0x80, s14, s21, $0xb8;
	[tilespmem:$0x17E80] =	vst v63  }
0x9a: {  	_ =	swait.ge [sflag:s0], $0x28  }
0x9b: {  	[sflag:s0] =	ssyncset.done $0x0  }
0x9c: {  	[sflag:s0] =	ssyncadd.s32 $0xFFFFFFD8  }
0x9d: {  	_ =	swait.ge [sflag:s3], $0x1400  }
0x9e: {  	[sflag:s3] =	ssyncset.done $0x0  }
0x9f: {  	[sflag:s3] =	ssyncadd.s32 $0xFFFFEC00  }
0xa0: {  	[spmem:s1] =	stream.indirect.scatter.add.f32 [tilespmem:s24], [sflag:$0x5], $0x80, s23, s21, $0xb8;
	[tilespmem:$0x17E80] =	vst v63  }
0xa1: {  	s19 =	sadd.s32 $0x7A8, s15;
	_ =	swait.ge [sflag:s8], $0x1400  }
0xa2: {  	s4 =	sshrl.u32 s19, $0x3;
	[sflag:s8] =	ssyncset.done $0x0  }
0xa3: {  	s4 =	sadd.s32 s5, s4;
	[sflag:s8] =	ssyncadd.s32 $0xFFFFEC00  }
0xa4: {  	[tilespmem:s23], [sflag:$0x8] =	stream.linear.gather [hbm4b:s4+s2], $0x28, $0x38;
	[tilespmem:$0x17E80] =	vst v63  }
0xa5: {  	s26 =	simm.s32 $0x7A8  }
0xa6: {  	[tilespmem:s24], [sflag:$0x2] =	stream.indirect.gather [hbm4b:s6+s21], $0x80, s26, s21, $0xb8;
	[tilespmem:$0x17E80] =	vst v63  }
0xa7: {  	_ =	swait.ge [sflag:s7], $0x28  }
0xa8: {  	[sflag:s7] =	ssyncset.done $0x0  }
0xa9: {  	[sflag:s7] =	ssyncadd.s32 $0xFFFFFFD8  }
0xaa: {  	_ =	swait.ge [sflag:s9], $0x1400  }
0xab: {  	[sflag:s9] =	ssyncset.done $0x0  }
0xac: {  	[sflag:s9] =	ssyncadd.s32 $0xFFFFEC00  }
0xad: {  	[spmem:s1] =	stream.indirect.scatter.add.f32 [tilespmem:s28], [sflag:$0x6], $0x80, s25, s21, $0xb8;
	[tilespmem:$0x17E80] =	vst v63  }
0xae: {  	_ =	swait.ge [sflag:s29], $0x28  }
0xaf: {  	[sflag:s29] =	ssyncset.done $0x0  }
0xb0: {  	[sflag:s29] =	ssyncadd.s32 $0xFFFFFFD8  }
0xb1: {  	_ =	swait.ge [sflag:s30], $0x1400  }
0xb2: {  	[sflag:s30] =	ssyncset.done $0x0  }
0xb3: {  	[sflag:s30] =	ssyncadd.s32 $0xFFFFEC00  }
0xb4: {  	[spmem:s1] =	stream.indirect.scatter.add.f32 [tilespmem:s22], [sflag:$0x4], $0x80, s20, s21, $0xb8;
	[tilespmem:$0x17E80] =	vst v63  }
0xb5: {  	_ =	swait.ge [sflag:s0], $0x28  }
0xb6: {  	[sflag:s0] =	ssyncset.done $0x0  }
0xb7: {  	[sflag:s0] =	ssyncadd.s32 $0xFFFFFFD8  }
0xb8: {  	_ =	swait.ge [sflag:s3], $0x1400  }
0xb9: {  	[sflag:s3] =	ssyncset.done $0x0  }
0xba: {  	[sflag:s3] =	ssyncadd.s32 $0xFFFFEC00  }
0xbb: {  	[spmem:s1] =	stream.indirect.scatter.add.f32 [tilespmem:s24], [sflag:$0x5], $0x80, s23, s21, $0xb8;
	[tilespmem:$0x17E80] =	vst v63  }
0xbc: {  	_ =	swait.ge [sflag:s31], $0x1400  }
0xbd: {  	[sflag:s31] =	ssyncset.done $0x0  }
0xbe: {  	s18 =	sadd.s32 $0x1, s18;
	[sflag:s31] =	ssyncadd.s32 $0xFFFFEC00  }
0xbf: {  	p1 =	sne.s32 s18, $0x5;
	_ =	swait.ge [sflag:s8], $0x1400  }
.Ltmp1:
0xc0: {  	[sflag:s8] =	ssyncset.done $0x0;
	(pc) =	sbr.rel @p1 .LBB2_2-.Ltmp1, $4  }
0xc1: {  	[sflag:s8] =	ssyncadd.s32 $0xFFFFEC00  }
0xc2: {  	_ =	swait.ge [sflag:s12], $0x1400  }
0xc3: {  	s17 =	sadd.s32 $0xFA, s17;
	[sflag:s12] =	ssyncset.done $0x0  }
0xc4: {  	s16 =	sadd.s32 $0xFA, s16;
	s11 =	sadd.s32 $0xFA, s11;
	[sflag:s12] =	ssyncadd.s32 $0xFFFFEC00  }
0xc5: {  	[bflag:$0x0] =	sbarrier.arrive $0xFFFF  }
0xc6: {  	s11 =	rddreg [dreg:$0x8]  }
0xc7: {  	s10 =	simm.s32 @p0 $0x1FCA;
	s13 =	rddreg [dreg:$0xd];
	s4 =	sadd.s32 @p0 $0x24900, s11  }
0xc8: {  	[hbm:s4], [sflag:s10] =	dma.local @p0 [spmem:s13], $0x2800  }
0xc9: {  	s4 =	simm.s32 @p0 $0xA  }
0xca: {  	_ =	swait.ge @p0 [sflag:s4], $0x2800  }
0xcb: {  	[sflag:s4] =	ssyncset.done @p0 $0x0;
	s14 =	rddreg [dreg:$0xf]  }
0xcc: {  	[sflag:s4] =	ssyncadd.s32 @p0 $0xFFFFD800;
	s4 =	rddreg [dreg:$0x4]  }
0xcd: {  	s4 =	sadd.s32 @!p0 s4, s11;
	s11 =	rddreg [dreg:$0xe]  }
0xce: {  	[hbm:s4], [sflag:s11] =	dma.local @!p0 [spmem:s14], $0x2700  }
0xcf: {  	s4 =	simm.s32 @!p0 $0xA  }
0xd0: {  	_ =	swait.ge @!p0 [sflag:s4], $0x2700  }
0xd1: {  	s15 =	rddreg [dreg:$0x10]  }
0xd2: {  	s26 =	rddreg [dreg:$0x9];
	s15 =	sadd.s32 $0x1, s15  }
0xd3: {  	p1 =	sne.s32 s15, s26  }
.Ltmp2:
0xd4: {  	_ = 	snop;
	(pc) =	sbr.rel @p1 .LBB2_1-.Ltmp2, $3  }
0xd5: {  	_ =	sdelay $0x1  }
0xd6: {  	[sflag:s4] =	ssyncset.done @!p0 $0x0  }
0xd7: {  	[sflag:s4] =	ssyncadd.s32 @!p0 $0xFFFFD900  }
0xd8: {  	_ =	sfence.sel $0x180000  }
0xd9: {  	[bflag:$0x0] =	sbarrier.arrive $0xFFFF  }
0xda: {  	_ =	strace $0x9000004D  }
0xdb: {  	s0 =	stileid.u32;
	[bflag:$0x2] =	sbarrier.arrive $0xFFFF  }
0xdc: {  	p0 =	sne.s32 s0, $0x0;
	s0 =	rddreg [dreg:$0x2]  }
0xdd: {  	s0 =	sadd.s32 @!p0 $0x100000, s0  }
0xde: {  	[sflag:s0] =	ssyncadd.tile.s32 @!p0 $0x1;
	_ =	shalt  }
.Lfunc_end2:
_tile_overlayer_lowered:
.L_overlay_start_2:
0xdf: {  	(tag) =	ssettag $0x2  }
0xe0: {  	s0 =	rddreg [dreg:$0x0];
	s2 =	stileid.u32  }
0xe1: {  	s1 =	rddreg [dreg:$0x1];
	p0 =	sne.s32 s2, $0x0  }
0xe2: {  	s3 =	rddreg [dreg:$0x2];
	[bflag:$0x3] =	sbarrier.arrive $0xFFFF;
	s2 =	simm.s32 @!p0 $0x1C0A  }
0xe3: {  	[timem:s3], [sflag:s2] =	dma.local @!p0 [hbm:s0], s1  }
0xe4: {  	s0 =	simm.s32 @!p0 $0xA  }
0xe5: {  	_ =	swait.ge @!p0 [sflag:s0], s1  }
0xe6: {  	s1 =	ssub.s32 @!p0 $0x0, s1;
	[sflag:s0] =	ssyncset.done @!p0 $0x0  }
0xe7: {  	[sflag:s0] =	ssyncadd.s32 @!p0 s1  }
0xe8: {  	[bflag:$0x3] =	sbarrier.arrive $0xFFFF  }
0xe9: {  	_ =	shalt  }

// kernel: kernel.8.cloned.1.call-start
scs
__scs_entry_jumppad:
0x0: {  	(pc) =	sbr.rel $0x88, $3  }
0x1: {  	(tag) =	ssettag $0x0;
	lr =	simm.s32 $0x1  }
0x2: {  	[smem:$0x3F99] =	sst lr;
	_ =	strace $0xD0000000  }
0x3: {  	_ = 	snop  }
0x4: {  	_ = 	snop  }
0x5: {  	_ = 	snop  }
0x6: {  	_ = 	snop  }
0x7: {  	_ = 	snop  }
__scs_overlays_trampoline_lowered:
0x8: {  	[smem:$0x3FA8] =	sst s0  }
0x9: {  	[smem:$0x3FA9] =	sst s1  }
0xa: {  	[smem:$0x3FAA] =	sst s2  }
0xb: {  	[smem:$0x3FAB] =	sst s3  }
0xc: {  	[smem:$0x3FAC] =	sst s4  }
0xd: {  	[smem:$0x3FAD] =	sst s5  }
0xe: {  	[smem:$0x3FAE] =	sst s6  }
0xf: {  	[smem:$0x3FAF] =	sst s7  }
0x10: {  	[smem:$0x3FB0] =	sst s8  }
0x11: {  	[smem:$0x3FB1] =	sst s9;
	s0 =	simm.s32 @!p0 $0x0  }
0x12: {  	s1 =	sld [smem:$0x3F97];
	s0 =	simm.s32 @p0 $0x1  }
0x13: {  	[smem:$0x3FB2] =	sst s0;
	s0 =	simm.s32 @!p1 $0x0  }
0x14: {  	s2 =	sld [smem:$0x3F96];
	s0 =	simm.s32 @p1 $0x1  }
0x15: {  	[smem:$0x3FB3] =	sst s0;
	s0 =	simm.s32 @!p2 $0x0  }
0x16: {  	s3 =	sld [smem:$0x3FDB];
	s0 =	simm.s32 @p2 $0x1  }
0x17: {  	s4 =	simm.s32 $0x1BF5;
	[smem:$0x3FB5] =	sst s0  }
0x18: {  	s0 =	sld [smem:$0x3F98];
	_ =	swait.ge [sflag:s4], $0x0  }
0x19: {  	s7 =	sld [smem:$0x3F99]  }
0x1a: {  	s8 =	sadd.s32 $0xFFFFE003, lr  }
0x1b: {  	s9 =	sadd.s32 $0xFFFFFEF7, lr;
	s5 =	simm.s32 $0xFFFFFFFF;
	p2 =	slt.u32 s8, $0xFFFFF086  }
0x1c: {  	p1 =	slt.u32 s9, $0xF7A;
	s5 =	simm.s32 @!p2 $0x0  }
0x1d: {  	s5 =	simm.s32 @p1 $0x1;
	p0 =	seq.s32 s7, s2  }
0x1e: {  	s7 =	smul.u32 @!p0 $0xF7A, s2;
	p2 =	seq.s32 @!p0 s5, $0x0  }
0x1f: {  	s9 =	smul.u32 $0xF7A, s1;
	s8 =	simm.s32 @!p0 $0x1BF5;
	p2 =	por !p2, p0  }
0x20: {  	[sflag:s8] =	ssyncset.s32 @!p0 $0xFFFFF086;
	s6 =	sadd.s32 @!p0 s3, s7;
	s7 =	simm.s32 @!p0 $0x108  }
0x21: {  	s3 =	sadd.s32 s3, s9;
	s6 =	sadd.s32 @!p0 $0x88, s6;
	s7 =	simm.s32 @p2 $0x1082  }
0x22: {  	[simem:s7], [sflag:s8] =	dma.local @!p0 [hbm:s6], $0xF7A  }
0x23: {  	s9 =	sor.u32 $0xD0000000, s2;
	s6 =	simm.s32 $0x108;
	_ =	swait.ge @!p0 [sflag:s8], $0x0  }
0x24: {  	s3 =	sadd.s32 $0x88, s3;
	s6 =	simm.s32 @!p1 $0x1082;
	[sflag:s4] =	ssyncset.s32 $0xFFFFF086  }
0x25: {  	[simem:s6], [sflag:s4] =	dma.local [hbm:s3], $0xF7A  }
0x26: {  	[smem:$0x3F99] =	sst s1;
	(tag) =	ssettag s2;
	_ =	strace s9  }
0x27: {  	s1 =	sld [smem:$0x3FA9]  }
0x28: {  	s2 =	sld [smem:$0x3FAA]  }
0x29: {  	s4 =	sld [smem:$0x3FAC]  }
0x2a: {  	p0 =	seq.s32 s5, $0x0;
	s5 =	sld [smem:$0x3FAD]  }
0x2b: {  	s6 =	sld [smem:$0x3FAE]  }
0x2c: {  	s7 =	sld [smem:$0x3FAF]  }
0x2d: {  	s3 =	simm.s32 $0x108;
	s8 =	sld [smem:$0x3FB0]  }
0x2e: {  	s3 =	simm.s32 @!p0 $0x1082;
	s9 =	sld [smem:$0x3FB1]  }
0x2f: {  	lr =	sadd.s32 s0, s3;
	s0 =	sld [smem:$0x3FA8]  }
0x30: {  	s3 =	sld [smem:$0x3FAB]  }
0x31: {  	[smem:$0x3FB4] =	sst s10  }
0x32: {  	s10 =	sld [smem:$0x3FB2];
	_ =	sdelay $0x3  }
0x33: {  	p0 =	seq.s32 s10, $0x1;
	s10 =	sld [smem:$0x3FB4];
	_ =	sdelay $0x3  }
0x34: {  	[smem:$0x3FB4] =	sst s10  }
0x35: {  	s10 =	sld [smem:$0x3FB3];
	_ =	sdelay $0x3  }
0x36: {  	p1 =	seq.s32 s10, $0x1;
	s10 =	sld [smem:$0x3FB4];
	_ =	sdelay $0x3  }
0x37: {  	[smem:$0x3FB4] =	sst s10  }
0x38: {  	s10 =	sld [smem:$0x3FB5]  }
0x39: {  	_ = 	snop;
	(pc) =	sbr.ind lr, $3  }
0x3a: {  	_ = 	snop  }
0x3b: {  	_ = 	snop  }
0x3c: {  	p2 =	seq.s32 s10, $0x1;
	s10 =	sld [smem:$0x3FB4]  }
0x3d: {  	_ =	shalt  }
0x3e: {  	_ =	shalt  }
0x3f: {  	_ =	shalt  }
0x40: {  	_ =	shalt  }
0x41: {  	_ =	shalt  }
0x42: {  	_ =	shalt  }
0x43: {  	_ =	shalt  }
0x44: {  	_ =	shalt  }
0x45: {  	_ =	shalt  }
0x46: {  	_ =	shalt  }
0x47: {  	_ =	shalt  }
0x48: {  	_ =	shalt  }
0x49: {  	_ =	shalt  }
0x4a: {  	_ =	shalt  }
0x4b: {  	_ =	shalt  }
0x4c: {  	_ =	shalt  }
0x4d: {  	_ =	shalt  }
0x4e: {  	_ =	shalt  }
0x4f: {  	_ =	shalt  }
0x50: {  	_ =	shalt  }
0x51: {  	_ =	shalt  }
0x52: {  	_ =	shalt  }
0x53: {  	_ =	shalt  }
0x54: {  	_ =	shalt  }
0x55: {  	_ =	shalt  }
0x56: {  	_ =	shalt  }
0x57: {  	_ =	shalt  }
0x58: {  	_ =	shalt  }
0x59: {  	_ =	shalt  }
0x5a: {  	_ =	shalt  }
0x5b: {  	_ =	shalt  }
0x5c: {  	_ =	shalt  }
0x5d: {  	_ =	shalt  }
0x5e: {  	_ =	shalt  }
0x5f: {  	_ =	shalt  }
0x60: {  	_ =	shalt  }
0x61: {  	_ =	shalt  }
0x62: {  	_ =	shalt  }
0x63: {  	_ =	shalt  }
0x64: {  	_ =	shalt  }
0x65: {  	_ =	shalt  }
0x66: {  	_ =	shalt  }
0x67: {  	_ =	shalt  }
0x68: {  	_ =	shalt  }
0x69: {  	_ =	shalt  }
0x6a: {  	_ =	shalt  }
0x6b: {  	_ =	shalt  }
0x6c: {  	_ =	shalt  }
0x6d: {  	_ =	shalt  }
0x6e: {  	_ =	shalt  }
0x6f: {  	_ =	shalt  }
0x70: {  	_ =	shalt  }
0x71: {  	_ =	shalt  }
0x72: {  	_ =	shalt  }
0x73: {  	_ =	shalt  }
0x74: {  	_ =	shalt  }
0x75: {  	_ =	shalt  }
0x76: {  	_ =	shalt  }
0x77: {  	_ =	shalt  }
0x78: {  	_ =	shalt  }
0x79: {  	_ =	shalt  }
0x7a: {  	_ =	shalt  }
0x7b: {  	_ =	shalt  }
0x7c: {  	_ =	shalt  }
0x7d: {  	_ =	shalt  }
0x7e: {  	_ =	shalt  }
0x7f: {  	_ =	shalt  }
0x80: {  	_ =	shalt  }
0x81: {  	_ =	shalt  }
0x82: {  	_ =	shalt  }
0x83: {  	_ =	shalt  }
0x84: {  	_ =	shalt  }
0x85: {  	_ =	shalt  }
0x86: {  	_ =	shalt  }
0x87: {  	_ =	shalt  }
.Lfunc_end0:
.L_simem_size_0:
called_computation_lowered:
.L_overlay_start_0:
0x88: {  	s2 =	sld [smem:$0x3FD9]  }
0x89: {  	s3 =	sld [smem:$0x3FFE];
	_ =	sdelay $0x1  }
0x8a: {  	s1 =	srdreg.scid  }
0x8b: {  	s0 =	sand.u32 $0x1, s1  }
0x8c: {  	s17 =	sshll.u32 s0, $0xA;
	s2 =	sadd.s32 s3, s2  }
0x8d: {  	s2 =	sadd.s32 s2, s17  }
0x8e: {  	[smem:$0x3FC0] =	sst s2  }
0x8f: {  	_ = 	snop  }
0x90: {  	s2 =	sld [smem:$0x3FD0];
	(tm) =	ssettm $0x1  }
0x91: {  	s18 =	sld [smem:$0x3FFB];
	_ =	sdelay $0x3  }
0x92: {  	_ =	strace s18  }
0x93: {  	s3 =	sld [smem:$0x3FFC];
	_ =	sdelay $0x3  }
0x94: {  	_ =	strace s3  }
0x95: {  	s3 =	sld [smem:$0x3FFD];
	_ =	sdelay $0x3  }
0x96: {  	_ =	strace s3  }
0x97: {  	_ =	strace $0x8FFFFFFF  }
0x98: {  	s19 =	sld [smem:$0x3FDB];
	_ =	sdelay $0x1  }
0x99: {  	s4 =	simm.s32 $_scs_section_size  }
0x9a: {  	s5 =	simm.s32 $_size__tile_overlayer_lowered;
	s6 =	simm.s32 $_tile_overlayer_lowered  }
0x9b: {  	s22 =	simm.s32 $0x1BFF;
	s21 =	sshll.u32 s6, $0x1;
	s3 =	sadd.s32 s4, s19  }
0x9c: {  	s7 =	simm.s32 $0x0;
	s20 =	sshll.u32 s5, $0x1;
	s5 =	sadd.s32 s21, s3  }
0x9d: {  	[timem:s7], [sflag:s22] =	dma.local [hbm:s5], s20  }
0x9e: {  	_ =	swait.ge [sflag:s22], s20  }
0x9f: {  	s4 =	ssub.s32 $0x0, s20;
	[sflag:s22] =	ssyncset.done $0x0  }
0xa0: {  	[sflag:s22] =	ssyncadd.s32 s4;
	_ =	sdelay $0x1  }
0xa1: {  	s23 =	simm.s32 $0x1B8B  }
0xa2: {  	_ =	swait.ge [sflag:s23], $0x1  }
0xa3: {  	[sflag:s23] =	ssyncset.done $0x0  }
0xa4: {  	s25 =	simm.s32 $0x1B8E;
	s24 =	sld [smem:$0x3FFE];
	[sflag:s23] =	ssyncadd.s32 $0xFFFFFFFF  }
0xa5: {  	s26 =	simm.s32 $execute0_lowered;
	[smem:$0x3FD2] =	sst s25  }
0xa6: {  	s5 =	sshll.u32 s26, $0x1;
	_ =	strace $0x80000046;
	[dreg:$0x1] =	wrdreg $0xFFFFFFFF  }
0xa7: {  	s28 =	simm.s32 $_size_execute0_lowered;
	s3 =	sadd.s32 s3, s5;
	[dreg:$0x0] =	wrdreg $0x0  }
0xa8: {  	s5 =	sshll.u32 s28, $0x1;
	[dreg:$0x2] =	wrdreg s3  }
0xa9: {  	[dreg:$0x3] =	wrdreg s5  }
0xaa: {  	[dreg:$0x4] =	wrdreg $0xC0  }
0xab: {  	_ =	task [dreg:s7], $0x5FFFF  }
0xac: {  	[dreg:$0x1] =	wrdreg $0xFFFFFFFF  }
0xad: {  	[dreg:$0x0] =	wrdreg $0x60  }
0xae: {  	[dreg:$0x2] =	wrdreg s24  }
0xaf: {  	[dreg:$0x3] =	wrdreg s2  }
0xb0: {  	[dreg:$0x4] =	wrdreg $0x9  }
0xb1: {  	_ =	task.clear_ibuf [dreg:s7], $0x5FFFF;
	_ =	strace $0x90000046  }
0xb2: {  	s29 =	simm.s32 $0x9;
	_ =	strace $0x80000048  }
0xb3: {  	_ =	swait.ge [sflag:s29], $0x1  }
0xb4: {  	[sflag:s29] =	ssyncadd.s32 $0xFFFFFFFF  }
0xb5: {  	_ =	strace $0x90000048  }
0xb6: {  	_ =	sfence  }
0xb7: {  	s30 =	sld [smem:$0x0];
	_ =	sdelay $0x2  }
0xb8: {  	s31 =	sshll.u32 s1, $0xD;
	s1 =	sshrl.u32 s1, $0x2  }
0xb9: {  	s3 =	sand.u32 $0x4000, s31;
	s1 =	sadd.s32 s1, s30  }
0xba: {  	s0 =	sor.u32 s3, s0;
	s1 =	sshll.u32 s1, $0x11  }
0xbb: {  	s0 =	sor.u32 s1, s0  }
0xbc: {  	s0 =	sadd.s32 $0x8F2B, s0  }
0xbd: {  	[sflag:s0] =	ssyncadd.remote.s32 $0x1  }
0xbe: {  	_ =	sfence.sel $0xFFFF  }
0xbf: {  	[dreg:$0x0] =	wrdreg $0xFFFFFFFF;
	(pc) =	sbr.abs _section_cstart, $3  }
0xc0: {  	[dreg:$0x1] =	wrdreg $0xFFFFFFFF  }
0xc1: {  	_ =	task.clear_ibuf [dreg:s7], $0x2FFFF;
	_ =	strace $0x9FFFFFFF  }
0xc2: {  	(tm) =	ssettm $0x7FFFFFFF  }
0xc3: {  	_ =	shalt  }
tec
execute0_lowered:
.L_overlay_start_1:
0x0: {  	(tag) =	ssettag $0x1  }
0x1: {  	s0 =	srdreg.scid  }
0x2: {  	s4 =	rddreg [dreg:$0x0];
	s3 =	sand.u32 $0x1, s0  }
0x3: {  	s5 =	rddreg [dreg:$0x1];
	s0 =	stileid.u32;
	s1 =	sshll.u32 s3, $0x4  }
0x4: {  	s2 =	simm.s32 $0x0;
	s9 =	simm.s32 $0x400;
	s6 =	sor.u32 s0, s1  }
0x5: {  	s10 =	simm.s32 $0x0;
	[smem:$0x7FF] =	sst s2;
	s7 =	sshrl.u32 s6, $0x3  }
0x6: {  	s8 =	sshll.u32 s0, $0x7;
	s3 =	ssub.s32 $0x2, s3;
	s7 =	smul.u32 $0x13C00, s7  }
0x7: {  	s1 =	rddreg [dreg:$0x2];
	s8 =	sand.u32 $0x380, s8;
	s6 =	smul.u32 $0x4E2, s6  }
0x8: {  	_ =	strace $0x80000047;
	s31 =	sshrl.u32 s3, $0x1;
	s7 =	sor.u32 s8, s7  }
0x9: {  	s4 =	sadd.s32 s6, s4;
	s6 =	ssub.s32 s3, s31;
	s7 =	sshrl.u32 s7, $0x3  }
0xa: {  	s3 =	sadd.s32 $0x2800, s4;
	s8 =	simm.s32 $0x80;
	s4 =	sadd.s32 s5, s7  }
0xb: {  	v0 =	vimm.f32 $0.0e+00;
	v1 =	vimm.f32 $1.000000000e+00;
	s5 =	smax.u32 s6, $0x1;
	s6 =	simm.s32 $0x1;
	s7 =	simm.s32 $0x2780  }
.LBB2_1:
0xc: {  	[tilespmem:s2], [sflag:$0x1] =	stream.linear.gather [hbm4b:s3+s2], $0x2710, $0x38;
	[tilespmem:$0x4F00] =	vst v63  }
0xd: {  	_ =	swait.ge [sflag:s6], $0x2710  }
0xe: {  	[sflag:s6] =	ssyncset.done $0x0  }
0xf: {  	s11 =	simm.s32 $0x0;
	[sflag:s6] =	ssyncadd.s32 $0xFFFFD8F0  }
.LBB2_2:
0x10: {  	p0 =	sne.s32 s11, $0x9C00  }
.Ltmp0:
0x11: {  	_ = 	snop;
	(pc) =	sbr.rel @p0 .LBB2_2-.Ltmp0, $3  }
0x12: {  	_ =	sdelay $0x1  }
0x13: {  	s12 =	sshra.s32 s11, $0x2  }
0x14: {  	s11 =	sadd.s32 $0x40, s11;
	[tilespmem:s12+$0x2780] =	vst v0  }
0x15: {  	s12 =	simm.s32 $0x0;
	s11 =	simm.s32 $0x40  }
.LBB2_4:
0x16: {  	p0 =	sne.s32 s11, $0x9C00;
	v2 =	vld [tilespmem:s12+$0x0];
	_ =	sdelay $0x3  }
.Ltmp1:
0x17: {  	(pc) =	sbr.rel @p0 .LBB2_4-.Ltmp1, $2  }
0x18: {  	_ =	sdelay $0x2  }
0x19: {  	s12 =	sshra.s32 s11, $0x2;
	s11 =	sadd.s32 $0x40, s11;
	[tilespmem:v2+s7+$0x0] =	vst.idx.add.f32.msk $0xffff, v1  }
0x1a: {  	v2 =	vld [tilespmem:s12+$0x0];
	_ =	sdelay $0x5  }
0x1b: {  	s10 =	sadd.s32 $0x1, s10  }
0x1c: {  	p0 =	sne.s32 s10, s5  }
.Ltmp2:
0x1d: {  	[tilespmem:v2+s7+$0x0] =	vst.idx.add.f32.msk $0xffff, v1;
	(pc) =	sbr.rel @p0 .LBB2_1-.Ltmp2, $4  }
0x1e: {  	[hbm4b:s4+s8] =	stream.strided.scatter [tilespmem:s7], [sflag:$0x1], $0x2780, s9, s8, $0x38;
	[tilespmem:$0x4F00] =	vst v63  }
0x1f: {  	_ =	swait.ge [sflag:s6], $0x2780  }
0x20: {  	[sflag:s6] =	ssyncset.done $0x0  }
0x21: {  	[sflag:s6] =	ssyncadd.s32 $0xFFFFD880  }
0x22: {  	_ =	sfence.sel $0x180000  }
0x23: {  	[bflag:$0x0] =	sbarrier.arrive $0xFFFF  }
0x24: {  	p0 =	sne.s32 s0, $0x0;
	_ =	strace $0x90000047  }
0x25: {  	s0 =	sadd.s32 @!p0 $0x100000, s1;
	[bflag:$0x2] =	sbarrier.arrive $0xFFFF  }
0x26: {  	[sflag:s0] =	ssyncadd.tile.s32 @!p0 $0x1;
	_ =	shalt  }
.Lfunc_end2:
_tile_overlayer_lowered:
.L_overlay_start_2:
0x27: {  	(tag) =	ssettag $0x2  }
0x28: {  	s0 =	rddreg [dreg:$0x0];
	s2 =	stileid.u32  }
0x29: {  	s1 =	rddreg [dreg:$0x1];
	p0 =	sne.s32 s2, $0x0  }
0x2a: {  	s3 =	rddreg [dreg:$0x2];
	[bflag:$0x3] =	sbarrier.arrive $0xFFFF;
	s2 =	simm.s32 @!p0 $0x1C01  }
0x2b: {  	[timem:s3], [sflag:s2] =	dma.local @!p0 [hbm:s0], s1  }
0x2c: {  	s0 =	simm.s32 @!p0 $0x1  }
0x2d: {  	_ =	swait.ge @!p0 [sflag:s0], s1  }
0x2e: {  	s1 =	ssub.s32 @!p0 $0x0, s1;
	[sflag:s0] =	ssyncset.done @!p0 $0x0  }
0x2f: {  	[sflag:s0] =	ssyncadd.s32 @!p0 s1  }
0x30: {  	[bflag:$0x3] =	sbarrier.arrive $0xFFFF  }
0x31: {  	_ =	shalt  }

</sc_bundles>
